<compile_context>
chip_gen: v7x
topology: tpu7x:2x2x1
jax: 0.10.2.dev20260603
libtpu: 0.0.44.dev20260713+nightly
codegen_flags: <defaults>
</compile_context>

<pallas_src>
import functools

import jax
import jax.numpy as jnp
from jax import lax
from jax.experimental import pallas as pl
from jax.experimental.pallas import tpu as pltpu
from jax.experimental.pallas import tpu_sc as plsc

_V = 1000
_N = 51200
_NC = 2
_NS = 16
_NW = _NC * _NS
_CW = 32
_K = 1280
_NK = _N // _K
_KBUF = 2
_ROWS_W = _N // _NW


def _lse_body(t_ref, o_ref, tt_ref):
    x = t_ref[...]
    m = jnp.max(x, axis=1, keepdims=True)
    s = jnp.sum(jnp.exp(x - m), axis=1, keepdims=True)
    o_ref[...] = m + jnp.log(s)
    tt_ref[...] = x.T


def _finalize_body(p_ref, o_ref):
    o_ref[...] = (jnp.sum(p_ref[...]) * (1.0 / _N)).reshape(1, 1)


def _make_sc_colgather():
    mesh = plsc.VectorSubcoreMesh(core_axis_name="c", subcore_axis_name="s")

    @functools.partial(
        pl.kernel,
        mesh=mesh,
        compiler_params=pltpu.CompilerParams(needs_layout_passes=False),
        out_type=[jax.ShapeDtypeStruct((_V, _N), jnp.float32),
                  jax.ShapeDtypeStruct((_NW, 16), jnp.float32)],
        scratch_types=(
            [pltpu.VMEM((_CW * _V,), jnp.float32),
             pltpu.VMEM((_ROWS_W,), jnp.int32),
             pltpu.VMEM((_ROWS_W,), jnp.int32),
             pltpu.VMEM((_ROWS_W,), jnp.float32),
             pltpu.VMEM((_ROWS_W,), jnp.float32),
             pltpu.VMEM((16,), jnp.float32)]
            + [pltpu.VMEM((_K,), jnp.int32) for _ in range(_KBUF)]
            + [pltpu.VMEM((_CW, _K), jnp.float32) for _ in range(_KBUF)]
            + [pltpu.SemaphoreType.DMA for _ in range(3)]
            + [pltpu.SemaphoreType.DMA for _ in range(2 * _KBUF)]
        ),
    )
    def sc_colgather(idx_hbm, tgt_hbm, lse_hbm, ttabf_hbm,
                     out_hbm, part_hbm,
                     tt_v, idx_v, fidx_v, lsei_v, tel_v, acc_v,
                     *rest):
        idxcs = rest[:_KBUF]
        bufs = rest[_KBUF:2 * _KBUF]
        esem1, esem2, tsem = rest[2 * _KBUF:2 * _KBUF + 3]
        isems = rest[2 * _KBUF + 3:2 * _KBUF + 3 + _KBUF]
        wsems = rest[2 * _KBUF + 3 + _KBUF:2 * _KBUF + 3 + 2 * _KBUF]

        wid = lax.axis_index("s") * _NC + lax.axis_index("c")

        base = wid * _ROWS_W
        pltpu.sync_copy(idx_hbm.at[pl.ds(base, _ROWS_W)], idx_v)
        pltpu.sync_copy(tgt_hbm.at[pl.ds(base, _ROWS_W)], fidx_v)

        def fidx_body(i, carry):
            p = i * 16
            fidx_v[pl.ds(p, 16)] = (fidx_v[pl.ds(p, 16)] * _V
                                    + idx_v[pl.ds(p, 16)])
            return carry

        lax.fori_loop(0, _ROWS_W // 16, fidx_body, 0)
        e1 = pltpu.make_async_copy(lse_hbm.at[idx_v], lsei_v, esem1)
        e1.start()
        e2 = pltpu.make_async_copy(ttabf_hbm.at[fidx_v], tel_v, esem2)
        e2.start()

        c0 = jnp.minimum(wid * _CW, _V - _CW)
        pltpu.async_copy(ttabf_hbm.at[pl.ds(c0 * _V, _CW * _V)], tt_v,
                         tsem).wait()

        def idx_desc(k, j):
            return pltpu.make_async_copy(
                idx_hbm.at[pl.ds(k * _K, _K)], idxcs[j], isems[j])

        def write_desc(k, j):
            return pltpu.make_async_copy(
                bufs[j],
                out_hbm.at[pl.ds(c0, _CW), pl.ds(k * _K, _K)], wsems[j])

        def do_chunk(k, j):
            idx_desc(k, j).wait()

            @pl.when(k >= _KBUF)
            def _():
                write_desc(k, j).wait()

            @plsc.parallel_loop(0, _K // 16, unroll=2)
            def kv_body(kv):
                p = kv * 16
                iv = idxcs[j][pl.ds(p, 16)]
                for cc in range(_CW):
                    bufs[j][cc, pl.ds(p, 16)] = plsc.load_gather(
                        tt_v, [iv + cc * _V])

            write_desc(k, j).start()
            @pl.when(k + _KBUF < _NK)
            def _():
                idx_desc(k + _KBUF, j).start()

        for p in range(_KBUF):
            idx_desc(p, p).start()

        def body(i, carry):
            k0 = i * _KBUF
            for j in range(_KBUF):
                do_chunk(k0 + j, j)
            return carry

        lax.fori_loop(0, _NK // _KBUF, body, 0)
        for t in range(_NK - _KBUF, _NK):
            write_desc(t, t % _KBUF).wait()

        e1.wait()
        e2.wait()
        acc_v[...] = jnp.zeros((16,), jnp.float32)

        def acc_body(i, carry):
            p = i * 16
            acc_v[...] = acc_v[...] + (lsei_v[pl.ds(p, 16)]
                                       - tel_v[pl.ds(p, 16)])
            return carry

        lax.fori_loop(0, _ROWS_W // 16, acc_body, 0)
        pltpu.sync_copy(acc_v, part_hbm.at[wid])

    return sc_colgather


_sc_colgather = _make_sc_colgather()


def kernel(idx, targets, table):
    idxf = idx.reshape(-1).astype(jnp.int32)
    tgtf = targets.reshape(-1).astype(jnp.int32)
    lse2d, ttab = pl.pallas_call(
        _lse_body,
        out_shape=[jax.ShapeDtypeStruct((_V, 1), jnp.float32),
                   jax.ShapeDtypeStruct((_V, _V), jnp.float32)],
    )(table)
    lse = lse2d.reshape(_V)
    ttabf = ttab.reshape(-1)
    logits2d_t, part = _sc_colgather(idxf, tgtf, lse, ttabf)
    logits2d = logits2d_t.T
    loss = pl.pallas_call(
        _finalize_body,
        out_shape=jax.ShapeDtypeStruct((1, 1), jnp.float32),
    )(part)
    return (logits2d, loss.reshape(()))

# --- scband reference (transcript-rebuilt; emitter-appended) ---
"""Pipeline reference for scband-bigram-language-model-48052094107967 (READ-ONLY COPY).

The authoritative reference and input builder live on the scoring server;
editing this copy changes nothing except your own understanding.
"""

import jax, jax.numpy as jnp
import numpy as np

VOCAB = 1000
B, T = 1024, 50


def setup_inputs(seed: int = 0) -> dict:
    key = jax.random.key(seed)
    k1, k2, k3 = jax.random.split(key, 3)
    idx = jax.random.randint(k1, (B, T), 0, VOCAB, dtype=jnp.int64 if jax.config.jax_enable_x64 else jnp.int32)
    targets = jax.random.randint(k2, (B, T), 0, VOCAB, dtype=jnp.int64 if jax.config.jax_enable_x64 else jnp.int32)
    # learned parameter: nn.Embedding(vocab_size, vocab_size) -> N(0,1) init
    table = jax.random.normal(k3, (VOCAB, VOCAB), dtype=jnp.float32)
    return {"idx": idx, "targets": targets, "table": table}


def reference(idx, targets, table):
    # logits = token_embedding_table(idx)
    logits = jnp.take(table, idx, axis=0)  # [B, T, V]
    Bv, Tv, Cv = logits.shape
    logits2d = logits.reshape(Bv * Tv, Cv)
    tgt = targets.reshape(Bv * Tv)
    # F.cross_entropy: mean of -log_softmax(logits)[target]
    logp = jax.nn.log_softmax(logits2d, axis=-1)
    nll = -jnp.take_along_axis(logp, tgt[:, None], axis=1)[:, 0]
    loss = jnp.mean(nll)
    return (logits2d, loss)

if __name__ == "__main__":
    import jax
    _d = setup_inputs()
    print(jax.jit(kernel)(*tuple(_d.values())))

</pallas_src>

<mosaic_0001>
#map = affine_map<(d0, d1) -> (0)>
#map1 = affine_map<(d0, d1) -> (0, 0)>
module attributes {stable_mosaic.version = 14 : i64} {
  func.func @sc_colgather(%arg0: i32, %arg1: i32, %arg2: memref<51200xi32, #tpu.memory_space<hbm>>, %arg3: memref<51200xi32, #tpu.memory_space<hbm>>, %arg4: memref<1000xf32, #tpu.memory_space<hbm>>, %arg5: memref<1000000xf32, #tpu.memory_space<hbm>>, %arg6: memref<1000x51200xf32, #tpu.memory_space<hbm>>, %arg7: memref<32x16xf32, #tpu.memory_space<hbm>>, %arg8: memref<32000xf32, #tpu.memory_space<vmem>>, %arg9: memref<1600xi32, #tpu.memory_space<vmem>>, %arg10: memref<1600xi32, #tpu.memory_space<vmem>>, %arg11: memref<1600xf32, #tpu.memory_space<vmem>>, %arg12: memref<1600xf32, #tpu.memory_space<vmem>>, %arg13: memref<16xf32, #tpu.memory_space<vmem>>, %arg14: memref<1280xi32, #tpu.memory_space<vmem>>, %arg15: memref<1280xi32, #tpu.memory_space<vmem>>, %arg16: memref<32x1280xf32, #tpu.memory_space<vmem>>, %arg17: memref<32x1280xf32, #tpu.memory_space<vmem>>, %arg18: memref<!tpu.dma_semaphore, #tpu.memory_space<semaphore_mem>>, %arg19: memref<!tpu.dma_semaphore, #tpu.memory_space<semaphore_mem>>, %arg20: memref<!tpu.dma_semaphore, #tpu.memory_space<semaphore_mem>>, %arg21: memref<!tpu.dma_semaphore, #tpu.memory_space<semaphore_mem>>, %arg22: memref<!tpu.dma_semaphore, #tpu.memory_space<semaphore_mem>>, %arg23: memref<!tpu.dma_semaphore, #tpu.memory_space<semaphore_mem>>, %arg24: memref<!tpu.dma_semaphore, #tpu.memory_space<semaphore_mem>>) attributes {dimension_semantics = [#tpu.dimension_semantics<core_parallel>, #tpu.dimension_semantics<subcore_parallel>], iteration_bounds = array<i64: 2, 16>, scalar_prefetch = 0 : i64, scratch_operands = 17 : i64, tpu.core_type = #tpu.core_type<sc_vector_subcore>, window_params = [{transform_indices = #map}, {transform_indices = #map}, {transform_indices = #map}, {transform_indices = #map}, {transform_indices = #map1}, {transform_indices = #map1}]} {
    %mul3A = arith.constant 2 : i32
    %mul3A_0 = arith.muli %arg1, %mul3A : i32
    %add3A = arith.addi %mul3A_0, %arg0 : i32
    %mul3A_1 = arith.constant 1600 : i32
    %mul3A_2 = arith.muli %add3A, %mul3A_1 : i32
    "tpu.region"() ({
      %run_scoped3A = tpu.sem_alloc : memref<!tpu.dma_semaphore, #tpu.memory_space<semaphore_mem>>
      %dma_start3A_53 = tpu.memref_slice %arg2[%mul3A_2] : memref<51200xi32, #tpu.memory_space<hbm>> -> memref<1600xi32, #tpu.memory_space<hbm>>
      %dma_start3A_54 = tpu.memref_slice %arg2[%mul3A_2] : memref<51200xi32, #tpu.memory_space<hbm>> -> memref<1600xi32, #tpu.memory_space<hbm>>
      tpu.enqueue_dma source(%dma_start3A_54 : memref<1600xi32, #tpu.memory_space<hbm>>) target(%arg9 : memref<1600xi32, #tpu.memory_space<vmem>>) target_semaphore(%run_scoped3A : memref<!tpu.dma_semaphore, #tpu.memory_space<semaphore_mem>>)
      %dma_wait3A_55 = tpu.memref_slice %arg2[%mul3A_2] : memref<51200xi32, #tpu.memory_space<hbm>> -> memref<1600xi32, #tpu.memory_space<hbm>>
      %dma_wait3A_56 = tpu.memref_slice %arg2[%mul3A_2] : memref<51200xi32, #tpu.memory_space<hbm>> -> memref<1600xi32, #tpu.memory_space<hbm>>
      tpu.wait_dma2 semaphore(%run_scoped3A : memref<!tpu.dma_semaphore, #tpu.memory_space<semaphore_mem>>) src(%dma_wait3A_56 : memref<1600xi32, #tpu.memory_space<hbm>>) dst(%arg9 : memref<1600xi32, #tpu.memory_space<vmem>>)
      tpu.yield
    }) : () -> ()
    "tpu.region"() ({
      %run_scoped3A = tpu.sem_alloc : memref<!tpu.dma_semaphore, #tpu.memory_space<semaphore_mem>>
      %dma_start3A_53 = tpu.memref_slice %arg3[%mul3A_2] : memref<51200xi32, #tpu.memory_space<hbm>> -> memref<1600xi32, #tpu.memory_space<hbm>>
      %dma_start3A_54 = tpu.memref_slice %arg3[%mul3A_2] : memref<51200xi32, #tpu.memory_space<hbm>> -> memref<1600xi32, #tpu.memory_space<hbm>>
      tpu.enqueue_dma source(%dma_start3A_54 : memref<1600xi32, #tpu.memory_space<hbm>>) target(%arg10 : memref<1600xi32, #tpu.memory_space<vmem>>) target_semaphore(%run_scoped3A : memref<!tpu.dma_semaphore, #tpu.memory_space<semaphore_mem>>)
      %dma_wait3A_55 = tpu.memref_slice %arg3[%mul3A_2] : memref<51200xi32, #tpu.memory_space<hbm>> -> memref<1600xi32, #tpu.memory_space<hbm>>
      %dma_wait3A_56 = tpu.memref_slice %arg3[%mul3A_2] : memref<51200xi32, #tpu.memory_space<hbm>> -> memref<1600xi32, #tpu.memory_space<hbm>>
      tpu.wait_dma2 semaphore(%run_scoped3A : memref<!tpu.dma_semaphore, #tpu.memory_space<semaphore_mem>>) src(%dma_wait3A_56 : memref<1600xi32, #tpu.memory_space<hbm>>) dst(%arg10 : memref<1600xi32, #tpu.memory_space<vmem>>)
      tpu.yield
    }) : () -> ()
    %scan3A = arith.constant 0 : i32
    %scan3A_3 = arith.constant 0 : i32
    %scan3A_4 = arith.constant 100 : i32
    %scan3A_5 = arith.addi %scan3A_3, %scan3A_4 : i32
    %scan3A_6 = arith.constant 1 : i32
    scf.for %scan3A_53 = %scan3A_3 to %scan3A_5 step %scan3A_6  : i32 {
      %mul3A_54 = arith.constant 16 : i32
      %mul3A_55 = arith.muli %scan3A_53, %mul3A_54 : i32
      %get3A = arith.index_cast %mul3A_55 : i32 to index
      %get3A_56 = tpu.vector_load %arg10[%get3A] {strides = array<i32>} : memref<1600xi32, #tpu.memory_space<vmem>>, vector<16xi32>,
      %mul3A_57 = arith.constant 1000 : i32
      %mul3A_58 = vector.broadcast %mul3A_57 : i32 to vector<16xi32>
      %mul3A_59 = arith.muli %get3A_56, %mul3A_58 : vector<16xi32>
      %get3A_60 = arith.index_cast %mul3A_55 : i32 to index
      %get3A_61 = tpu.vector_load %arg9[%get3A_60] {strides = array<i32>} : memref<1600xi32, #tpu.memory_space<vmem>>, vector<16xi32>,
      %add3A_62 = arith.addi %mul3A_59, %get3A_61 : vector<16xi32>
      %swap3A_63 = arith.index_cast %mul3A_55 : i32 to index
      %swap3A_64 = tpu.vector_load %arg10[%swap3A_63] {strides = array<i32>} : memref<1600xi32, #tpu.memory_space<vmem>>, vector<16xi32>,
      tpu.vector_store %arg10[%swap3A_63], %add3A_62 {strides = array<i32>} : memref<1600xi32, #tpu.memory_space<vmem>>, vector<16xi32>,
    }
    %scan3A_7 = arith.constant 100 : i32
    %dma_start3A = arith.constant 0 : i32
    %dma_start3A_8 = tpu.memref_slice %arg4[%dma_start3A] : memref<1000xf32, #tpu.memory_space<hbm>> -> memref<1000xf32, #tpu.memory_space<hbm>>
    tpu.enqueue_indirect_dma source(%dma_start3A_8 : memref<1000xf32, #tpu.memory_space<hbm>>) target(%arg11 : memref<1600xf32, #tpu.memory_space<vmem>>) offsets(%arg9 : memref<1600xi32, #tpu.memory_space<vmem>>) semaphore(%arg18 : memref<!tpu.dma_semaphore, #tpu.memory_space<semaphore_mem>>)
    %dma_start3A_9 = arith.constant 0 : i32
    %dma_start3A_10 = tpu.memref_slice %arg5[%dma_start3A_9] : memref<1000000xf32, #tpu.memory_space<hbm>> -> memref<1000000xf32, #tpu.memory_space<hbm>>
    tpu.enqueue_indirect_dma source(%dma_start3A_10 : memref<1000000xf32, #tpu.memory_space<hbm>>) target(%arg12 : memref<1600xf32, #tpu.memory_space<vmem>>) offsets(%arg10 : memref<1600xi32, #tpu.memory_space<vmem>>) semaphore(%arg19 : memref<!tpu.dma_semaphore, #tpu.memory_space<semaphore_mem>>)
    %mul3A_11 = arith.constant 32 : i32
    %mul3A_12 = arith.muli %add3A, %mul3A_11 : i32
    %min3A = arith.constant 968 : i32
    %min3A_13 = arith.minsi %mul3A_12, %min3A : i32
    %mul3A_14 = arith.constant 1000 : i32
    %mul3A_15 = arith.muli %min3A_13, %mul3A_14 : i32
    %dma_start3A_16 = tpu.memref_slice %arg5[%mul3A_15] : memref<1000000xf32, #tpu.memory_space<hbm>> -> memref<32000xf32, #tpu.memory_space<hbm>>
    %dma_start3A_17 = tpu.memref_slice %arg5[%mul3A_15] : memref<1000000xf32, #tpu.memory_space<hbm>> -> memref<32000xf32, #tpu.memory_space<hbm>>
    tpu.enqueue_dma source(%dma_start3A_17 : memref<32000xf32, #tpu.memory_space<hbm>>) target(%arg8 : memref<32000xf32, #tpu.memory_space<vmem>>) target_semaphore(%arg20 : memref<!tpu.dma_semaphore, #tpu.memory_space<semaphore_mem>>)
    %dma_wait3A = tpu.memref_slice %arg5[%mul3A_15] : memref<1000000xf32, #tpu.memory_space<hbm>> -> memref<32000xf32, #tpu.memory_space<hbm>>
    %dma_wait3A_18 = tpu.memref_slice %arg5[%mul3A_15] : memref<1000000xf32, #tpu.memory_space<hbm>> -> memref<32000xf32, #tpu.memory_space<hbm>>
    tpu.wait_dma2 semaphore(%arg20 : memref<!tpu.dma_semaphore, #tpu.memory_space<semaphore_mem>>) src(%dma_wait3A_18 : memref<32000xf32, #tpu.memory_space<hbm>>) dst(%arg8 : memref<32000xf32, #tpu.memory_space<vmem>>)
    %dma_start3A_19 = arith.constant 0 : i32
    %dma_start3A_20 = tpu.memref_slice %arg2[%dma_start3A_19] : memref<51200xi32, #tpu.memory_space<hbm>> -> memref<1280xi32, #tpu.memory_space<hbm>>
    %dma_start3A_21 = arith.constant 0 : i32
    %dma_start3A_22 = tpu.memref_slice %arg2[%dma_start3A_21] : memref<51200xi32, #tpu.memory_space<hbm>> -> memref<1280xi32, #tpu.memory_space<hbm>>
    tpu.enqueue_dma source(%dma_start3A_22 : memref<1280xi32, #tpu.memory_space<hbm>>) target(%arg14 : memref<1280xi32, #tpu.memory_space<vmem>>) target_semaphore(%arg21 : memref<!tpu.dma_semaphore, #tpu.memory_space<semaphore_mem>>)
    %dma_start3A_23 = arith.constant 1280 : i32
    %dma_start3A_24 = tpu.memref_slice %arg2[%dma_start3A_23] : memref<51200xi32, #tpu.memory_space<hbm>> -> memref<1280xi32, #tpu.memory_space<hbm>>
    %dma_start3A_25 = arith.constant 1280 : i32
    %dma_start3A_26 = tpu.memref_slice %arg2[%dma_start3A_25] : memref<51200xi32, #tpu.memory_space<hbm>> -> memref<1280xi32, #tpu.memory_space<hbm>>
    tpu.enqueue_dma source(%dma_start3A_26 : memref<1280xi32, #tpu.memory_space<hbm>>) target(%arg15 : memref<1280xi32, #tpu.memory_space<vmem>>) target_semaphore(%arg22 : memref<!tpu.dma_semaphore, #tpu.memory_space<semaphore_mem>>)
    %scan3A_27 = arith.constant 0 : i32
    %scan3A_28 = arith.constant 0 : i32
    %scan3A_29 = arith.constant 20 : i32
    %scan3A_30 = arith.addi %scan3A_28, %scan3A_29 : i32
    %scan3A_31 = arith.constant 1 : i32
    scf.for %scan3A_53 = %scan3A_28 to %scan3A_30 step %scan3A_31  : i32 {
      %mul3A_54 = arith.constant 2 : i32
      %mul3A_55 = arith.muli %scan3A_53, %mul3A_54 : i32
      %add3A_56 = arith.constant 0 : i32
      %add3A_57 = arith.addi %mul3A_55, %add3A_56 : i32
      %mul3A_58 = arith.constant 1280 : i32
      %mul3A_59 = arith.muli %add3A_57, %mul3A_58 : i32
      %dma_wait3A_60 = tpu.memref_slice %arg2[%mul3A_59] : memref<51200xi32, #tpu.memory_space<hbm>> -> memref<1280xi32, #tpu.memory_space<hbm>>
      %dma_wait3A_61 = tpu.memref_slice %arg2[%mul3A_59] : memref<51200xi32, #tpu.memory_space<hbm>> -> memref<1280xi32, #tpu.memory_space<hbm>>
      tpu.wait_dma2 semaphore(%arg21 : memref<!tpu.dma_semaphore, #tpu.memory_space<semaphore_mem>>) src(%dma_wait3A_61 : memref<1280xi32, #tpu.memory_space<hbm>>) dst(%arg14 : memref<1280xi32, #tpu.memory_space<vmem>>)
      %ge3A = arith.constant 2 : i32
      %ge3A_62 = arith.cmpi sge, %add3A_57, %ge3A : i32
      %convert_element_type3A = arith.extui %ge3A_62 : i1 to i32
      %cond3A = arith.constant 0 : i32
      %cond3A_63 = arith.cmpi ne, %convert_element_type3A, %cond3A : i32
      scf.if %cond3A_63 {
        %mul3A_101 = arith.constant 1280 : i32
        %mul3A_102 = arith.muli %add3A_57, %mul3A_101 : i32
        %dma_wait3A_103 = tpu.memref_slice %arg6[%min3A_13, %mul3A_102] : memref<1000x51200xf32, #tpu.memory_space<hbm>> -> memref<32x1280xf32, #tpu.memory_space<hbm>>
        %dma_wait3A_104 = tpu.memref_slice %arg6[%min3A_13, %mul3A_102] : memref<1000x51200xf32, #tpu.memory_space<hbm>> -> memref<32x1280xf32, #tpu.memory_space<hbm>>
        tpu.wait_dma2 semaphore(%arg23 : memref<!tpu.dma_semaphore, #tpu.memory_space<semaphore_mem>>) src(%arg16 : memref<32x1280xf32, #tpu.memory_space<vmem>>) dst(%dma_wait3A_104 : memref<32x1280xf32, #tpu.memory_space<hbm>>)
      } else {
      }
      %parallel_loop3A = arith.constant 0 : i32
      %parallel_loop3A_64 = arith.constant 80 : i32
      %parallel_loop3A_65 = arith.constant 1 : i32
      scf.for %parallel_loop3A_101 = %parallel_loop3A to %parallel_loop3A_64 step %parallel_loop3A_65  : i32 {
        %parallel_loop3A_102 = arith.constant 16 : i32
        %parallel_loop3A_103 = arith.muli %parallel_loop3A_101, %parallel_loop3A_102 : i32
        %parallel_loop3A_104 = arith.index_cast %parallel_loop3A_103 : i32 to index
        %parallel_loop3A_105 = tpu.vector_load %arg14[%parallel_loop3A_104] {strides = array<i32>} : memref<1280xi32, #tpu.memory_space<vmem>>, vector<16xi32>,
        %parallel_loop3A_106 = arith.constant 0 : i32
        %parallel_loop3A_107 = vector.broadcast %parallel_loop3A_106 : i32 to vector<16xi32>
        %parallel_loop3A_108 = arith.addi %parallel_loop3A_105, %parallel_loop3A_107 : vector<16xi32>
        %parallel_loop3A_109 = tpu.vector_load_idx %arg8[%parallel_loop3A_108] : memref<32000xf32, #tpu.memory_space<vmem>>[vector<16xi32>], vector<16xf32>,
        %parallel_loop3A_110 = arith.constant 0 : i32
        %parallel_loop3A_111 = arith.index_cast %parallel_loop3A_110 : i32 to index
        %parallel_loop3A_112 = arith.index_cast %parallel_loop3A_103 : i32 to index
        %parallel_loop3A_113 = tpu.vector_load %arg16[%parallel_loop3A_111, %parallel_loop3A_112] {strides = array<i32>} : memref<32x1280xf32, #tpu.memory_space<vmem>>, vector<16xf32>,
        tpu.vector_store %arg16[%parallel_loop3A_111, %parallel_loop3A_112], %parallel_loop3A_109 {strides = array<i32>} : memref<32x1280xf32, #tpu.memory_space<vmem>>, vector<16xf32>,
        %parallel_loop3A_114 = arith.constant 1000 : i32
        %parallel_loop3A_115 = vector.broadcast %parallel_loop3A_114 : i32 to vector<16xi32>
        %parallel_loop3A_116 = arith.addi %parallel_loop3A_105, %parallel_loop3A_115 : vector<16xi32>
        %parallel_loop3A_117 = tpu.vector_load_idx %arg8[%parallel_loop3A_116] : memref<32000xf32, #tpu.memory_space<vmem>>[vector<16xi32>], vector<16xf32>,
        %parallel_loop3A_118 = arith.constant 1 : i32
        %parallel_loop3A_119 = arith.index_cast %parallel_loop3A_118 : i32 to index
        %parallel_loop3A_120 = arith.index_cast %parallel_loop3A_103 : i32 to index
        %parallel_loop3A_121 = tpu.vector_load %arg16[%parallel_loop3A_119, %parallel_loop3A_120] {strides = array<i32>} : memref<32x1280xf32, #tpu.memory_space<vmem>>, vector<16xf32>,
        tpu.vector_store %arg16[%parallel_loop3A_119, %parallel_loop3A_120], %parallel_loop3A_117 {strides = array<i32>} : memref<32x1280xf32, #tpu.memory_space<vmem>>, vector<16xf32>,
        %parallel_loop3A_122 = arith.constant 2000 : i32
        %parallel_loop3A_123 = vector.broadcast %parallel_loop3A_122 : i32 to vector<16xi32>
        %parallel_loop3A_124 = arith.addi %parallel_loop3A_105, %parallel_loop3A_123 : vector<16xi32>
        %parallel_loop3A_125 = tpu.vector_load_idx %arg8[%parallel_loop3A_124] : memref<32000xf32, #tpu.memory_space<vmem>>[vector<16xi32>], vector<16xf32>,
        %parallel_loop3A_126 = arith.constant 2 : i32
        %parallel_loop3A_127 = arith.index_cast %parallel_loop3A_126 : i32 to index
        %parallel_loop3A_128 = arith.index_cast %parallel_loop3A_103 : i32 to index
        %parallel_loop3A_129 = tpu.vector_load %arg16[%parallel_loop3A_127, %parallel_loop3A_128] {strides = array<i32>} : memref<32x1280xf32, #tpu.memory_space<vmem>>, vector<16xf32>,
        tpu.vector_store %arg16[%parallel_loop3A_127, %parallel_loop3A_128], %parallel_loop3A_125 {strides = array<i32>} : memref<32x1280xf32, #tpu.memory_space<vmem>>, vector<16xf32>,
        %parallel_loop3A_130 = arith.constant 3000 : i32
        %parallel_loop3A_131 = vector.broadcast %parallel_loop3A_130 : i32 to vector<16xi32>
        %parallel_loop3A_132 = arith.addi %parallel_loop3A_105, %parallel_loop3A_131 : vector<16xi32>
        %parallel_loop3A_133 = tpu.vector_load_idx %arg8[%parallel_loop3A_132] : memref<32000xf32, #tpu.memory_space<vmem>>[vector<16xi32>], vector<16xf32>,
        %parallel_loop3A_134 = arith.constant 3 : i32
        %parallel_loop3A_135 = arith.index_cast %parallel_loop3A_134 : i32 to index
        %parallel_loop3A_136 = arith.index_cast %parallel_loop3A_103 : i32 to index
        %parallel_loop3A_137 = tpu.vector_load %arg16[%parallel_loop3A_135, %parallel_loop3A_136] {strides = array<i32>} : memref<32x1280xf32, #tpu.memory_space<vmem>>, vector<16xf32>,
        tpu.vector_store %arg16[%parallel_loop3A_135, %parallel_loop3A_136], %parallel_loop3A_133 {strides = array<i32>} : memref<32x1280xf32, #tpu.memory_space<vmem>>, vector<16xf32>,
        %parallel_loop3A_138 = arith.constant 4000 : i32
        %parallel_loop3A_139 = vector.broadcast %parallel_loop3A_138 : i32 to vector<16xi32>
        %parallel_loop3A_140 = arith.addi %parallel_loop3A_105, %parallel_loop3A_139 : vector<16xi32>
        %parallel_loop3A_141 = tpu.vector_load_idx %arg8[%parallel_loop3A_140] : memref<32000xf32, #tpu.memory_space<vmem>>[vector<16xi32>], vector<16xf32>,
        %parallel_loop3A_142 = arith.constant 4 : i32
        %parallel_loop3A_143 = arith.index_cast %parallel_loop3A_142 : i32 to index
        %parallel_loop3A_144 = arith.index_cast %parallel_loop3A_103 : i32 to index
        %parallel_loop3A_145 = tpu.vector_load %arg16[%parallel_loop3A_143, %parallel_loop3A_144] {strides = array<i32>} : memref<32x1280xf32, #tpu.memory_space<vmem>>, vector<16xf32>,
        tpu.vector_store %arg16[%parallel_loop3A_143, %parallel_loop3A_144], %parallel_loop3A_141 {strides = array<i32>} : memref<32x1280xf32, #tpu.memory_space<vmem>>, vector<16xf32>,
        %parallel_loop3A_146 = arith.constant 5000 : i32
        %parallel_loop3A_147 = vector.broadcast %parallel_loop3A_146 : i32 to vector<16xi32>
        %parallel_loop3A_148 = arith.addi %parallel_loop3A_105, %parallel_loop3A_147 : vector<16xi32>
        %parallel_loop3A_149 = tpu.vector_load_idx %arg8[%parallel_loop3A_148] : memref<32000xf32, #tpu.memory_space<vmem>>[vector<16xi32>], vector<16xf32>,
        %parallel_loop3A_150 = arith.constant 5 : i32
        %parallel_loop3A_151 = arith.index_cast %parallel_loop3A_150 : i32 to index
        %parallel_loop3A_152 = arith.index_cast %parallel_loop3A_103 : i32 to index
        %parallel_loop3A_153 = tpu.vector_load %arg16[%parallel_loop3A_151, %parallel_loop3A_152] {strides = array<i32>} : memref<32x1280xf32, #tpu.memory_space<vmem>>, vector<16xf32>,
        tpu.vector_store %arg16[%parallel_loop3A_151, %parallel_loop3A_152], %parallel_loop3A_149 {strides = array<i32>} : memref<32x1280xf32, #tpu.memory_space<vmem>>, vector<16xf32>,
        %parallel_loop3A_154 = arith.constant 6000 : i32
        %parallel_loop3A_155 = vector.broadcast %parallel_loop3A_154 : i32 to vector<16xi32>
        %parallel_loop3A_156 = arith.addi %parallel_loop3A_105, %parallel_loop3A_155 : vector<16xi32>
        %parallel_loop3A_157 = tpu.vector_load_idx %arg8[%parallel_loop3A_156] : memref<32000xf32, #tpu.memory_space<vmem>>[vector<16xi32>], vector<16xf32>,
        %parallel_loop3A_158 = arith.constant 6 : i32
        %parallel_loop3A_159 = arith.index_cast %parallel_loop3A_158 : i32 to index
        %parallel_loop3A_160 = arith.index_cast %parallel_loop3A_103 : i32 to index
        %parallel_loop3A_161 = tpu.vector_load %arg16[%parallel_loop3A_159, %parallel_loop3A_160] {strides = array<i32>} : memref<32x1280xf32, #tpu.memory_space<vmem>>, vector<16xf32>,
        tpu.vector_store %arg16[%parallel_loop3A_159, %parallel_loop3A_160], %parallel_loop3A_157 {strides = array<i32>} : memref<32x1280xf32, #tpu.memory_space<vmem>>, vector<16xf32>,
        %parallel_loop3A_162 = arith.constant 7000 : i32
        %parallel_loop3A_163 = vector.broadcast %parallel_loop3A_162 : i32 to vector<16xi32>
        %parallel_loop3A_164 = arith.addi %parallel_loop3A_105, %parallel_loop3A_163 : vector<16xi32>
        %parallel_loop3A_165 = tpu.vector_load_idx %arg8[%parallel_loop3A_164] : memref<32000xf32, #tpu.memory_space<vmem>>[vector<16xi32>], vector<16xf32>,
        %parallel_loop3A_166 = arith.constant 7 : i32
        %parallel_loop3A_167 = arith.index_cast %parallel_loop3A_166 : i32 to index
        %parallel_loop3A_168 = arith.index_cast %parallel_loop3A_103 : i32 to index
        %parallel_loop3A_169 = tpu.vector_load %arg16[%parallel_loop3A_167, %parallel_loop3A_168] {strides = array<i32>} : memref<32x1280xf32, #tpu.memory_space<vmem>>, vector<16xf32>,
        tpu.vector_store %arg16[%parallel_loop3A_167, %parallel_loop3A_168], %parallel_loop3A_165 {strides = array<i32>} : memref<32x1280xf32, #tpu.memory_space<vmem>>, vector<16xf32>,
        %parallel_loop3A_170 = arith.constant 8000 : i32
        %parallel_loop3A_171 = vector.broadcast %parallel_loop3A_170 : i32 to vector<16xi32>
        %parallel_loop3A_172 = arith.addi %parallel_loop3A_105, %parallel_loop3A_171 : vector<16xi32>
        %parallel_loop3A_173 = tpu.vector_load_idx %arg8[%parallel_loop3A_172] : memref<32000xf32, #tpu.memory_space<vmem>>[vector<16xi32>], vector<16xf32>,
        %parallel_loop3A_174 = arith.constant 8 : i32
        %parallel_loop3A_175 = arith.index_cast %parallel_loop3A_174 : i32 to index
        %parallel_loop3A_176 = arith.index_cast %parallel_loop3A_103 : i32 to index
        %parallel_loop3A_177 = tpu.vector_load %arg16[%parallel_loop3A_175, %parallel_loop3A_176] {strides = array<i32>} : memref<32x1280xf32, #tpu.memory_space<vmem>>, vector<16xf32>,
        tpu.vector_store %arg16[%parallel_loop3A_175, %parallel_loop3A_176], %parallel_loop3A_173 {strides = array<i32>} : memref<32x1280xf32, #tpu.memory_space<vmem>>, vector<16xf32>,
        %parallel_loop3A_178 = arith.constant 9000 : i32
        %parallel_loop3A_179 = vector.broadcast %parallel_loop3A_178 : i32 to vector<16xi32>
        %parallel_loop3A_180 = arith.addi %parallel_loop3A_105, %parallel_loop3A_179 : vector<16xi32>
        %parallel_loop3A_181 = tpu.vector_load_idx %arg8[%parallel_loop3A_180] : memref<32000xf32, #tpu.memory_space<vmem>>[vector<16xi32>], vector<16xf32>,
        %parallel_loop3A_182 = arith.constant 9 : i32
        %parallel_loop3A_183 = arith.index_cast %parallel_loop3A_182 : i32 to index
        %parallel_loop3A_184 = arith.index_cast %parallel_loop3A_103 : i32 to index
        %parallel_loop3A_185 = tpu.vector_load %arg16[%parallel_loop3A_183, %parallel_loop3A_184] {strides = array<i32>} : memref<32x1280xf32, #tpu.memory_space<vmem>>, vector<16xf32>,
        tpu.vector_store %arg16[%parallel_loop3A_183, %parallel_loop3A_184], %parallel_loop3A_181 {strides = array<i32>} : memref<32x1280xf32, #tpu.memory_space<vmem>>, vector<16xf32>,
        %parallel_loop3A_186 = arith.constant 10000 : i32
        %parallel_loop3A_187 = vector.broadcast %parallel_loop3A_186 : i32 to vector<16xi32>
        %parallel_loop3A_188 = arith.addi %parallel_loop3A_105, %parallel_loop3A_187 : vector<16xi32>
        %parallel_loop3A_189 = tpu.vector_load_idx %arg8[%parallel_loop3A_188] : memref<32000xf32, #tpu.memory_space<vmem>>[vector<16xi32>], vector<16xf32>,
        %parallel_loop3A_190 = arith.constant 10 : i32
        %parallel_loop3A_191 = arith.index_cast %parallel_loop3A_190 : i32 to index
        %parallel_loop3A_192 = arith.index_cast %parallel_loop3A_103 : i32 to index
        %parallel_loop3A_193 = tpu.vector_load %arg16[%parallel_loop3A_191, %parallel_loop3A_192] {strides = array<i32>} : memref<32x1280xf32, #tpu.memory_space<vmem>>, vector<16xf32>,
        tpu.vector_store %arg16[%parallel_loop3A_191, %parallel_loop3A_192], %parallel_loop3A_189 {strides = array<i32>} : memref<32x1280xf32, #tpu.memory_space<vmem>>, vector<16xf32>,
        %parallel_loop3A_194 = arith.constant 11000 : i32
        %parallel_loop3A_195 = vector.broadcast %parallel_loop3A_194 : i32 to vector<16xi32>
        %parallel_loop3A_196 = arith.addi %parallel_loop3A_105, %parallel_loop3A_195 : vector<16xi32>
        %parallel_loop3A_197 = tpu.vector_load_idx %arg8[%parallel_loop3A_196] : memref<32000xf32, #tpu.memory_space<vmem>>[vector<16xi32>], vector<16xf32>,
        %parallel_loop3A_198 = arith.constant 11 : i32
        %parallel_loop3A_199 = arith.index_cast %parallel_loop3A_198 : i32 to index
        %parallel_loop3A_200 = arith.index_cast %parallel_loop3A_103 : i32 to index
        %parallel_loop3A_201 = tpu.vector_load %arg16[%parallel_loop3A_199, %parallel_loop3A_200] {strides = array<i32>} : memref<32x1280xf32, #tpu.memory_space<vmem>>, vector<16xf32>,
        tpu.vector_store %arg16[%parallel_loop3A_199, %parallel_loop3A_200], %parallel_loop3A_197 {strides = array<i32>} : memref<32x1280xf32, #tpu.memory_space<vmem>>, vector<16xf32>,
        %parallel_loop3A_202 = arith.constant 12000 : i32
        %parallel_loop3A_203 = vector.broadcast %parallel_loop3A_202 : i32 to vector<16xi32>
        %parallel_loop3A_204 = arith.addi %parallel_loop3A_105, %parallel_loop3A_203 : vector<16xi32>
        %parallel_loop3A_205 = tpu.vector_load_idx %arg8[%parallel_loop3A_204] : memref<32000xf32, #tpu.memory_space<vmem>>[vector<16xi32>], vector<16xf32>,
        %parallel_loop3A_206 = arith.constant 12 : i32
        %parallel_loop3A_207 = arith.index_cast %parallel_loop3A_206 : i32 to index
        %parallel_loop3A_208 = arith.index_cast %parallel_loop3A_103 : i32 to index
        %parallel_loop3A_209 = tpu.vector_load %arg16[%parallel_loop3A_207, %parallel_loop3A_208] {strides = array<i32>} : memref<32x1280xf32, #tpu.memory_space<vmem>>, vector<16xf32>,
        tpu.vector_store %arg16[%parallel_loop3A_207, %parallel_loop3A_208], %parallel_loop3A_205 {strides = array<i32>} : memref<32x1280xf32, #tpu.memory_space<vmem>>, vector<16xf32>,
        %parallel_loop3A_210 = arith.constant 13000 : i32
        %parallel_loop3A_211 = vector.broadcast %parallel_loop3A_210 : i32 to vector<16xi32>
        %parallel_loop3A_212 = arith.addi %parallel_loop3A_105, %parallel_loop3A_211 : vector<16xi32>
        %parallel_loop3A_213 = tpu.vector_load_idx %arg8[%parallel_loop3A_212] : memref<32000xf32, #tpu.memory_space<vmem>>[vector<16xi32>], vector<16xf32>,
        %parallel_loop3A_214 = arith.constant 13 : i32
        %parallel_loop3A_215 = arith.index_cast %parallel_loop3A_214 : i32 to index
        %parallel_loop3A_216 = arith.index_cast %parallel_loop3A_103 : i32 to index
        %parallel_loop3A_217 = tpu.vector_load %arg16[%parallel_loop3A_215, %parallel_loop3A_216] {strides = array<i32>} : memref<32x1280xf32, #tpu.memory_space<vmem>>, vector<16xf32>,
        tpu.vector_store %arg16[%parallel_loop3A_215, %parallel_loop3A_216], %parallel_loop3A_213 {strides = array<i32>} : memref<32x1280xf32, #tpu.memory_space<vmem>>, vector<16xf32>,
        %parallel_loop3A_218 = arith.constant 14000 : i32
        %parallel_loop3A_219 = vector.broadcast %parallel_loop3A_218 : i32 to vector<16xi32>
        %parallel_loop3A_220 = arith.addi %parallel_loop3A_105, %parallel_loop3A_219 : vector<16xi32>
        %parallel_loop3A_221 = tpu.vector_load_idx %arg8[%parallel_loop3A_220] : memref<32000xf32, #tpu.memory_space<vmem>>[vector<16xi32>], vector<16xf32>,
        %parallel_loop3A_222 = arith.constant 14 : i32
        %parallel_loop3A_223 = arith.index_cast %parallel_loop3A_222 : i32 to index
        %parallel_loop3A_224 = arith.index_cast %parallel_loop3A_103 : i32 to index
        %parallel_loop3A_225 = tpu.vector_load %arg16[%parallel_loop3A_223, %parallel_loop3A_224] {strides = array<i32>} : memref<32x1280xf32, #tpu.memory_space<vmem>>, vector<16xf32>,
        tpu.vector_store %arg16[%parallel_loop3A_223, %parallel_loop3A_224], %parallel_loop3A_221 {strides = array<i32>} : memref<32x1280xf32, #tpu.memory_space<vmem>>, vector<16xf32>,
        %parallel_loop3A_226 = arith.constant 15000 : i32
        %parallel_loop3A_227 = vector.broadcast %parallel_loop3A_226 : i32 to vector<16xi32>
        %parallel_loop3A_228 = arith.addi %parallel_loop3A_105, %parallel_loop3A_227 : vector<16xi32>
        %parallel_loop3A_229 = tpu.vector_load_idx %arg8[%parallel_loop3A_228] : memref<32000xf32, #tpu.memory_space<vmem>>[vector<16xi32>], vector<16xf32>,
        %parallel_loop3A_230 = arith.constant 15 : i32
        %parallel_loop3A_231 = arith.index_cast %parallel_loop3A_230 : i32 to index
        %parallel_loop3A_232 = arith.index_cast %parallel_loop3A_103 : i32 to index
        %parallel_loop3A_233 = tpu.vector_load %arg16[%parallel_loop3A_231, %parallel_loop3A_232] {strides = array<i32>} : memref<32x1280xf32, #tpu.memory_space<vmem>>, vector<16xf32>,
        tpu.vector_store %arg16[%parallel_loop3A_231, %parallel_loop3A_232], %parallel_loop3A_229 {strides = array<i32>} : memref<32x1280xf32, #tpu.memory_space<vmem>>, vector<16xf32>,
        %parallel_loop3A_234 = arith.constant 16000 : i32
        %parallel_loop3A_235 = vector.broadcast %parallel_loop3A_234 : i32 to vector<16xi32>
        %parallel_loop3A_236 = arith.addi %parallel_loop3A_105, %parallel_loop3A_235 : vector<16xi32>
        %parallel_loop3A_237 = tpu.vector_load_idx %arg8[%parallel_loop3A_236] : memref<32000xf32, #tpu.memory_space<vmem>>[vector<16xi32>], vector<16xf32>,
        %parallel_loop3A_238 = arith.constant 16 : i32
        %parallel_loop3A_239 = arith.index_cast %parallel_loop3A_238 : i32 to index
        %parallel_loop3A_240 = arith.index_cast %parallel_loop3A_103 : i32 to index
        %parallel_loop3A_241 = tpu.vector_load %arg16[%parallel_loop3A_239, %parallel_loop3A_240] {strides = array<i32>} : memref<32x1280xf32, #tpu.memory_space<vmem>>, vector<16xf32>,
        tpu.vector_store %arg16[%parallel_loop3A_239, %parallel_loop3A_240], %parallel_loop3A_237 {strides = array<i32>} : memref<32x1280xf32, #tpu.memory_space<vmem>>, vector<16xf32>,
        %parallel_loop3A_242 = arith.constant 17000 : i32
        %parallel_loop3A_243 = vector.broadcast %parallel_loop3A_242 : i32 to vector<16xi32>
        %parallel_loop3A_244 = arith.addi %parallel_loop3A_105, %parallel_loop3A_243 : vector<16xi32>
        %parallel_loop3A_245 = tpu.vector_load_idx %arg8[%parallel_loop3A_244] : memref<32000xf32, #tpu.memory_space<vmem>>[vector<16xi32>], vector<16xf32>,
        %parallel_loop3A_246 = arith.constant 17 : i32
        %parallel_loop3A_247 = arith.index_cast %parallel_loop3A_246 : i32 to index
        %parallel_loop3A_248 = arith.index_cast %parallel_loop3A_103 : i32 to index
        %parallel_loop3A_249 = tpu.vector_load %arg16[%parallel_loop3A_247, %parallel_loop3A_248] {strides = array<i32>} : memref<32x1280xf32, #tpu.memory_space<vmem>>, vector<16xf32>,
        tpu.vector_store %arg16[%parallel_loop3A_247, %parallel_loop3A_248], %parallel_loop3A_245 {strides = array<i32>} : memref<32x1280xf32, #tpu.memory_space<vmem>>, vector<16xf32>,
        %parallel_loop3A_250 = arith.constant 18000 : i32
        %parallel_loop3A_251 = vector.broadcast %parallel_loop3A_250 : i32 to vector<16xi32>
        %parallel_loop3A_252 = arith.addi %parallel_loop3A_105, %parallel_loop3A_251 : vector<16xi32>
        %parallel_loop3A_253 = tpu.vector_load_idx %arg8[%parallel_loop3A_252] : memref<32000xf32, #tpu.memory_space<vmem>>[vector<16xi32>], vector<16xf32>,
        %parallel_loop3A_254 = arith.constant 18 : i32
        %parallel_loop3A_255 = arith.index_cast %parallel_loop3A_254 : i32 to index
        %parallel_loop3A_256 = arith.index_cast %parallel_loop3A_103 : i32 to index
        %parallel_loop3A_257 = tpu.vector_load %arg16[%parallel_loop3A_255, %parallel_loop3A_256] {strides = array<i32>} : memref<32x1280xf32, #tpu.memory_space<vmem>>, vector<16xf32>,
        tpu.vector_store %arg16[%parallel_loop3A_255, %parallel_loop3A_256], %parallel_loop3A_253 {strides = array<i32>} : memref<32x1280xf32, #tpu.memory_space<vmem>>, vector<16xf32>,
        %parallel_loop3A_258 = arith.constant 19000 : i32
        %parallel_loop3A_259 = vector.broadcast %parallel_loop3A_258 : i32 to vector<16xi32>
        %parallel_loop3A_260 = arith.addi %parallel_loop3A_105, %parallel_loop3A_259 : vector<16xi32>
        %parallel_loop3A_261 = tpu.vector_load_idx %arg8[%parallel_loop3A_260] : memref<32000xf32, #tpu.memory_space<vmem>>[vector<16xi32>], vector<16xf32>,
        %parallel_loop3A_262 = arith.constant 19 : i32
        %parallel_loop3A_263 = arith.index_cast %parallel_loop3A_262 : i32 to index
        %parallel_loop3A_264 = arith.index_cast %parallel_loop3A_103 : i32 to index
        %parallel_loop3A_265 = tpu.vector_load %arg16[%parallel_loop3A_263, %parallel_loop3A_264] {strides = array<i32>} : memref<32x1280xf32, #tpu.memory_space<vmem>>, vector<16xf32>,
        tpu.vector_store %arg16[%parallel_loop3A_263, %parallel_loop3A_264], %parallel_loop3A_261 {strides = array<i32>} : memref<32x1280xf32, #tpu.memory_space<vmem>>, vector<16xf32>,
        %parallel_loop3A_266 = arith.constant 20000 : i32
        %parallel_loop3A_267 = vector.broadcast %parallel_loop3A_266 : i32 to vector<16xi32>
        %parallel_loop3A_268 = arith.addi %parallel_loop3A_105, %parallel_loop3A_267 : vector<16xi32>
        %parallel_loop3A_269 = tpu.vector_load_idx %arg8[%parallel_loop3A_268] : memref<32000xf32, #tpu.memory_space<vmem>>[vector<16xi32>], vector<16xf32>,
        %parallel_loop3A_270 = arith.constant 20 : i32
        %parallel_loop3A_271 = arith.index_cast %parallel_loop3A_270 : i32 to index
        %parallel_loop3A_272 = arith.index_cast %parallel_loop3A_103 : i32 to index
        %parallel_loop3A_273 = tpu.vector_load %arg16[%parallel_loop3A_271, %parallel_loop3A_272] {strides = array<i32>} : memref<32x1280xf32, #tpu.memory_space<vmem>>, vector<16xf32>,
        tpu.vector_store %arg16[%parallel_loop3A_271, %parallel_loop3A_272], %parallel_loop3A_269 {strides = array<i32>} : memref<32x1280xf32, #tpu.memory_space<vmem>>, vector<16xf32>,
        %parallel_loop3A_274 = arith.constant 21000 : i32
        %parallel_loop3A_275 = vector.broadcast %parallel_loop3A_274 : i32 to vector<16xi32>
        %parallel_loop3A_276 = arith.addi %parallel_loop3A_105, %parallel_loop3A_275 : vector<16xi32>
        %parallel_loop3A_277 = tpu.vector_load_idx %arg8[%parallel_loop3A_276] : memref<32000xf32, #tpu.memory_space<vmem>>[vector<16xi32>], vector<16xf32>,
        %parallel_loop3A_278 = arith.constant 21 : i32
        %parallel_loop3A_279 = arith.index_cast %parallel_loop3A_278 : i32 to index
        %parallel_loop3A_280 = arith.index_cast %parallel_loop3A_103 : i32 to index
        %parallel_loop3A_281 = tpu.vector_load %arg16[%parallel_loop3A_279, %parallel_loop3A_280] {strides = array<i32>} : memref<32x1280xf32, #tpu.memory_space<vmem>>, vector<16xf32>,
        tpu.vector_store %arg16[%parallel_loop3A_279, %parallel_loop3A_280], %parallel_loop3A_277 {strides = array<i32>} : memref<32x1280xf32, #tpu.memory_space<vmem>>, vector<16xf32>,
        %parallel_loop3A_282 = arith.constant 22000 : i32
        %parallel_loop3A_283 = vector.broadcast %parallel_loop3A_282 : i32 to vector<16xi32>
        %parallel_loop3A_284 = arith.addi %parallel_loop3A_105, %parallel_loop3A_283 : vector<16xi32>
        %parallel_loop3A_285 = tpu.vector_load_idx %arg8[%parallel_loop3A_284] : memref<32000xf32, #tpu.memory_space<vmem>>[vector<16xi32>], vector<16xf32>,
        %parallel_loop3A_286 = arith.constant 22 : i32
        %parallel_loop3A_287 = arith.index_cast %parallel_loop3A_286 : i32 to index
        %parallel_loop3A_288 = arith.index_cast %parallel_loop3A_103 : i32 to index
        %parallel_loop3A_289 = tpu.vector_load %arg16[%parallel_loop3A_287, %parallel_loop3A_288] {strides = array<i32>} : memref<32x1280xf32, #tpu.memory_space<vmem>>, vector<16xf32>,
        tpu.vector_store %arg16[%parallel_loop3A_287, %parallel_loop3A_288], %parallel_loop3A_285 {strides = array<i32>} : memref<32x1280xf32, #tpu.memory_space<vmem>>, vector<16xf32>,
        %parallel_loop3A_290 = arith.constant 23000 : i32
        %parallel_loop3A_291 = vector.broadcast %parallel_loop3A_290 : i32 to vector<16xi32>
        %parallel_loop3A_292 = arith.addi %parallel_loop3A_105, %parallel_loop3A_291 : vector<16xi32>
        %parallel_loop3A_293 = tpu.vector_load_idx %arg8[%parallel_loop3A_292] : memref<32000xf32, #tpu.memory_space<vmem>>[vector<16xi32>], vector<16xf32>,
        %parallel_loop3A_294 = arith.constant 23 : i32
        %parallel_loop3A_295 = arith.index_cast %parallel_loop3A_294 : i32 to index
        %parallel_loop3A_296 = arith.index_cast %parallel_loop3A_103 : i32 to index
        %parallel_loop3A_297 = tpu.vector_load %arg16[%parallel_loop3A_295, %parallel_loop3A_296] {strides = array<i32>} : memref<32x1280xf32, #tpu.memory_space<vmem>>, vector<16xf32>,
        tpu.vector_store %arg16[%parallel_loop3A_295, %parallel_loop3A_296], %parallel_loop3A_293 {strides = array<i32>} : memref<32x1280xf32, #tpu.memory_space<vmem>>, vector<16xf32>,
        %parallel_loop3A_298 = arith.constant 24000 : i32
        %parallel_loop3A_299 = vector.broadcast %parallel_loop3A_298 : i32 to vector<16xi32>
        %parallel_loop3A_300 = arith.addi %parallel_loop3A_105, %parallel_loop3A_299 : vector<16xi32>
        %parallel_loop3A_301 = tpu.vector_load_idx %arg8[%parallel_loop3A_300] : memref<32000xf32, #tpu.memory_space<vmem>>[vector<16xi32>], vector<16xf32>,
        %parallel_loop3A_302 = arith.constant 24 : i32
        %parallel_loop3A_303 = arith.index_cast %parallel_loop3A_302 : i32 to index
        %parallel_loop3A_304 = arith.index_cast %parallel_loop3A_103 : i32 to index
        %parallel_loop3A_305 = tpu.vector_load %arg16[%parallel_loop3A_303, %parallel_loop3A_304] {strides = array<i32>} : memref<32x1280xf32, #tpu.memory_space<vmem>>, vector<16xf32>,
        tpu.vector_store %arg16[%parallel_loop3A_303, %parallel_loop3A_304], %parallel_loop3A_301 {strides = array<i32>} : memref<32x1280xf32, #tpu.memory_space<vmem>>, vector<16xf32>,
        %parallel_loop3A_306 = arith.constant 25000 : i32
        %parallel_loop3A_307 = vector.broadcast %parallel_loop3A_306 : i32 to vector<16xi32>
        %parallel_loop3A_308 = arith.addi %parallel_loop3A_105, %parallel_loop3A_307 : vector<16xi32>
        %parallel_loop3A_309 = tpu.vector_load_idx %arg8[%parallel_loop3A_308] : memref<32000xf32, #tpu.memory_space<vmem>>[vector<16xi32>], vector<16xf32>,
        %parallel_loop3A_310 = arith.constant 25 : i32
        %parallel_loop3A_311 = arith.index_cast %parallel_loop3A_310 : i32 to index
        %parallel_loop3A_312 = arith.index_cast %parallel_loop3A_103 : i32 to index
        %parallel_loop3A_313 = tpu.vector_load %arg16[%parallel_loop3A_311, %parallel_loop3A_312] {strides = array<i32>} : memref<32x1280xf32, #tpu.memory_space<vmem>>, vector<16xf32>,
        tpu.vector_store %arg16[%parallel_loop3A_311, %parallel_loop3A_312], %parallel_loop3A_309 {strides = array<i32>} : memref<32x1280xf32, #tpu.memory_space<vmem>>, vector<16xf32>,
        %parallel_loop3A_314 = arith.constant 26000 : i32
        %parallel_loop3A_315 = vector.broadcast %parallel_loop3A_314 : i32 to vector<16xi32>
        %parallel_loop3A_316 = arith.addi %parallel_loop3A_105, %parallel_loop3A_315 : vector<16xi32>
        %parallel_loop3A_317 = tpu.vector_load_idx %arg8[%parallel_loop3A_316] : memref<32000xf32, #tpu.memory_space<vmem>>[vector<16xi32>], vector<16xf32>,
        %parallel_loop3A_318 = arith.constant 26 : i32
        %parallel_loop3A_319 = arith.index_cast %parallel_loop3A_318 : i32 to index
        %parallel_loop3A_320 = arith.index_cast %parallel_loop3A_103 : i32 to index
        %parallel_loop3A_321 = tpu.vector_load %arg16[%parallel_loop3A_319, %parallel_loop3A_320] {strides = array<i32>} : memref<32x1280xf32, #tpu.memory_space<vmem>>, vector<16xf32>,
        tpu.vector_store %arg16[%parallel_loop3A_319, %parallel_loop3A_320], %parallel_loop3A_317 {strides = array<i32>} : memref<32x1280xf32, #tpu.memory_space<vmem>>, vector<16xf32>,
        %parallel_loop3A_322 = arith.constant 27000 : i32
        %parallel_loop3A_323 = vector.broadcast %parallel_loop3A_322 : i32 to vector<16xi32>
        %parallel_loop3A_324 = arith.addi %parallel_loop3A_105, %parallel_loop3A_323 : vector<16xi32>
        %parallel_loop3A_325 = tpu.vector_load_idx %arg8[%parallel_loop3A_324] : memref<32000xf32, #tpu.memory_space<vmem>>[vector<16xi32>], vector<16xf32>,
        %parallel_loop3A_326 = arith.constant 27 : i32
        %parallel_loop3A_327 = arith.index_cast %parallel_loop3A_326 : i32 to index
        %parallel_loop3A_328 = arith.index_cast %parallel_loop3A_103 : i32 to index
        %parallel_loop3A_329 = tpu.vector_load %arg16[%parallel_loop3A_327, %parallel_loop3A_328] {strides = array<i32>} : memref<32x1280xf32, #tpu.memory_space<vmem>>, vector<16xf32>,
        tpu.vector_store %arg16[%parallel_loop3A_327, %parallel_loop3A_328], %parallel_loop3A_325 {strides = array<i32>} : memref<32x1280xf32, #tpu.memory_space<vmem>>, vector<16xf32>,
        %parallel_loop3A_330 = arith.constant 28000 : i32
        %parallel_loop3A_331 = vector.broadcast %parallel_loop3A_330 : i32 to vector<16xi32>
        %parallel_loop3A_332 = arith.addi %parallel_loop3A_105, %parallel_loop3A_331 : vector<16xi32>
        %parallel_loop3A_333 = tpu.vector_load_idx %arg8[%parallel_loop3A_332] : memref<32000xf32, #tpu.memory_space<vmem>>[vector<16xi32>], vector<16xf32>,
        %parallel_loop3A_334 = arith.constant 28 : i32
        %parallel_loop3A_335 = arith.index_cast %parallel_loop3A_334 : i32 to index
        %parallel_loop3A_336 = arith.index_cast %parallel_loop3A_103 : i32 to index
        %parallel_loop3A_337 = tpu.vector_load %arg16[%parallel_loop3A_335, %parallel_loop3A_336] {strides = array<i32>} : memref<32x1280xf32, #tpu.memory_space<vmem>>, vector<16xf32>,
        tpu.vector_store %arg16[%parallel_loop3A_335, %parallel_loop3A_336], %parallel_loop3A_333 {strides = array<i32>} : memref<32x1280xf32, #tpu.memory_space<vmem>>, vector<16xf32>,
        %parallel_loop3A_338 = arith.constant 29000 : i32
        %parallel_loop3A_339 = vector.broadcast %parallel_loop3A_338 : i32 to vector<16xi32>
        %parallel_loop3A_340 = arith.addi %parallel_loop3A_105, %parallel_loop3A_339 : vector<16xi32>
        %parallel_loop3A_341 = tpu.vector_load_idx %arg8[%parallel_loop3A_340] : memref<32000xf32, #tpu.memory_space<vmem>>[vector<16xi32>], vector<16xf32>,
        %parallel_loop3A_342 = arith.constant 29 : i32
        %parallel_loop3A_343 = arith.index_cast %parallel_loop3A_342 : i32 to index
        %parallel_loop3A_344 = arith.index_cast %parallel_loop3A_103 : i32 to index
        %parallel_loop3A_345 = tpu.vector_load %arg16[%parallel_loop3A_343, %parallel_loop3A_344] {strides = array<i32>} : memref<32x1280xf32, #tpu.memory_space<vmem>>, vector<16xf32>,
        tpu.vector_store %arg16[%parallel_loop3A_343, %parallel_loop3A_344], %parallel_loop3A_341 {strides = array<i32>} : memref<32x1280xf32, #tpu.memory_space<vmem>>, vector<16xf32>,
        %parallel_loop3A_346 = arith.constant 30000 : i32
        %parallel_loop3A_347 = vector.broadcast %parallel_loop3A_346 : i32 to vector<16xi32>
        %parallel_loop3A_348 = arith.addi %parallel_loop3A_105, %parallel_loop3A_347 : vector<16xi32>
        %parallel_loop3A_349 = tpu.vector_load_idx %arg8[%parallel_loop3A_348] : memref<32000xf32, #tpu.memory_space<vmem>>[vector<16xi32>], vector<16xf32>,
        %parallel_loop3A_350 = arith.constant 30 : i32
        %parallel_loop3A_351 = arith.index_cast %parallel_loop3A_350 : i32 to index
        %parallel_loop3A_352 = arith.index_cast %parallel_loop3A_103 : i32 to index
        %parallel_loop3A_353 = tpu.vector_load %arg16[%parallel_loop3A_351, %parallel_loop3A_352] {strides = array<i32>} : memref<32x1280xf32, #tpu.memory_space<vmem>>, vector<16xf32>,
        tpu.vector_store %arg16[%parallel_loop3A_351, %parallel_loop3A_352], %parallel_loop3A_349 {strides = array<i32>} : memref<32x1280xf32, #tpu.memory_space<vmem>>, vector<16xf32>,
        %parallel_loop3A_354 = arith.constant 31000 : i32
        %parallel_loop3A_355 = vector.broadcast %parallel_loop3A_354 : i32 to vector<16xi32>
        %parallel_loop3A_356 = arith.addi %parallel_loop3A_105, %parallel_loop3A_355 : vector<16xi32>
        %parallel_loop3A_357 = tpu.vector_load_idx %arg8[%parallel_loop3A_356] : memref<32000xf32, #tpu.memory_space<vmem>>[vector<16xi32>], vector<16xf32>,
        %parallel_loop3A_358 = arith.constant 31 : i32
        %parallel_loop3A_359 = arith.index_cast %parallel_loop3A_358 : i32 to index
        %parallel_loop3A_360 = arith.index_cast %parallel_loop3A_103 : i32 to index
        %parallel_loop3A_361 = tpu.vector_load %arg16[%parallel_loop3A_359, %parallel_loop3A_360] {strides = array<i32>} : memref<32x1280xf32, #tpu.memory_space<vmem>>, vector<16xf32>,
        tpu.vector_store %arg16[%parallel_loop3A_359, %parallel_loop3A_360], %parallel_loop3A_357 {strides = array<i32>} : memref<32x1280xf32, #tpu.memory_space<vmem>>, vector<16xf32>,
      } {sc.loop_unroll_factor = 2 : i64, sc.parallel_access}
      %mul3A_66 = arith.constant 1280 : i32
      %mul3A_67 = arith.muli %add3A_57, %mul3A_66 : i32
      %dma_start3A_68 = tpu.memref_slice %arg6[%min3A_13, %mul3A_67] : memref<1000x51200xf32, #tpu.memory_space<hbm>> -> memref<32x1280xf32, #tpu.memory_space<hbm>>
      %dma_start3A_69 = tpu.memref_slice %arg6[%min3A_13, %mul3A_67] : memref<1000x51200xf32, #tpu.memory_space<hbm>> -> memref<32x1280xf32, #tpu.memory_space<hbm>>
      tpu.enqueue_dma source(%arg16 : memref<32x1280xf32, #tpu.memory_space<vmem>>) target(%dma_start3A_69 : memref<32x1280xf32, #tpu.memory_space<hbm>>) target_semaphore(%arg23 : memref<!tpu.dma_semaphore, #tpu.memory_space<semaphore_mem>>)
      %add3A_70 = arith.constant 2 : i32
      %add3A_71 = arith.addi %add3A_57, %add3A_70 : i32
      %lt3A = arith.constant 40 : i32
      %lt3A_72 = arith.cmpi slt, %add3A_71, %lt3A : i32
      %convert_element_type3A_73 = arith.extui %lt3A_72 : i1 to i32
      %cond3A_74 = arith.constant 0 : i32
      %cond3A_75 = arith.cmpi ne, %convert_element_type3A_73, %cond3A_74 : i32
      scf.if %cond3A_75 {
        %add3A_101 = arith.constant 2 : i32
        %add3A_102 = arith.addi %add3A_57, %add3A_101 : i32
        %mul3A_103 = arith.constant 1280 : i32
        %mul3A_104 = arith.muli %add3A_102, %mul3A_103 : i32
        %dma_start3A_105 = tpu.memref_slice %arg2[%mul3A_104] : memref<51200xi32, #tpu.memory_space<hbm>> -> memref<1280xi32, #tpu.memory_space<hbm>>
        %dma_start3A_106 = tpu.memref_slice %arg2[%mul3A_104] : memref<51200xi32, #tpu.memory_space<hbm>> -> memref<1280xi32, #tpu.memory_space<hbm>>
        tpu.enqueue_dma source(%dma_start3A_106 : memref<1280xi32, #tpu.memory_space<hbm>>) target(%arg14 : memref<1280xi32, #tpu.memory_space<vmem>>) target_semaphore(%arg21 : memref<!tpu.dma_semaphore, #tpu.memory_space<semaphore_mem>>)
      } else {
      }
      %add3A_76 = arith.constant 1 : i32
      %add3A_77 = arith.addi %mul3A_55, %add3A_76 : i32
      %mul3A_78 = arith.constant 1280 : i32
      %mul3A_79 = arith.muli %add3A_77, %mul3A_78 : i32
      %dma_wait3A_80 = tpu.memref_slice %arg2[%mul3A_79] : memref<51200xi32, #tpu.memory_space<hbm>> -> memref<1280xi32, #tpu.memory_space<hbm>>
      %dma_wait3A_81 = tpu.memref_slice %arg2[%mul3A_79] : memref<51200xi32, #tpu.memory_space<hbm>> -> memref<1280xi32, #tpu.memory_space<hbm>>
      tpu.wait_dma2 semaphore(%arg22 : memref<!tpu.dma_semaphore, #tpu.memory_space<semaphore_mem>>) src(%dma_wait3A_81 : memref<1280xi32, #tpu.memory_space<hbm>>) dst(%arg15 : memref<1280xi32, #tpu.memory_space<vmem>>)
      %ge3A_82 = arith.constant 2 : i32
      %ge3A_83 = arith.cmpi sge, %add3A_77, %ge3A_82 : i32
      %convert_element_type3A_84 = arith.extui %ge3A_83 : i1 to i32
      %cond3A_85 = arith.constant 0 : i32
      %cond3A_86 = arith.cmpi ne, %convert_element_type3A_84, %cond3A_85 : i32
      scf.if %cond3A_86 {
        %mul3A_101 = arith.constant 1280 : i32
        %mul3A_102 = arith.muli %add3A_77, %mul3A_101 : i32
        %dma_wait3A_103 = tpu.memref_slice %arg6[%min3A_13, %mul3A_102] : memref<1000x51200xf32, #tpu.memory_space<hbm>> -> memref<32x1280xf32, #tpu.memory_space<hbm>>
        %dma_wait3A_104 = tpu.memref_slice %arg6[%min3A_13, %mul3A_102] : memref<1000x51200xf32, #tpu.memory_space<hbm>> -> memref<32x1280xf32, #tpu.memory_space<hbm>>
        tpu.wait_dma2 semaphore(%arg24 : memref<!tpu.dma_semaphore, #tpu.memory_space<semaphore_mem>>) src(%arg17 : memref<32x1280xf32, #tpu.memory_space<vmem>>) dst(%dma_wait3A_104 : memref<32x1280xf32, #tpu.memory_space<hbm>>)
      } else {
      }
      %parallel_loop3A_87 = arith.constant 0 : i32
      %parallel_loop3A_88 = arith.constant 80 : i32
      %parallel_loop3A_89 = arith.constant 1 : i32
      scf.for %parallel_loop3A_101 = %parallel_loop3A_87 to %parallel_loop3A_88 step %parallel_loop3A_89  : i32 {
        %parallel_loop3A_102 = arith.constant 16 : i32
        %parallel_loop3A_103 = arith.muli %parallel_loop3A_101, %parallel_loop3A_102 : i32
        %parallel_loop3A_104 = arith.index_cast %parallel_loop3A_103 : i32 to index
        %parallel_loop3A_105 = tpu.vector_load %arg15[%parallel_loop3A_104] {strides = array<i32>} : memref<1280xi32, #tpu.memory_space<vmem>>, vector<16xi32>,
        %parallel_loop3A_106 = arith.constant 0 : i32
        %parallel_loop3A_107 = vector.broadcast %parallel_loop3A_106 : i32 to vector<16xi32>
        %parallel_loop3A_108 = arith.addi %parallel_loop3A_105, %parallel_loop3A_107 : vector<16xi32>
        %parallel_loop3A_109 = tpu.vector_load_idx %arg8[%parallel_loop3A_108] : memref<32000xf32, #tpu.memory_space<vmem>>[vector<16xi32>], vector<16xf32>,
        %parallel_loop3A_110 = arith.constant 0 : i32
        %parallel_loop3A_111 = arith.index_cast %parallel_loop3A_110 : i32 to index
        %parallel_loop3A_112 = arith.index_cast %parallel_loop3A_103 : i32 to index
        %parallel_loop3A_113 = tpu.vector_load %arg17[%parallel_loop3A_111, %parallel_loop3A_112] {strides = array<i32>} : memref<32x1280xf32, #tpu.memory_space<vmem>>, vector<16xf32>,
        tpu.vector_store %arg17[%parallel_loop3A_111, %parallel_loop3A_112], %parallel_loop3A_109 {strides = array<i32>} : memref<32x1280xf32, #tpu.memory_space<vmem>>, vector<16xf32>,
        %parallel_loop3A_114 = arith.constant 1000 : i32
        %parallel_loop3A_115 = vector.broadcast %parallel_loop3A_114 : i32 to vector<16xi32>
        %parallel_loop3A_116 = arith.addi %parallel_loop3A_105, %parallel_loop3A_115 : vector<16xi32>
        %parallel_loop3A_117 = tpu.vector_load_idx %arg8[%parallel_loop3A_116] : memref<32000xf32, #tpu.memory_space<vmem>>[vector<16xi32>], vector<16xf32>,
        %parallel_loop3A_118 = arith.constant 1 : i32
        %parallel_loop3A_119 = arith.index_cast %parallel_loop3A_118 : i32 to index
        %parallel_loop3A_120 = arith.index_cast %parallel_loop3A_103 : i32 to index
        %parallel_loop3A_121 = tpu.vector_load %arg17[%parallel_loop3A_119, %parallel_loop3A_120] {strides = array<i32>} : memref<32x1280xf32, #tpu.memory_space<vmem>>, vector<16xf32>,
        tpu.vector_store %arg17[%parallel_loop3A_119, %parallel_loop3A_120], %parallel_loop3A_117 {strides = array<i32>} : memref<32x1280xf32, #tpu.memory_space<vmem>>, vector<16xf32>,
        %parallel_loop3A_122 = arith.constant 2000 : i32
        %parallel_loop3A_123 = vector.broadcast %parallel_loop3A_122 : i32 to vector<16xi32>
        %parallel_loop3A_124 = arith.addi %parallel_loop3A_105, %parallel_loop3A_123 : vector<16xi32>
        %parallel_loop3A_125 = tpu.vector_load_idx %arg8[%parallel_loop3A_124] : memref<32000xf32, #tpu.memory_space<vmem>>[vector<16xi32>], vector<16xf32>,
        %parallel_loop3A_126 = arith.constant 2 : i32
        %parallel_loop3A_127 = arith.index_cast %parallel_loop3A_126 : i32 to index
        %parallel_loop3A_128 = arith.index_cast %parallel_loop3A_103 : i32 to index
        %parallel_loop3A_129 = tpu.vector_load %arg17[%parallel_loop3A_127, %parallel_loop3A_128] {strides = array<i32>} : memref<32x1280xf32, #tpu.memory_space<vmem>>, vector<16xf32>,
        tpu.vector_store %arg17[%parallel_loop3A_127, %parallel_loop3A_128], %parallel_loop3A_125 {strides = array<i32>} : memref<32x1280xf32, #tpu.memory_space<vmem>>, vector<16xf32>,
        %parallel_loop3A_130 = arith.constant 3000 : i32
        %parallel_loop3A_131 = vector.broadcast %parallel_loop3A_130 : i32 to vector<16xi32>
        %parallel_loop3A_132 = arith.addi %parallel_loop3A_105, %parallel_loop3A_131 : vector<16xi32>
        %parallel_loop3A_133 = tpu.vector_load_idx %arg8[%parallel_loop3A_132] : memref<32000xf32, #tpu.memory_space<vmem>>[vector<16xi32>], vector<16xf32>,
        %parallel_loop3A_134 = arith.constant 3 : i32
        %parallel_loop3A_135 = arith.index_cast %parallel_loop3A_134 : i32 to index
        %parallel_loop3A_136 = arith.index_cast %parallel_loop3A_103 : i32 to index
        %parallel_loop3A_137 = tpu.vector_load %arg17[%parallel_loop3A_135, %parallel_loop3A_136] {strides = array<i32>} : memref<32x1280xf32, #tpu.memory_space<vmem>>, vector<16xf32>,
        tpu.vector_store %arg17[%parallel_loop3A_135, %parallel_loop3A_136], %parallel_loop3A_133 {strides = array<i32>} : memref<32x1280xf32, #tpu.memory_space<vmem>>, vector<16xf32>,
        %parallel_loop3A_138 = arith.constant 4000 : i32
        %parallel_loop3A_139 = vector.broadcast %parallel_loop3A_138 : i32 to vector<16xi32>
        %parallel_loop3A_140 = arith.addi %parallel_loop3A_105, %parallel_loop3A_139 : vector<16xi32>
        %parallel_loop3A_141 = tpu.vector_load_idx %arg8[%parallel_loop3A_140] : memref<32000xf32, #tpu.memory_space<vmem>>[vector<16xi32>], vector<16xf32>,
        %parallel_loop3A_142 = arith.constant 4 : i32
        %parallel_loop3A_143 = arith.index_cast %parallel_loop3A_142 : i32 to index
        %parallel_loop3A_144 = arith.index_cast %parallel_loop3A_103 : i32 to index
        %parallel_loop3A_145 = tpu.vector_load %arg17[%parallel_loop3A_143, %parallel_loop3A_144] {strides = array<i32>} : memref<32x1280xf32, #tpu.memory_space<vmem>>, vector<16xf32>,
        tpu.vector_store %arg17[%parallel_loop3A_143, %parallel_loop3A_144], %parallel_loop3A_141 {strides = array<i32>} : memref<32x1280xf32, #tpu.memory_space<vmem>>, vector<16xf32>,
        %parallel_loop3A_146 = arith.constant 5000 : i32
        %parallel_loop3A_147 = vector.broadcast %parallel_loop3A_146 : i32 to vector<16xi32>
        %parallel_loop3A_148 = arith.addi %parallel_loop3A_105, %parallel_loop3A_147 : vector<16xi32>
        %parallel_loop3A_149 = tpu.vector_load_idx %arg8[%parallel_loop3A_148] : memref<32000xf32, #tpu.memory_space<vmem>>[vector<16xi32>], vector<16xf32>,
        %parallel_loop3A_150 = arith.constant 5 : i32
        %parallel_loop3A_151 = arith.index_cast %parallel_loop3A_150 : i32 to index
        %parallel_loop3A_152 = arith.index_cast %parallel_loop3A_103 : i32 to index
        %parallel_loop3A_153 = tpu.vector_load %arg17[%parallel_loop3A_151, %parallel_loop3A_152] {strides = array<i32>} : memref<32x1280xf32, #tpu.memory_space<vmem>>, vector<16xf32>,
        tpu.vector_store %arg17[%parallel_loop3A_151, %parallel_loop3A_152], %parallel_loop3A_149 {strides = array<i32>} : memref<32x1280xf32, #tpu.memory_space<vmem>>, vector<16xf32>,
        %parallel_loop3A_154 = arith.constant 6000 : i32
        %parallel_loop3A_155 = vector.broadcast %parallel_loop3A_154 : i32 to vector<16xi32>
        %parallel_loop3A_156 = arith.addi %parallel_loop3A_105, %parallel_loop3A_155 : vector<16xi32>
        %parallel_loop3A_157 = tpu.vector_load_idx %arg8[%parallel_loop3A_156] : memref<32000xf32, #tpu.memory_space<vmem>>[vector<16xi32>], vector<16xf32>,
        %parallel_loop3A_158 = arith.constant 6 : i32
        %parallel_loop3A_159 = arith.index_cast %parallel_loop3A_158 : i32 to index
        %parallel_loop3A_160 = arith.index_cast %parallel_loop3A_103 : i32 to index
        %parallel_loop3A_161 = tpu.vector_load %arg17[%parallel_loop3A_159, %parallel_loop3A_160] {strides = array<i32>} : memref<32x1280xf32, #tpu.memory_space<vmem>>, vector<16xf32>,
        tpu.vector_store %arg17[%parallel_loop3A_159, %parallel_loop3A_160], %parallel_loop3A_157 {strides = array<i32>} : memref<32x1280xf32, #tpu.memory_space<vmem>>, vector<16xf32>,
        %parallel_loop3A_162 = arith.constant 7000 : i32
        %parallel_loop3A_163 = vector.broadcast %parallel_loop3A_162 : i32 to vector<16xi32>
        %parallel_loop3A_164 = arith.addi %parallel_loop3A_105, %parallel_loop3A_163 : vector<16xi32>
        %parallel_loop3A_165 = tpu.vector_load_idx %arg8[%parallel_loop3A_164] : memref<32000xf32, #tpu.memory_space<vmem>>[vector<16xi32>], vector<16xf32>,
        %parallel_loop3A_166 = arith.constant 7 : i32
        %parallel_loop3A_167 = arith.index_cast %parallel_loop3A_166 : i32 to index
        %parallel_loop3A_168 = arith.index_cast %parallel_loop3A_103 : i32 to index
        %parallel_loop3A_169 = tpu.vector_load %arg17[%parallel_loop3A_167, %parallel_loop3A_168] {strides = array<i32>} : memref<32x1280xf32, #tpu.memory_space<vmem>>, vector<16xf32>,
        tpu.vector_store %arg17[%parallel_loop3A_167, %parallel_loop3A_168], %parallel_loop3A_165 {strides = array<i32>} : memref<32x1280xf32, #tpu.memory_space<vmem>>, vector<16xf32>,
        %parallel_loop3A_170 = arith.constant 8000 : i32
        %parallel_loop3A_171 = vector.broadcast %parallel_loop3A_170 : i32 to vector<16xi32>
        %parallel_loop3A_172 = arith.addi %parallel_loop3A_105, %parallel_loop3A_171 : vector<16xi32>
        %parallel_loop3A_173 = tpu.vector_load_idx %arg8[%parallel_loop3A_172] : memref<32000xf32, #tpu.memory_space<vmem>>[vector<16xi32>], vector<16xf32>,
        %parallel_loop3A_174 = arith.constant 8 : i32
        %parallel_loop3A_175 = arith.index_cast %parallel_loop3A_174 : i32 to index
        %parallel_loop3A_176 = arith.index_cast %parallel_loop3A_103 : i32 to index
        %parallel_loop3A_177 = tpu.vector_load %arg17[%parallel_loop3A_175, %parallel_loop3A_176] {strides = array<i32>} : memref<32x1280xf32, #tpu.memory_space<vmem>>, vector<16xf32>,
        tpu.vector_store %arg17[%parallel_loop3A_175, %parallel_loop3A_176], %parallel_loop3A_173 {strides = array<i32>} : memref<32x1280xf32, #tpu.memory_space<vmem>>, vector<16xf32>,
        %parallel_loop3A_178 = arith.constant 9000 : i32
        %parallel_loop3A_179 = vector.broadcast %parallel_loop3A_178 : i32 to vector<16xi32>
        %parallel_loop3A_180 = arith.addi %parallel_loop3A_105, %parallel_loop3A_179 : vector<16xi32>
        %parallel_loop3A_181 = tpu.vector_load_idx %arg8[%parallel_loop3A_180] : memref<32000xf32, #tpu.memory_space<vmem>>[vector<16xi32>], vector<16xf32>,
        %parallel_loop3A_182 = arith.constant 9 : i32
        %parallel_loop3A_183 = arith.index_cast %parallel_loop3A_182 : i32 to index
        %parallel_loop3A_184 = arith.index_cast %parallel_loop3A_103 : i32 to index
        %parallel_loop3A_185 = tpu.vector_load %arg17[%parallel_loop3A_183, %parallel_loop3A_184] {strides = array<i32>} : memref<32x1280xf32, #tpu.memory_space<vmem>>, vector<16xf32>,
        tpu.vector_store %arg17[%parallel_loop3A_183, %parallel_loop3A_184], %parallel_loop3A_181 {strides = array<i32>} : memref<32x1280xf32, #tpu.memory_space<vmem>>, vector<16xf32>,
        %parallel_loop3A_186 = arith.constant 10000 : i32
        %parallel_loop3A_187 = vector.broadcast %parallel_loop3A_186 : i32 to vector<16xi32>
        %parallel_loop3A_188 = arith.addi %parallel_loop3A_105, %parallel_loop3A_187 : vector<16xi32>
        %parallel_loop3A_189 = tpu.vector_load_idx %arg8[%parallel_loop3A_188] : memref<32000xf32, #tpu.memory_space<vmem>>[vector<16xi32>], vector<16xf32>,
        %parallel_loop3A_190 = arith.constant 10 : i32
        %parallel_loop3A_191 = arith.index_cast %parallel_loop3A_190 : i32 to index
        %parallel_loop3A_192 = arith.index_cast %parallel_loop3A_103 : i32 to index
        %parallel_loop3A_193 = tpu.vector_load %arg17[%parallel_loop3A_191, %parallel_loop3A_192] {strides = array<i32>} : memref<32x1280xf32, #tpu.memory_space<vmem>>, vector<16xf32>,
        tpu.vector_store %arg17[%parallel_loop3A_191, %parallel_loop3A_192], %parallel_loop3A_189 {strides = array<i32>} : memref<32x1280xf32, #tpu.memory_space<vmem>>, vector<16xf32>,
        %parallel_loop3A_194 = arith.constant 11000 : i32
        %parallel_loop3A_195 = vector.broadcast %parallel_loop3A_194 : i32 to vector<16xi32>
        %parallel_loop3A_196 = arith.addi %parallel_loop3A_105, %parallel_loop3A_195 : vector<16xi32>
        %parallel_loop3A_197 = tpu.vector_load_idx %arg8[%parallel_loop3A_196] : memref<32000xf32, #tpu.memory_space<vmem>>[vector<16xi32>], vector<16xf32>,
        %parallel_loop3A_198 = arith.constant 11 : i32
        %parallel_loop3A_199 = arith.index_cast %parallel_loop3A_198 : i32 to index
        %parallel_loop3A_200 = arith.index_cast %parallel_loop3A_103 : i32 to index
        %parallel_loop3A_201 = tpu.vector_load %arg17[%parallel_loop3A_199, %parallel_loop3A_200] {strides = array<i32>} : memref<32x1280xf32, #tpu.memory_space<vmem>>, vector<16xf32>,
        tpu.vector_store %arg17[%parallel_loop3A_199, %parallel_loop3A_200], %parallel_loop3A_197 {strides = array<i32>} : memref<32x1280xf32, #tpu.memory_space<vmem>>, vector<16xf32>,
        %parallel_loop3A_202 = arith.constant 12000 : i32
        %parallel_loop3A_203 = vector.broadcast %parallel_loop3A_202 : i32 to vector<16xi32>
        %parallel_loop3A_204 = arith.addi %parallel_loop3A_105, %parallel_loop3A_203 : vector<16xi32>
        %parallel_loop3A_205 = tpu.vector_load_idx %arg8[%parallel_loop3A_204] : memref<32000xf32, #tpu.memory_space<vmem>>[vector<16xi32>], vector<16xf32>,
        %parallel_loop3A_206 = arith.constant 12 : i32
        %parallel_loop3A_207 = arith.index_cast %parallel_loop3A_206 : i32 to index
        %parallel_loop3A_208 = arith.index_cast %parallel_loop3A_103 : i32 to index
        %parallel_loop3A_209 = tpu.vector_load %arg17[%parallel_loop3A_207, %parallel_loop3A_208] {strides = array<i32>} : memref<32x1280xf32, #tpu.memory_space<vmem>>, vector<16xf32>,
        tpu.vector_store %arg17[%parallel_loop3A_207, %parallel_loop3A_208], %parallel_loop3A_205 {strides = array<i32>} : memref<32x1280xf32, #tpu.memory_space<vmem>>, vector<16xf32>,
        %parallel_loop3A_210 = arith.constant 13000 : i32
        %parallel_loop3A_211 = vector.broadcast %parallel_loop3A_210 : i32 to vector<16xi32>
        %parallel_loop3A_212 = arith.addi %parallel_loop3A_105, %parallel_loop3A_211 : vector<16xi32>
        %parallel_loop3A_213 = tpu.vector_load_idx %arg8[%parallel_loop3A_212] : memref<32000xf32, #tpu.memory_space<vmem>>[vector<16xi32>], vector<16xf32>,
        %parallel_loop3A_214 = arith.constant 13 : i32
        %parallel_loop3A_215 = arith.index_cast %parallel_loop3A_214 : i32 to index
        %parallel_loop3A_216 = arith.index_cast %parallel_loop3A_103 : i32 to index
        %parallel_loop3A_217 = tpu.vector_load %arg17[%parallel_loop3A_215, %parallel_loop3A_216] {strides = array<i32>} : memref<32x1280xf32, #tpu.memory_space<vmem>>, vector<16xf32>,
        tpu.vector_store %arg17[%parallel_loop3A_215, %parallel_loop3A_216], %parallel_loop3A_213 {strides = array<i32>} : memref<32x1280xf32, #tpu.memory_space<vmem>>, vector<16xf32>,
        %parallel_loop3A_218 = arith.constant 14000 : i32
        %parallel_loop3A_219 = vector.broadcast %parallel_loop3A_218 : i32 to vector<16xi32>
        %parallel_loop3A_220 = arith.addi %parallel_loop3A_105, %parallel_loop3A_219 : vector<16xi32>
        %parallel_loop3A_221 = tpu.vector_load_idx %arg8[%parallel_loop3A_220] : memref<32000xf32, #tpu.memory_space<vmem>>[vector<16xi32>], vector<16xf32>,
        %parallel_loop3A_222 = arith.constant 14 : i32
        %parallel_loop3A_223 = arith.index_cast %parallel_loop3A_222 : i32 to index
        %parallel_loop3A_224 = arith.index_cast %parallel_loop3A_103 : i32 to index
        %parallel_loop3A_225 = tpu.vector_load %arg17[%parallel_loop3A_223, %parallel_loop3A_224] {strides = array<i32>} : memref<32x1280xf32, #tpu.memory_space<vmem>>, vector<16xf32>,
        tpu.vector_store %arg17[%parallel_loop3A_223, %parallel_loop3A_224], %parallel_loop3A_221 {strides = array<i32>} : memref<32x1280xf32, #tpu.memory_space<vmem>>, vector<16xf32>,
        %parallel_loop3A_226 = arith.constant 15000 : i32
        %parallel_loop3A_227 = vector.broadcast %parallel_loop3A_226 : i32 to vector<16xi32>
        %parallel_loop3A_228 = arith.addi %parallel_loop3A_105, %parallel_loop3A_227 : vector<16xi32>
        %parallel_loop3A_229 = tpu.vector_load_idx %arg8[%parallel_loop3A_228] : memref<32000xf32, #tpu.memory_space<vmem>>[vector<16xi32>], vector<16xf32>,
        %parallel_loop3A_230 = arith.constant 15 : i32
        %parallel_loop3A_231 = arith.index_cast %parallel_loop3A_230 : i32 to index
        %parallel_loop3A_232 = arith.index_cast %parallel_loop3A_103 : i32 to index
        %parallel_loop3A_233 = tpu.vector_load %arg17[%parallel_loop3A_231, %parallel_loop3A_232] {strides = array<i32>} : memref<32x1280xf32, #tpu.memory_space<vmem>>, vector<16xf32>,
        tpu.vector_store %arg17[%parallel_loop3A_231, %parallel_loop3A_232], %parallel_loop3A_229 {strides = array<i32>} : memref<32x1280xf32, #tpu.memory_space<vmem>>, vector<16xf32>,
        %parallel_loop3A_234 = arith.constant 16000 : i32
        %parallel_loop3A_235 = vector.broadcast %parallel_loop3A_234 : i32 to vector<16xi32>
        %parallel_loop3A_236 = arith.addi %parallel_loop3A_105, %parallel_loop3A_235 : vector<16xi32>
        %parallel_loop3A_237 = tpu.vector_load_idx %arg8[%parallel_loop3A_236] : memref<32000xf32, #tpu.memory_space<vmem>>[vector<16xi32>], vector<16xf32>,
        %parallel_loop3A_238 = arith.constant 16 : i32
        %parallel_loop3A_239 = arith.index_cast %parallel_loop3A_238 : i32 to index
        %parallel_loop3A_240 = arith.index_cast %parallel_loop3A_103 : i32 to index
        %parallel_loop3A_241 = tpu.vector_load %arg17[%parallel_loop3A_239, %parallel_loop3A_240] {strides = array<i32>} : memref<32x1280xf32, #tpu.memory_space<vmem>>, vector<16xf32>,
        tpu.vector_store %arg17[%parallel_loop3A_239, %parallel_loop3A_240], %parallel_loop3A_237 {strides = array<i32>} : memref<32x1280xf32, #tpu.memory_space<vmem>>, vector<16xf32>,
        %parallel_loop3A_242 = arith.constant 17000 : i32
        %parallel_loop3A_243 = vector.broadcast %parallel_loop3A_242 : i32 to vector<16xi32>
        %parallel_loop3A_244 = arith.addi %parallel_loop3A_105, %parallel_loop3A_243 : vector<16xi32>
        %parallel_loop3A_245 = tpu.vector_load_idx %arg8[%parallel_loop3A_244] : memref<32000xf32, #tpu.memory_space<vmem>>[vector<16xi32>], vector<16xf32>,
        %parallel_loop3A_246 = arith.constant 17 : i32
        %parallel_loop3A_247 = arith.index_cast %parallel_loop3A_246 : i32 to index
        %parallel_loop3A_248 = arith.index_cast %parallel_loop3A_103 : i32 to index
        %parallel_loop3A_249 = tpu.vector_load %arg17[%parallel_loop3A_247, %parallel_loop3A_248] {strides = array<i32>} : memref<32x1280xf32, #tpu.memory_space<vmem>>, vector<16xf32>,
        tpu.vector_store %arg17[%parallel_loop3A_247, %parallel_loop3A_248], %parallel_loop3A_245 {strides = array<i32>} : memref<32x1280xf32, #tpu.memory_space<vmem>>, vector<16xf32>,
        %parallel_loop3A_250 = arith.constant 18000 : i32
        %parallel_loop3A_251 = vector.broadcast %parallel_loop3A_250 : i32 to vector<16xi32>
        %parallel_loop3A_252 = arith.addi %parallel_loop3A_105, %parallel_loop3A_251 : vector<16xi32>
        %parallel_loop3A_253 = tpu.vector_load_idx %arg8[%parallel_loop3A_252] : memref<32000xf32, #tpu.memory_space<vmem>>[vector<16xi32>], vector<16xf32>,
        %parallel_loop3A_254 = arith.constant 18 : i32
        %parallel_loop3A_255 = arith.index_cast %parallel_loop3A_254 : i32 to index
        %parallel_loop3A_256 = arith.index_cast %parallel_loop3A_103 : i32 to index
        %parallel_loop3A_257 = tpu.vector_load %arg17[%parallel_loop3A_255, %parallel_loop3A_256] {strides = array<i32>} : memref<32x1280xf32, #tpu.memory_space<vmem>>, vector<16xf32>,
        tpu.vector_store %arg17[%parallel_loop3A_255, %parallel_loop3A_256], %parallel_loop3A_253 {strides = array<i32>} : memref<32x1280xf32, #tpu.memory_space<vmem>>, vector<16xf32>,
        %parallel_loop3A_258 = arith.constant 19000 : i32
        %parallel_loop3A_259 = vector.broadcast %parallel_loop3A_258 : i32 to vector<16xi32>
        %parallel_loop3A_260 = arith.addi %parallel_loop3A_105, %parallel_loop3A_259 : vector<16xi32>
        %parallel_loop3A_261 = tpu.vector_load_idx %arg8[%parallel_loop3A_260] : memref<32000xf32, #tpu.memory_space<vmem>>[vector<16xi32>], vector<16xf32>,
        %parallel_loop3A_262 = arith.constant 19 : i32
        %parallel_loop3A_263 = arith.index_cast %parallel_loop3A_262 : i32 to index
        %parallel_loop3A_264 = arith.index_cast %parallel_loop3A_103 : i32 to index
        %parallel_loop3A_265 = tpu.vector_load %arg17[%parallel_loop3A_263, %parallel_loop3A_264] {strides = array<i32>} : memref<32x1280xf32, #tpu.memory_space<vmem>>, vector<16xf32>,
        tpu.vector_store %arg17[%parallel_loop3A_263, %parallel_loop3A_264], %parallel_loop3A_261 {strides = array<i32>} : memref<32x1280xf32, #tpu.memory_space<vmem>>, vector<16xf32>,
        %parallel_loop3A_266 = arith.constant 20000 : i32
        %parallel_loop3A_267 = vector.broadcast %parallel_loop3A_266 : i32 to vector<16xi32>
        %parallel_loop3A_268 = arith.addi %parallel_loop3A_105, %parallel_loop3A_267 : vector<16xi32>
        %parallel_loop3A_269 = tpu.vector_load_idx %arg8[%parallel_loop3A_268] : memref<32000xf32, #tpu.memory_space<vmem>>[vector<16xi32>], vector<16xf32>,
        %parallel_loop3A_270 = arith.constant 20 : i32
        %parallel_loop3A_271 = arith.index_cast %parallel_loop3A_270 : i32 to index
        %parallel_loop3A_272 = arith.index_cast %parallel_loop3A_103 : i32 to index
        %parallel_loop3A_273 = tpu.vector_load %arg17[%parallel_loop3A_271, %parallel_loop3A_272] {strides = array<i32>} : memref<32x1280xf32, #tpu.memory_space<vmem>>, vector<16xf32>,
        tpu.vector_store %arg17[%parallel_loop3A_271, %parallel_loop3A_272], %parallel_loop3A_269 {strides = array<i32>} : memref<32x1280xf32, #tpu.memory_space<vmem>>, vector<16xf32>,
        %parallel_loop3A_274 = arith.constant 21000 : i32
        %parallel_loop3A_275 = vector.broadcast %parallel_loop3A_274 : i32 to vector<16xi32>
        %parallel_loop3A_276 = arith.addi %parallel_loop3A_105, %parallel_loop3A_275 : vector<16xi32>
        %parallel_loop3A_277 = tpu.vector_load_idx %arg8[%parallel_loop3A_276] : memref<32000xf32, #tpu.memory_space<vmem>>[vector<16xi32>], vector<16xf32>,
        %parallel_loop3A_278 = arith.constant 21 : i32
        %parallel_loop3A_279 = arith.index_cast %parallel_loop3A_278 : i32 to index
        %parallel_loop3A_280 = arith.index_cast %parallel_loop3A_103 : i32 to index
        %parallel_loop3A_281 = tpu.vector_load %arg17[%parallel_loop3A_279, %parallel_loop3A_280] {strides = array<i32>} : memref<32x1280xf32, #tpu.memory_space<vmem>>, vector<16xf32>,
        tpu.vector_store %arg17[%parallel_loop3A_279, %parallel_loop3A_280], %parallel_loop3A_277 {strides = array<i32>} : memref<32x1280xf32, #tpu.memory_space<vmem>>, vector<16xf32>,
        %parallel_loop3A_282 = arith.constant 22000 : i32
        %parallel_loop3A_283 = vector.broadcast %parallel_loop3A_282 : i32 to vector<16xi32>
        %parallel_loop3A_284 = arith.addi %parallel_loop3A_105, %parallel_loop3A_283 : vector<16xi32>
        %parallel_loop3A_285 = tpu.vector_load_idx %arg8[%parallel_loop3A_284] : memref<32000xf32, #tpu.memory_space<vmem>>[vector<16xi32>], vector<16xf32>,
        %parallel_loop3A_286 = arith.constant 22 : i32
        %parallel_loop3A_287 = arith.index_cast %parallel_loop3A_286 : i32 to index
        %parallel_loop3A_288 = arith.index_cast %parallel_loop3A_103 : i32 to index
        %parallel_loop3A_289 = tpu.vector_load %arg17[%parallel_loop3A_287, %parallel_loop3A_288] {strides = array<i32>} : memref<32x1280xf32, #tpu.memory_space<vmem>>, vector<16xf32>,
        tpu.vector_store %arg17[%parallel_loop3A_287, %parallel_loop3A_288], %parallel_loop3A_285 {strides = array<i32>} : memref<32x1280xf32, #tpu.memory_space<vmem>>, vector<16xf32>,
        %parallel_loop3A_290 = arith.constant 23000 : i32
        %parallel_loop3A_291 = vector.broadcast %parallel_loop3A_290 : i32 to vector<16xi32>
        %parallel_loop3A_292 = arith.addi %parallel_loop3A_105, %parallel_loop3A_291 : vector<16xi32>
        %parallel_loop3A_293 = tpu.vector_load_idx %arg8[%parallel_loop3A_292] : memref<32000xf32, #tpu.memory_space<vmem>>[vector<16xi32>], vector<16xf32>,
        %parallel_loop3A_294 = arith.constant 23 : i32
        %parallel_loop3A_295 = arith.index_cast %parallel_loop3A_294 : i32 to index
        %parallel_loop3A_296 = arith.index_cast %parallel_loop3A_103 : i32 to index
        %parallel_loop3A_297 = tpu.vector_load %arg17[%parallel_loop3A_295, %parallel_loop3A_296] {strides = array<i32>} : memref<32x1280xf32, #tpu.memory_space<vmem>>, vector<16xf32>,
        tpu.vector_store %arg17[%parallel_loop3A_295, %parallel_loop3A_296], %parallel_loop3A_293 {strides = array<i32>} : memref<32x1280xf32, #tpu.memory_space<vmem>>, vector<16xf32>,
        %parallel_loop3A_298 = arith.constant 24000 : i32
        %parallel_loop3A_299 = vector.broadcast %parallel_loop3A_298 : i32 to vector<16xi32>
        %parallel_loop3A_300 = arith.addi %parallel_loop3A_105, %parallel_loop3A_299 : vector<16xi32>
        %parallel_loop3A_301 = tpu.vector_load_idx %arg8[%parallel_loop3A_300] : memref<32000xf32, #tpu.memory_space<vmem>>[vector<16xi32>], vector<16xf32>,
        %parallel_loop3A_302 = arith.constant 24 : i32
        %parallel_loop3A_303 = arith.index_cast %parallel_loop3A_302 : i32 to index
        %parallel_loop3A_304 = arith.index_cast %parallel_loop3A_103 : i32 to index
        %parallel_loop3A_305 = tpu.vector_load %arg17[%parallel_loop3A_303, %parallel_loop3A_304] {strides = array<i32>} : memref<32x1280xf32, #tpu.memory_space<vmem>>, vector<16xf32>,
        tpu.vector_store %arg17[%parallel_loop3A_303, %parallel_loop3A_304], %parallel_loop3A_301 {strides = array<i32>} : memref<32x1280xf32, #tpu.memory_space<vmem>>, vector<16xf32>,
        %parallel_loop3A_306 = arith.constant 25000 : i32
        %parallel_loop3A_307 = vector.broadcast %parallel_loop3A_306 : i32 to vector<16xi32>
        %parallel_loop3A_308 = arith.addi %parallel_loop3A_105, %parallel_loop3A_307 : vector<16xi32>
        %parallel_loop3A_309 = tpu.vector_load_idx %arg8[%parallel_loop3A_308] : memref<32000xf32, #tpu.memory_space<vmem>>[vector<16xi32>], vector<16xf32>,
        %parallel_loop3A_310 = arith.constant 25 : i32
        %parallel_loop3A_311 = arith.index_cast %parallel_loop3A_310 : i32 to index
        %parallel_loop3A_312 = arith.index_cast %parallel_loop3A_103 : i32 to index
        %parallel_loop3A_313 = tpu.vector_load %arg17[%parallel_loop3A_311, %parallel_loop3A_312] {strides = array<i32>} : memref<32x1280xf32, #tpu.memory_space<vmem>>, vector<16xf32>,
        tpu.vector_store %arg17[%parallel_loop3A_311, %parallel_loop3A_312], %parallel_loop3A_309 {strides = array<i32>} : memref<32x1280xf32, #tpu.memory_space<vmem>>, vector<16xf32>,
        %parallel_loop3A_314 = arith.constant 26000 : i32
        %parallel_loop3A_315 = vector.broadcast %parallel_loop3A_314 : i32 to vector<16xi32>
        %parallel_loop3A_316 = arith.addi %parallel_loop3A_105, %parallel_loop3A_315 : vector<16xi32>
        %parallel_loop3A_317 = tpu.vector_load_idx %arg8[%parallel_loop3A_316] : memref<32000xf32, #tpu.memory_space<vmem>>[vector<16xi32>], vector<16xf32>,
        %parallel_loop3A_318 = arith.constant 26 : i32
        %parallel_loop3A_319 = arith.index_cast %parallel_loop3A_318 : i32 to index
        %parallel_loop3A_320 = arith.index_cast %parallel_loop3A_103 : i32 to index
        %parallel_loop3A_321 = tpu.vector_load %arg17[%parallel_loop3A_319, %parallel_loop3A_320] {strides = array<i32>} : memref<32x1280xf32, #tpu.memory_space<vmem>>, vector<16xf32>,
        tpu.vector_store %arg17[%parallel_loop3A_319, %parallel_loop3A_320], %parallel_loop3A_317 {strides = array<i32>} : memref<32x1280xf32, #tpu.memory_space<vmem>>, vector<16xf32>,
        %parallel_loop3A_322 = arith.constant 27000 : i32
        %parallel_loop3A_323 = vector.broadcast %parallel_loop3A_322 : i32 to vector<16xi32>
        %parallel_loop3A_324 = arith.addi %parallel_loop3A_105, %parallel_loop3A_323 : vector<16xi32>
        %parallel_loop3A_325 = tpu.vector_load_idx %arg8[%parallel_loop3A_324] : memref<32000xf32, #tpu.memory_space<vmem>>[vector<16xi32>], vector<16xf32>,
        %parallel_loop3A_326 = arith.constant 27 : i32
        %parallel_loop3A_327 = arith.index_cast %parallel_loop3A_326 : i32 to index
        %parallel_loop3A_328 = arith.index_cast %parallel_loop3A_103 : i32 to index
        %parallel_loop3A_329 = tpu.vector_load %arg17[%parallel_loop3A_327, %parallel_loop3A_328] {strides = array<i32>} : memref<32x1280xf32, #tpu.memory_space<vmem>>, vector<16xf32>,
        tpu.vector_store %arg17[%parallel_loop3A_327, %parallel_loop3A_328], %parallel_loop3A_325 {strides = array<i32>} : memref<32x1280xf32, #tpu.memory_space<vmem>>, vector<16xf32>,
        %parallel_loop3A_330 = arith.constant 28000 : i32
        %parallel_loop3A_331 = vector.broadcast %parallel_loop3A_330 : i32 to vector<16xi32>
        %parallel_loop3A_332 = arith.addi %parallel_loop3A_105, %parallel_loop3A_331 : vector<16xi32>
        %parallel_loop3A_333 = tpu.vector_load_idx %arg8[%parallel_loop3A_332] : memref<32000xf32, #tpu.memory_space<vmem>>[vector<16xi32>], vector<16xf32>,
        %parallel_loop3A_334 = arith.constant 28 : i32
        %parallel_loop3A_335 = arith.index_cast %parallel_loop3A_334 : i32 to index
        %parallel_loop3A_336 = arith.index_cast %parallel_loop3A_103 : i32 to index
        %parallel_loop3A_337 = tpu.vector_load %arg17[%parallel_loop3A_335, %parallel_loop3A_336] {strides = array<i32>} : memref<32x1280xf32, #tpu.memory_space<vmem>>, vector<16xf32>,
        tpu.vector_store %arg17[%parallel_loop3A_335, %parallel_loop3A_336], %parallel_loop3A_333 {strides = array<i32>} : memref<32x1280xf32, #tpu.memory_space<vmem>>, vector<16xf32>,
        %parallel_loop3A_338 = arith.constant 29000 : i32
        %parallel_loop3A_339 = vector.broadcast %parallel_loop3A_338 : i32 to vector<16xi32>
        %parallel_loop3A_340 = arith.addi %parallel_loop3A_105, %parallel_loop3A_339 : vector<16xi32>
        %parallel_loop3A_341 = tpu.vector_load_idx %arg8[%parallel_loop3A_340] : memref<32000xf32, #tpu.memory_space<vmem>>[vector<16xi32>], vector<16xf32>,
        %parallel_loop3A_342 = arith.constant 29 : i32
        %parallel_loop3A_343 = arith.index_cast %parallel_loop3A_342 : i32 to index
        %parallel_loop3A_344 = arith.index_cast %parallel_loop3A_103 : i32 to index
        %parallel_loop3A_345 = tpu.vector_load %arg17[%parallel_loop3A_343, %parallel_loop3A_344] {strides = array<i32>} : memref<32x1280xf32, #tpu.memory_space<vmem>>, vector<16xf32>,
        tpu.vector_store %arg17[%parallel_loop3A_343, %parallel_loop3A_344], %parallel_loop3A_341 {strides = array<i32>} : memref<32x1280xf32, #tpu.memory_space<vmem>>, vector<16xf32>,
        %parallel_loop3A_346 = arith.constant 30000 : i32
        %parallel_loop3A_347 = vector.broadcast %parallel_loop3A_346 : i32 to vector<16xi32>
        %parallel_loop3A_348 = arith.addi %parallel_loop3A_105, %parallel_loop3A_347 : vector<16xi32>
        %parallel_loop3A_349 = tpu.vector_load_idx %arg8[%parallel_loop3A_348] : memref<32000xf32, #tpu.memory_space<vmem>>[vector<16xi32>], vector<16xf32>,
        %parallel_loop3A_350 = arith.constant 30 : i32
        %parallel_loop3A_351 = arith.index_cast %parallel_loop3A_350 : i32 to index
        %parallel_loop3A_352 = arith.index_cast %parallel_loop3A_103 : i32 to index
        %parallel_loop3A_353 = tpu.vector_load %arg17[%parallel_loop3A_351, %parallel_loop3A_352] {strides = array<i32>} : memref<32x1280xf32, #tpu.memory_space<vmem>>, vector<16xf32>,
        tpu.vector_store %arg17[%parallel_loop3A_351, %parallel_loop3A_352], %parallel_loop3A_349 {strides = array<i32>} : memref<32x1280xf32, #tpu.memory_space<vmem>>, vector<16xf32>,
        %parallel_loop3A_354 = arith.constant 31000 : i32
        %parallel_loop3A_355 = vector.broadcast %parallel_loop3A_354 : i32 to vector<16xi32>
        %parallel_loop3A_356 = arith.addi %parallel_loop3A_105, %parallel_loop3A_355 : vector<16xi32>
        %parallel_loop3A_357 = tpu.vector_load_idx %arg8[%parallel_loop3A_356] : memref<32000xf32, #tpu.memory_space<vmem>>[vector<16xi32>], vector<16xf32>,
        %parallel_loop3A_358 = arith.constant 31 : i32
        %parallel_loop3A_359 = arith.index_cast %parallel_loop3A_358 : i32 to index
        %parallel_loop3A_360 = arith.index_cast %parallel_loop3A_103 : i32 to index
        %parallel_loop3A_361 = tpu.vector_load %arg17[%parallel_loop3A_359, %parallel_loop3A_360] {strides = array<i32>} : memref<32x1280xf32, #tpu.memory_space<vmem>>, vector<16xf32>,
        tpu.vector_store %arg17[%parallel_loop3A_359, %parallel_loop3A_360], %parallel_loop3A_357 {strides = array<i32>} : memref<32x1280xf32, #tpu.memory_space<vmem>>, vector<16xf32>,
      } {sc.loop_unroll_factor = 2 : i64, sc.parallel_access}
      %mul3A_90 = arith.constant 1280 : i32
      %mul3A_91 = arith.muli %add3A_77, %mul3A_90 : i32
      %dma_start3A_92 = tpu.memref_slice %arg6[%min3A_13, %mul3A_91] : memref<1000x51200xf32, #tpu.memory_space<hbm>> -> memref<32x1280xf32, #tpu.memory_space<hbm>>
      %dma_start3A_93 = tpu.memref_slice %arg6[%min3A_13, %mul3A_91] : memref<1000x51200xf32, #tpu.memory_space<hbm>> -> memref<32x1280xf32, #tpu.memory_space<hbm>>
      tpu.enqueue_dma source(%arg17 : memref<32x1280xf32, #tpu.memory_space<vmem>>) target(%dma_start3A_93 : memref<32x1280xf32, #tpu.memory_space<hbm>>) target_semaphore(%arg24 : memref<!tpu.dma_semaphore, #tpu.memory_space<semaphore_mem>>)
      %add3A_94 = arith.constant 2 : i32
      %add3A_95 = arith.addi %add3A_77, %add3A_94 : i32
      %lt3A_96 = arith.constant 40 : i32
      %lt3A_97 = arith.cmpi slt, %add3A_95, %lt3A_96 : i32
      %convert_element_type3A_98 = arith.extui %lt3A_97 : i1 to i32
      %cond3A_99 = arith.constant 0 : i32
      %cond3A_100 = arith.cmpi ne, %convert_element_type3A_98, %cond3A_99 : i32
      scf.if %cond3A_100 {
        %add3A_101 = arith.constant 2 : i32
        %add3A_102 = arith.addi %add3A_77, %add3A_101 : i32
        %mul3A_103 = arith.constant 1280 : i32
        %mul3A_104 = arith.muli %add3A_102, %mul3A_103 : i32
        %dma_start3A_105 = tpu.memref_slice %arg2[%mul3A_104] : memref<51200xi32, #tpu.memory_space<hbm>> -> memref<1280xi32, #tpu.memory_space<hbm>>
        %dma_start3A_106 = tpu.memref_slice %arg2[%mul3A_104] : memref<51200xi32, #tpu.memory_space<hbm>> -> memref<1280xi32, #tpu.memory_space<hbm>>
        tpu.enqueue_dma source(%dma_start3A_106 : memref<1280xi32, #tpu.memory_space<hbm>>) target(%arg15 : memref<1280xi32, #tpu.memory_space<vmem>>) target_semaphore(%arg22 : memref<!tpu.dma_semaphore, #tpu.memory_space<semaphore_mem>>)
      } else {
      }
    }
    %scan3A_32 = arith.constant 20 : i32
    %dma_wait3A_33 = arith.constant 48640 : i32
    %dma_wait3A_34 = tpu.memref_slice %arg6[%min3A_13, %dma_wait3A_33] : memref<1000x51200xf32, #tpu.memory_space<hbm>> -> memref<32x1280xf32, #tpu.memory_space<hbm>>
    %dma_wait3A_35 = arith.constant 48640 : i32
    %dma_wait3A_36 = tpu.memref_slice %arg6[%min3A_13, %dma_wait3A_35] : memref<1000x51200xf32, #tpu.memory_space<hbm>> -> memref<32x1280xf32, #tpu.memory_space<hbm>>
    tpu.wait_dma2 semaphore(%arg23 : memref<!tpu.dma_semaphore, #tpu.memory_space<semaphore_mem>>) src(%arg16 : memref<32x1280xf32, #tpu.memory_space<vmem>>) dst(%dma_wait3A_36 : memref<32x1280xf32, #tpu.memory_space<hbm>>)
    %dma_wait3A_37 = arith.constant 49920 : i32
    %dma_wait3A_38 = tpu.memref_slice %arg6[%min3A_13, %dma_wait3A_37] : memref<1000x51200xf32, #tpu.memory_space<hbm>> -> memref<32x1280xf32, #tpu.memory_space<hbm>>
    %dma_wait3A_39 = arith.constant 49920 : i32
    %dma_wait3A_40 = tpu.memref_slice %arg6[%min3A_13, %dma_wait3A_39] : memref<1000x51200xf32, #tpu.memory_space<hbm>> -> memref<32x1280xf32, #tpu.memory_space<hbm>>
    tpu.wait_dma2 semaphore(%arg24 : memref<!tpu.dma_semaphore, #tpu.memory_space<semaphore_mem>>) src(%arg17 : memref<32x1280xf32, #tpu.memory_space<vmem>>) dst(%dma_wait3A_40 : memref<32x1280xf32, #tpu.memory_space<hbm>>)
    %dma_wait3A_41 = arith.constant 0 : i32
    %dma_wait3A_42 = tpu.memref_slice %arg4[%dma_wait3A_41] : memref<1000xf32, #tpu.memory_space<hbm>> -> memref<1000xf32, #tpu.memory_space<hbm>>
    tpu.wait_indirect_dma semaphore(%arg18 : memref<!tpu.dma_semaphore, #tpu.memory_space<semaphore_mem>>) src(%dma_wait3A_42 : memref<1000xf32, #tpu.memory_space<hbm>>) dst(%arg11 : memref<1600xf32, #tpu.memory_space<vmem>>)
    %dma_wait3A_43 = arith.constant 0 : i32
    %dma_wait3A_44 = tpu.memref_slice %arg5[%dma_wait3A_43] : memref<1000000xf32, #tpu.memory_space<hbm>> -> memref<1000000xf32, #tpu.memory_space<hbm>>
    tpu.wait_indirect_dma semaphore(%arg19 : memref<!tpu.dma_semaphore, #tpu.memory_space<semaphore_mem>>) src(%dma_wait3A_44 : memref<1000000xf32, #tpu.memory_space<hbm>>) dst(%arg12 : memref<1600xf32, #tpu.memory_space<vmem>>)
    %broadcast_in_dim3A = arith.constant 0.000000e+00 : f32
    %broadcast_in_dim3A_45 = vector.broadcast %broadcast_in_dim3A : f32 to vector<16xf32>
    %swap3A = arith.constant 0 : index
    %swap3A_46 = tpu.vector_load %arg13[%swap3A] {strides = array<i32>} : memref<16xf32, #tpu.memory_space<vmem>>, vector<16xf32>,
    tpu.vector_store %arg13[%swap3A], %broadcast_in_dim3A_45 {strides = array<i32>} : memref<16xf32, #tpu.memory_space<vmem>>, vector<16xf32>,
    %scan3A_47 = arith.constant 0 : i32
    %scan3A_48 = arith.constant 0 : i32
    %scan3A_49 = arith.constant 100 : i32
    %scan3A_50 = arith.addi %scan3A_48, %scan3A_49 : i32
    %scan3A_51 = arith.constant 1 : i32
    scf.for %scan3A_53 = %scan3A_48 to %scan3A_50 step %scan3A_51  : i32 {
      %mul3A_54 = arith.constant 16 : i32
      %mul3A_55 = arith.muli %scan3A_53, %mul3A_54 : i32
      %get3A = arith.constant 0 : index
      %get3A_56 = tpu.vector_load %arg13[%get3A] {strides = array<i32>} : memref<16xf32, #tpu.memory_space<vmem>>, vector<16xf32>,
      %get3A_57 = arith.index_cast %mul3A_55 : i32 to index
      %get3A_58 = tpu.vector_load %arg11[%get3A_57] {strides = array<i32>} : memref<1600xf32, #tpu.memory_space<vmem>>, vector<16xf32>,
      %get3A_59 = arith.index_cast %mul3A_55 : i32 to index
      %get3A_60 = tpu.vector_load %arg12[%get3A_59] {strides = array<i32>} : memref<1600xf32, #tpu.memory_space<vmem>>, vector<16xf32>,
      %sub3A = arith.subf %get3A_58, %get3A_60 : vector<16xf32>
      %add3A_61 = arith.addf %get3A_56, %sub3A : vector<16xf32>
      %swap3A_62 = arith.constant 0 : index
      %swap3A_63 = tpu.vector_load %arg13[%swap3A_62] {strides = array<i32>} : memref<16xf32, #tpu.memory_space<vmem>>, vector<16xf32>,
      tpu.vector_store %arg13[%swap3A_62], %add3A_61 {strides = array<i32>} : memref<16xf32, #tpu.memory_space<vmem>>, vector<16xf32>,
    }
    %scan3A_52 = arith.constant 100 : i32
    "tpu.region"() ({
      %run_scoped3A = tpu.sem_alloc : memref<!tpu.dma_semaphore, #tpu.memory_space<semaphore_mem>>
      %dma_start3A_53 = arith.constant 0 : i32
      %dma_start3A_54 = tpu.memref_slice %arg7[%add3A, %dma_start3A_53] : memref<32x16xf32, #tpu.memory_space<hbm>> -> memref<1x16xf32, #tpu.memory_space<hbm>>
      %dma_start3A_55 = tpu.memref_squeeze %dma_start3A_54 : memref<1x16xf32, #tpu.memory_space<hbm>> -> memref<16xf32, #tpu.memory_space<hbm>>
      %dma_start3A_56 = arith.constant 0 : i32
      %dma_start3A_57 = tpu.memref_slice %arg7[%add3A, %dma_start3A_56] : memref<32x16xf32, #tpu.memory_space<hbm>> -> memref<1x16xf32, #tpu.memory_space<hbm>>
      %dma_start3A_58 = tpu.memref_squeeze %dma_start3A_57 : memref<1x16xf32, #tpu.memory_space<hbm>> -> memref<16xf32, #tpu.memory_space<hbm>>
      tpu.enqueue_dma source(%arg13 : memref<16xf32, #tpu.memory_space<vmem>>) target(%dma_start3A_58 : memref<16xf32, #tpu.memory_space<hbm>>) target_semaphore(%run_scoped3A : memref<!tpu.dma_semaphore, #tpu.memory_space<semaphore_mem>>)
      %dma_wait3A_59 = arith.constant 0 : i32
      %dma_wait3A_60 = tpu.memref_slice %arg7[%add3A, %dma_wait3A_59] : memref<32x16xf32, #tpu.memory_space<hbm>> -> memref<1x16xf32, #tpu.memory_space<hbm>>
      %dma_wait3A_61 = tpu.memref_squeeze %dma_wait3A_60 : memref<1x16xf32, #tpu.memory_space<hbm>> -> memref<16xf32, #tpu.memory_space<hbm>>
      %dma_wait3A_62 = arith.constant 0 : i32
      %dma_wait3A_63 = tpu.memref_slice %arg7[%add3A, %dma_wait3A_62] : memref<32x16xf32, #tpu.memory_space<hbm>> -> memref<1x16xf32, #tpu.memory_space<hbm>>
      %dma_wait3A_64 = tpu.memref_squeeze %dma_wait3A_63 : memref<1x16xf32, #tpu.memory_space<hbm>> -> memref<16xf32, #tpu.memory_space<hbm>>
      tpu.wait_dma2 semaphore(%run_scoped3A : memref<!tpu.dma_semaphore, #tpu.memory_space<semaphore_mem>>) src(%arg13 : memref<16xf32, #tpu.memory_space<vmem>>) dst(%dma_wait3A_64 : memref<16xf32, #tpu.memory_space<hbm>>)
      tpu.yield
    }) : () -> ()
    return
  }
}

module attributes {stable_mosaic.version = 14 : i64} {
  func.func @_lse_body(%arg0: memref<1000x1000xf32, #tpu.memory_space<vmem>>, %arg1: memref<1000x1xf32, #tpu.memory_space<vmem>>, %arg2: memref<1000x1000xf32, #tpu.memory_space<vmem>>) attributes {dimension_semantics = [], scalar_prefetch = 0 : i64, scratch_operands = 0 : i64, tpu.core_type = #tpu.core_type<tc>} {
    %get3A = arith.constant 0 : index
    %get3A_0 = arith.constant 0 : index
    %get3A_1 = vector.load %arg0[%get3A, %get3A_0] : memref<1000x1000xf32, #tpu.memory_space<vmem>>, vector<1000x1000xf32>
    %reduce_max3A = arith.constant dense<0xFF800000> : vector<1000xf32>
    %reduce_max3A_2 = vector.multi_reduction <maximumf>, %get3A_1, %reduce_max3A [1] : vector<1000x1000xf32> to vector<1000xf32>
    %broadcast_in_dim3A = vector.shape_cast %reduce_max3A_2 : vector<1000xf32> to vector<1000x1xf32>
    %sub3A = vector.broadcast %broadcast_in_dim3A : vector<1000x1xf32> to vector<1000x1000xf32>
    %sub3A_3 = arith.subf %get3A_1, %sub3A : vector<1000x1000xf32>
    %exp3A = math.exp %sub3A_3 : vector<1000x1000xf32>
    %reduce_sum3A = arith.constant dense<0.000000e+00> : vector<1000xf32>
    %reduce_sum3A_4 = vector.multi_reduction <add>, %exp3A, %reduce_sum3A [1] : vector<1000x1000xf32> to vector<1000xf32>
    %broadcast_in_dim3A_5 = vector.shape_cast %reduce_sum3A_4 : vector<1000xf32> to vector<1000x1xf32>
    %log3A = math.log %broadcast_in_dim3A_5 : vector<1000x1xf32>
    %add3A = arith.addf %broadcast_in_dim3A, %log3A : vector<1000x1xf32>
    %swap3A = arith.constant 0 : index
    %swap3A_6 = arith.constant 0 : index
    %swap3A_7 = vector.load %arg1[%swap3A, %swap3A_6] : memref<1000x1xf32, #tpu.memory_space<vmem>>, vector<1000x1xf32>
    tpu.vector_store %arg1[%swap3A, %swap3A_6], %add3A {strides = array<i32>} : memref<1000x1xf32, #tpu.memory_space<vmem>>, vector<1000x1xf32>,
    %transpose3A = tpu.transpose %get3A_1, [1, 0] : vector<1000x1000xf32> -> vector<1000x1000xf32>
    %swap3A_8 = arith.constant 0 : index
    %swap3A_9 = arith.constant 0 : index
    %swap3A_10 = vector.load %arg2[%swap3A_8, %swap3A_9] : memref<1000x1000xf32, #tpu.memory_space<vmem>>, vector<1000x1000xf32>
    tpu.vector_store %arg2[%swap3A_8, %swap3A_9], %transpose3A {strides = array<i32>} : memref<1000x1000xf32, #tpu.memory_space<vmem>>, vector<1000x1000xf32>,
    return
  }
}

module attributes {stable_mosaic.version = 14 : i64} {
  func.func @_finalize_body(%arg0: memref<32x16xf32, #tpu.memory_space<vmem>>, %arg1: memref<1x1xf32, #tpu.memory_space<vmem>>) attributes {dimension_semantics = [], scalar_prefetch = 0 : i64, scratch_operands = 0 : i64, tpu.core_type = #tpu.core_type<tc>} {
    %get3A = arith.constant 0 : index
    %get3A_0 = arith.constant 0 : index
    %get3A_1 = vector.load %arg0[%get3A, %get3A_0] : memref<32x16xf32, #tpu.memory_space<vmem>>, vector<32x16xf32>
    %reduce_sum3A = vector.shape_cast %get3A_1 : vector<32x16xf32> to vector<1x32x16xf32>
    %reduce_sum3A_2 = arith.constant dense<0.000000e+00> : vector<1xf32>
    %reduce_sum3A_3 = vector.multi_reduction <add>, %reduce_sum3A, %reduce_sum3A_2 [1, 2] : vector<1x32x16xf32> to vector<1xf32>
    %reduce_sum3A_4 = vector.shape_cast %reduce_sum3A_3 : vector<1xf32> to vector<1x1x1xf32>
    %reduce_sum3A_5 = vector.extract %reduce_sum3A_4[0, 0, 0] : f32 from vector<1x1x1xf32>
    %mul3A = arith.constant 1.95312496E-5 : f32
    %mul3A_6 = arith.mulf %reduce_sum3A_5, %mul3A : f32
    %reshape3A = vector.broadcast %mul3A_6 : f32 to vector<1x1xf32>
    %swap3A = arith.constant 0 : index
    %swap3A_7 = arith.constant 0 : index
    %swap3A_8 = vector.load %arg1[%swap3A, %swap3A_7] : memref<1x1xf32, #tpu.memory_space<vmem>>, vector<1x1xf32>
    tpu.vector_store %arg1[%swap3A, %swap3A_7], %reshape3A {strides = array<i32>} : memref<1x1xf32, #tpu.memory_space<vmem>>, vector<1x1xf32>,
    return
  }
}

</mosaic_0001>

<sc_bundles>
// kernel: kernel.5.cloned.1.call-start
scs
__scs_entry_jumppad:
0x0: {  	(pc) =	sbr.rel $0x88, $3  }
0x1: {  	(tag) =	ssettag $0x0;
	lr =	simm.s32 $0x1  }
0x2: {  	[smem:$0x3F9E] =	sst lr;
	_ =	strace $0xD0000000  }
0x3: {  	_ = 	snop  }
0x4: {  	_ = 	snop  }
0x5: {  	_ = 	snop  }
0x6: {  	_ = 	snop  }
0x7: {  	_ = 	snop  }
__scs_overlays_trampoline_lowered:
0x8: {  	[smem:$0x3FAD] =	sst s0  }
0x9: {  	[smem:$0x3FAE] =	sst s1  }
0xa: {  	[smem:$0x3FAF] =	sst s2  }
0xb: {  	[smem:$0x3FB0] =	sst s3  }
0xc: {  	[smem:$0x3FB1] =	sst s4  }
0xd: {  	[smem:$0x3FB2] =	sst s5  }
0xe: {  	[smem:$0x3FB3] =	sst s6  }
0xf: {  	[smem:$0x3FB4] =	sst s7  }
0x10: {  	[smem:$0x3FB5] =	sst s8  }
0x11: {  	[smem:$0x3FB6] =	sst s9;
	s0 =	simm.s32 @!p0 $0x0  }
0x12: {  	s1 =	sld [smem:$0x3F9C];
	s0 =	simm.s32 @p0 $0x1  }
0x13: {  	[smem:$0x3FB7] =	sst s0;
	s0 =	simm.s32 @!p1 $0x0  }
0x14: {  	s2 =	sld [smem:$0x3F9B];
	s0 =	simm.s32 @p1 $0x1  }
0x15: {  	[smem:$0x3FB8] =	sst s0;
	s0 =	simm.s32 @!p2 $0x0  }
0x16: {  	s3 =	sld [smem:$0x3FDB];
	s0 =	simm.s32 @p2 $0x1  }
0x17: {  	s4 =	simm.s32 $0x1BF5;
	[smem:$0x3FBA] =	sst s0  }
0x18: {  	s0 =	sld [smem:$0x3F9D];
	_ =	swait.ge [sflag:s4], $0x0  }
0x19: {  	s7 =	sld [smem:$0x3F9E]  }
0x1a: {  	s8 =	sadd.s32 $0xFFFFE003, lr  }
0x1b: {  	s9 =	sadd.s32 $0xFFFFFEF7, lr;
	s5 =	simm.s32 $0xFFFFFFFF;
	p2 =	slt.u32 s8, $0xFFFFF086  }
0x1c: {  	p1 =	slt.u32 s9, $0xF7A;
	s5 =	simm.s32 @!p2 $0x0  }
0x1d: {  	s5 =	simm.s32 @p1 $0x1;
	p0 =	seq.s32 s7, s2  }
0x1e: {  	s7 =	smul.u32 @!p0 $0xF7A, s2;
	p2 =	seq.s32 @!p0 s5, $0x0  }
0x1f: {  	s9 =	smul.u32 $0xF7A, s1;
	s8 =	simm.s32 @!p0 $0x1BF5;
	p2 =	por !p2, p0  }
0x20: {  	[sflag:s8] =	ssyncset.s32 @!p0 $0xFFFFF086;
	s6 =	sadd.s32 @!p0 s3, s7;
	s7 =	simm.s32 @!p0 $0x108  }
0x21: {  	s3 =	sadd.s32 s3, s9;
	s6 =	sadd.s32 @!p0 $0x88, s6;
	s7 =	simm.s32 @p2 $0x1082  }
0x22: {  	[simem:s7], [sflag:s8] =	dma.local @!p0 [hbm:s6], $0xF7A  }
0x23: {  	s9 =	sor.u32 $0xD0000000, s2;
	s6 =	simm.s32 $0x108;
	_ =	swait.ge @!p0 [sflag:s8], $0x0  }
0x24: {  	s3 =	sadd.s32 $0x88, s3;
	s6 =	simm.s32 @!p1 $0x1082;
	[sflag:s4] =	ssyncset.s32 $0xFFFFF086  }
0x25: {  	[simem:s6], [sflag:s4] =	dma.local [hbm:s3], $0xF7A  }
0x26: {  	[smem:$0x3F9E] =	sst s1;
	(tag) =	ssettag s2;
	_ =	strace s9  }
0x27: {  	s1 =	sld [smem:$0x3FAE]  }
0x28: {  	s2 =	sld [smem:$0x3FAF]  }
0x29: {  	s4 =	sld [smem:$0x3FB1]  }
0x2a: {  	p0 =	seq.s32 s5, $0x0;
	s5 =	sld [smem:$0x3FB2]  }
0x2b: {  	s6 =	sld [smem:$0x3FB3]  }
0x2c: {  	s7 =	sld [smem:$0x3FB4]  }
0x2d: {  	s3 =	simm.s32 $0x108;
	s8 =	sld [smem:$0x3FB5]  }
0x2e: {  	s3 =	simm.s32 @!p0 $0x1082;
	s9 =	sld [smem:$0x3FB6]  }
0x2f: {  	lr =	sadd.s32 s0, s3;
	s0 =	sld [smem:$0x3FAD]  }
0x30: {  	s3 =	sld [smem:$0x3FB0]  }
0x31: {  	[smem:$0x3FB9] =	sst s10  }
0x32: {  	s10 =	sld [smem:$0x3FB7];
	_ =	sdelay $0x3  }
0x33: {  	p0 =	seq.s32 s10, $0x1;
	s10 =	sld [smem:$0x3FB9];
	_ =	sdelay $0x3  }
0x34: {  	[smem:$0x3FB9] =	sst s10  }
0x35: {  	s10 =	sld [smem:$0x3FB8];
	_ =	sdelay $0x3  }
0x36: {  	p1 =	seq.s32 s10, $0x1;
	s10 =	sld [smem:$0x3FB9];
	_ =	sdelay $0x3  }
0x37: {  	[smem:$0x3FB9] =	sst s10  }
0x38: {  	s10 =	sld [smem:$0x3FBA]  }
0x39: {  	_ = 	snop;
	(pc) =	sbr.ind lr, $3  }
0x3a: {  	_ = 	snop  }
0x3b: {  	_ = 	snop  }
0x3c: {  	p2 =	seq.s32 s10, $0x1;
	s10 =	sld [smem:$0x3FB9]  }
0x3d: {  	_ =	shalt  }
0x3e: {  	_ =	shalt  }
0x3f: {  	_ =	shalt  }
0x40: {  	_ =	shalt  }
0x41: {  	_ =	shalt  }
0x42: {  	_ =	shalt  }
0x43: {  	_ =	shalt  }
0x44: {  	_ =	shalt  }
0x45: {  	_ =	shalt  }
0x46: {  	_ =	shalt  }
0x47: {  	_ =	shalt  }
0x48: {  	_ =	shalt  }
0x49: {  	_ =	shalt  }
0x4a: {  	_ =	shalt  }
0x4b: {  	_ =	shalt  }
0x4c: {  	_ =	shalt  }
0x4d: {  	_ =	shalt  }
0x4e: {  	_ =	shalt  }
0x4f: {  	_ =	shalt  }
0x50: {  	_ =	shalt  }
0x51: {  	_ =	shalt  }
0x52: {  	_ =	shalt  }
0x53: {  	_ =	shalt  }
0x54: {  	_ =	shalt  }
0x55: {  	_ =	shalt  }
0x56: {  	_ =	shalt  }
0x57: {  	_ =	shalt  }
0x58: {  	_ =	shalt  }
0x59: {  	_ =	shalt  }
0x5a: {  	_ =	shalt  }
0x5b: {  	_ =	shalt  }
0x5c: {  	_ =	shalt  }
0x5d: {  	_ =	shalt  }
0x5e: {  	_ =	shalt  }
0x5f: {  	_ =	shalt  }
0x60: {  	_ =	shalt  }
0x61: {  	_ =	shalt  }
0x62: {  	_ =	shalt  }
0x63: {  	_ =	shalt  }
0x64: {  	_ =	shalt  }
0x65: {  	_ =	shalt  }
0x66: {  	_ =	shalt  }
0x67: {  	_ =	shalt  }
0x68: {  	_ =	shalt  }
0x69: {  	_ =	shalt  }
0x6a: {  	_ =	shalt  }
0x6b: {  	_ =	shalt  }
0x6c: {  	_ =	shalt  }
0x6d: {  	_ =	shalt  }
0x6e: {  	_ =	shalt  }
0x6f: {  	_ =	shalt  }
0x70: {  	_ =	shalt  }
0x71: {  	_ =	shalt  }
0x72: {  	_ =	shalt  }
0x73: {  	_ =	shalt  }
0x74: {  	_ =	shalt  }
0x75: {  	_ =	shalt  }
0x76: {  	_ =	shalt  }
0x77: {  	_ =	shalt  }
0x78: {  	_ =	shalt  }
0x79: {  	_ =	shalt  }
0x7a: {  	_ =	shalt  }
0x7b: {  	_ =	shalt  }
0x7c: {  	_ =	shalt  }
0x7d: {  	_ =	shalt  }
0x7e: {  	_ =	shalt  }
0x7f: {  	_ =	shalt  }
0x80: {  	_ =	shalt  }
0x81: {  	_ =	shalt  }
0x82: {  	_ =	shalt  }
0x83: {  	_ =	shalt  }
0x84: {  	_ =	shalt  }
0x85: {  	_ =	shalt  }
0x86: {  	_ =	shalt  }
0x87: {  	_ =	shalt  }
.Lfunc_end0:
.L_simem_size_0:
called_computation_lowered:
.L_overlay_start_0:
0x88: {  	s2 =	sld [smem:$0x3FD9]  }
0x89: {  	s3 =	sld [smem:$0x3FFE];
	_ =	sdelay $0x1  }
0x8a: {  	s1 =	srdreg.scid  }
0x8b: {  	s0 =	sand.u32 $0x1, s1  }
0x8c: {  	s14 =	sshll.u32 s0, $0xA;
	s2 =	sadd.s32 s3, s2  }
0x8d: {  	s2 =	sadd.s32 s2, s14  }
0x8e: {  	[smem:$0x3FC5] =	sst s2  }
0x8f: {  	_ = 	snop  }
0x90: {  	s2 =	sld [smem:$0x3FD0];
	_ =	sdelay $0x2  }
0x91: {  	s15 =	simm.s32 $0xA;
	s4 =	simm.s32 $0x10  }
0x92: {  	[smem:s4], [sflag:s15] =	dma.local [hbm:s2], $0x1  }
0x93: {  	_ =	swait.eq [sflag:s15], $0x1  }
0x94: {  	[sflag:s15] =	ssyncset.done $0x0  }
0x95: {  	[sflag:s15] =	ssyncadd.s32 $0xFFFFFFFF  }
0x96: {  	s16 =	sld [smem:$0x10];
	(tm) =	ssettm $0x1  }
0x97: {  	s17 =	sld [smem:$0x3FFB];
	_ =	sdelay $0x3  }
0x98: {  	_ =	strace s17  }
0x99: {  	s3 =	sld [smem:$0x3FFC];
	_ =	sdelay $0x3  }
0x9a: {  	_ =	strace s3  }
0x9b: {  	s3 =	sld [smem:$0x3FFD];
	_ =	sdelay $0x3  }
0x9c: {  	_ =	strace s3  }
0x9d: {  	_ =	strace $0x8FFFFFFF  }
0x9e: {  	s18 =	sld [smem:$0x3FDB];
	_ =	sdelay $0x1  }
0x9f: {  	s19 =	simm.s32 $_scs_section_size  }
0xa0: {  	s5 =	simm.s32 $_size__tile_overlayer_lowered;
	s6 =	simm.s32 $_tile_overlayer_lowered  }
0xa1: {  	s22 =	simm.s32 $0x1BFF;
	s21 =	sshll.u32 s6, $0x1;
	s3 =	sadd.s32 s19, s18  }
0xa2: {  	s7 =	simm.s32 $0x0;
	s20 =	sshll.u32 s5, $0x1;
	s5 =	sadd.s32 s21, s3  }
0xa3: {  	[timem:s7], [sflag:s22] =	dma.local [hbm:s5], s20  }
0xa4: {  	_ =	swait.ge [sflag:s22], s20  }
0xa5: {  	s4 =	ssub.s32 $0x0, s20;
	[sflag:s22] =	ssyncset.done $0x0  }
0xa6: {  	[sflag:s22] =	ssyncadd.s32 s4;
	_ =	sdelay $0x1  }
0xa7: {  	s23 =	simm.s32 $0x1B8B  }
0xa8: {  	_ =	swait.ge [sflag:s23], $0x1  }
0xa9: {  	[sflag:s23] =	ssyncset.done $0x0  }
0xaa: {  	s25 =	simm.s32 $0x1B8E;
	s24 =	sld [smem:$0x3FFE];
	[sflag:s23] =	ssyncadd.s32 $0xFFFFFFFF  }
0xab: {  	s26 =	simm.s32 $execute0_lowered;
	[smem:$0x3FD2] =	sst s25  }
0xac: {  	s5 =	sshll.u32 s26, $0x1;
	_ =	strace $0x80000046;
	[dreg:$0x1] =	wrdreg $0xFFFFFFFF  }
0xad: {  	s28 =	simm.s32 $_size_execute0_lowered;
	s3 =	sadd.s32 s3, s5;
	[dreg:$0x0] =	wrdreg $0x0  }
0xae: {  	s5 =	sshll.u32 s28, $0x1;
	[dreg:$0x2] =	wrdreg s3  }
0xaf: {  	[dreg:$0x3] =	wrdreg s5  }
0xb0: {  	[dreg:$0x4] =	wrdreg $0xC0  }
0xb1: {  	_ =	task [dreg:s7], $0x5FFFF  }
0xb2: {  	[dreg:$0x1] =	wrdreg $0xFFFFFFFF  }
0xb3: {  	[dreg:$0x0] =	wrdreg $0x60  }
0xb4: {  	[dreg:$0x2] =	wrdreg s24  }
0xb5: {  	[dreg:$0x3] =	wrdreg s16  }
0xb6: {  	[dreg:$0x4] =	wrdreg $0x9  }
0xb7: {  	_ =	task.clear_ibuf [dreg:s7], $0x5FFFF;
	_ =	strace $0x90000046  }
0xb8: {  	s29 =	simm.s32 $0x9;
	_ =	strace $0x80000048  }
0xb9: {  	_ =	swait.ge [sflag:s29], $0x1  }
0xba: {  	[sflag:s29] =	ssyncadd.s32 $0xFFFFFFFF  }
0xbb: {  	_ =	strace $0x90000048  }
0xbc: {  	_ =	sfence  }
0xbd: {  	s30 =	sld [smem:$0x0];
	_ =	sdelay $0x2  }
0xbe: {  	s31 =	sshll.u32 s1, $0xD;
	s1 =	sshrl.u32 s1, $0x2  }
0xbf: {  	s3 =	sand.u32 $0x4000, s31;
	s1 =	sadd.s32 s1, s30  }
0xc0: {  	s0 =	sor.u32 s3, s0;
	s1 =	sshll.u32 s1, $0x11  }
0xc1: {  	s0 =	sor.u32 s1, s0  }
0xc2: {  	s0 =	sadd.s32 $0x8F2B, s0  }
0xc3: {  	[sflag:s0] =	ssyncadd.remote.s32 $0x1  }
0xc4: {  	_ =	sfence.sel $0xFFFF  }
0xc5: {  	[dreg:$0x0] =	wrdreg $0xFFFFFFFF;
	(pc) =	sbr.abs _section_cstart, $3  }
0xc6: {  	[dreg:$0x1] =	wrdreg $0xFFFFFFFF  }
0xc7: {  	_ =	task.clear_ibuf [dreg:s7], $0x2FFFF;
	_ =	strace $0x9FFFFFFF  }
0xc8: {  	(tm) =	ssettm $0x7FFFFFFF  }
0xc9: {  	_ =	shalt  }
tec
execute0_lowered:
.L_overlay_start_1:
0x0: {  	(tag) =	ssettag $0x1  }
0x1: {  	s0 =	rddreg [dreg:$0x0]  }
0x2: {  	s1 =	srdreg.scid;
	s2 =	stileid.u32  }
0x3: {  	s15 =	rddreg [dreg:$0x1];
	s3 =	simm.s32 $0x0;
	s1 =	sand.u32 $0x1, s1  }
0x4: {  	s2 =	sshll.u32 s2, $0x1;
	[smem:$0x7FF] =	sst s3;
	s6 =	sadd.s32 $0x22800, s0  }
0x5: {  	s9 =	sadd.s32 $0xA00, s0;
	_ =	strace $0x80000047;
	[dreg:$0x4] =	wrdreg s6  }
0x6: {  	s10 =	sadd.s32 $0x3E00, s0;
	s2 =	sor.u32 s1, s2;
	[dreg:$0x3] =	wrdreg s9  }
0x7: {  	s1 =	ssub.s32 $0x2, s1;
	[dreg:$0x5] =	wrdreg s10;
	s4 =	smul.u32 $0xC8, s2  }
0x8: {  	s25 =	sshll.u32 s2, $0x4;
	s2 =	sshll.u32 s2, $0x5;
	s7 =	sshrl.u32 s1, $0x1  }
0x9: {  	s6 =	sadd.s32 s25, s0;
	s5 =	sadd.s32 s4, s0;
	s4 =	sadd.s32 s9, s4  }
0xa: {  	s2 =	smin.u32 s2, $0x3C8;
	s0 =	sadd.s32 $0xAA0, s0;
	[dreg:$0x6] =	wrdreg s4  }
0xb: {  	s1 =	ssub.s32 s1, s7;
	s30 =	sadd.s32 $0x22A00, s6;
	[dreg:$0xa] =	wrdreg s0  }
0xc: {  	s8 =	smul.u32 $0x7D, s2;
	s31 =	smax.u32 s1, $0x1;
	[dreg:$0xc] =	wrdreg s30  }
0xd: {  	s2 =	sshrl.u32 s2, $0x3;
	s26 =	sadd.s32 $0x2400, s5;
	[dreg:$0xd] =	wrdreg s31  }
0xe: {  	s2 =	smul.u32 $0x64000, s2;
	[dreg:$0x8] =	wrdreg s26;
	s28 =	sadd.s32 s10, s8  }
0xf: {  	s1 =	simm.s32 $0x8;
	[dreg:$0x9] =	wrdreg s28  }
0x10: {  	s4 =	simm.s32 $0x8380;
	[dreg:$0x7] =	wrdreg s2;
	s29 =	sor.u32 $0x2800, s2  }
0x11: {  	s5 =	simm.s32 $0x0;
	s2 =	simm.s32 $0x7D00;
	[dreg:$0xb] =	wrdreg s29  }
.LBB2_1:
0x12: {  	[dreg:$0xe] =	wrdreg s5  }
0x13: {  	s0 =	rddreg [dreg:$0x6]  }
0x14: {  	[tilespmem:s2], [sflag:$0x8] =	stream.linear.gather [hbm4b:s0+s3], $0x640, $0x38;
	[tilespmem:$0x1E180] =	vst v63  }
0x15: {  	_ =	swait.ge [sflag:s1], $0x640  }
0x16: {  	[sflag:s1] =	ssyncset.done $0x0  }
0x17: {  	s31 =	rddreg [dreg:$0x8];
	[sflag:s1] =	ssyncadd.s32 $0xFFFFF9C0  }
0x18: {  	[tilespmem:s4], [sflag:$0x8] =	stream.linear.gather [hbm4b:s31+s3], $0x640, $0x38;
	[tilespmem:$0x1E180] =	vst v63  }
0x19: {  	_ =	swait.ge [sflag:s1], $0x640  }
0x1a: {  	[sflag:s1] =	ssyncset.done $0x0  }
0x1b: {  	s0 =	simm.s32 $0x0;
	[sflag:s1] =	ssyncadd.s32 $0xFFFFF9C0;
	s1 =	simm.s32 $0x40  }
.LBB2_2:
0x1c: {  	p0 =	sne.s32 s1, $0x18C0;
	v0 =	vld [tilespmem:s0+$0x8380];
	_ =	sdelay $0x1  }
0x1d: {  	v1 =	vld [tilespmem:s0+$0x7D00];
	_ =	sdelay $0x1  }
.Ltmp0:
0x1e: {  	(pc) =	sbr.rel @p0 .LBB2_2-.Ltmp0, $3  }
0x1f: {  	v0 =	vmul.u32 $0x3E8, v0;
	_ =	sdelay $0x1  }
0x20: {  	v0 =	vadd.s32 v1, v0  }
0x21: {  	[tilespmem:s0+$0x8380] =	vst v0;
	s0 =	sshra.s32 s1, $0x2;
	s1 =	sadd.s32 $0x40, s1  }
0x22: {  	v0 =	vld [tilespmem:s0+$0x8380];
	_ =	sdelay $0x1  }
0x23: {  	v1 =	vld [tilespmem:s0+$0x7D00];
	_ =	sdelay $0x2  }
0x24: {  	v0 =	vmul.u32 $0x3E8, v0;
	_ =	sdelay $0x1  }
0x25: {  	v0 =	vadd.s32 v1, v0  }
0x26: {  	s21 =	rddreg [dreg:$0x4];
	s1 =	simm.s32 $0x640;
	s5 =	simm.s32 $0x8A00;
	[tilespmem:s0+$0x8380] =	vst v0  }
0x27: {  	[tilespmem:s5], [sflag:$0x1] =	stream.indirect.gather [hbm4b:s21+s1], $0x1, s2, s1, $0xb8;
	[tilespmem:$0x1E180] =	vst v63  }
0x28: {  	s22 =	rddreg [dreg:$0x5];
	s23 =	simm.s32 $0x9080  }
0x29: {  	[tilespmem:s23], [sflag:$0x2] =	stream.indirect.gather [hbm4b:s22+s1], $0x1, s4, s1, $0xb8;
	[tilespmem:$0x1E180] =	vst v63  }
0x2a: {  	s24 =	simm.s32 $0x0;
	s25 =	rddreg [dreg:$0x9];
	s26 =	simm.s32 $0x3  }
0x2b: {  	[tilespmem:s24], [sflag:$0x3] =	stream.linear.gather [hbm4b:s25+s24], $0x7D00, $0x38;
	[tilespmem:$0x1E180] =	vst v63  }
0x2c: {  	_ =	swait.ge [sflag:s26], $0x7D00  }
0x2d: {  	[sflag:s26] =	ssyncset.done $0x0  }
0x2e: {  	s29 =	simm.s32 $0x9780;
	s28 =	rddreg [dreg:$0x3];
	[sflag:s26] =	ssyncadd.s32 $0xFFFF8300  }
0x2f: {  	[tilespmem:s29], [sflag:$0x4] =	stream.linear.gather [hbm4b:s28+s24], $0x500, $0x38;
	[tilespmem:$0x1E180] =	vst v63  }
0x30: {  	s31 =	simm.s32 $0x9C80;
	s17 =	simm.s32 $0x0;
	s30 =	rddreg [dreg:$0xa]  }
0x31: {  	[tilespmem:s31], [sflag:$0x5] =	stream.linear.gather [hbm4b:s30+s24], $0x500, $0x38;
	[tilespmem:$0x1E180] =	vst v63  }
.LBB2_4:
0x32: {  	s0 =	simm.s32 $0x4  }
0x33: {  	_ =	swait.ge [sflag:s0], $0x500  }
0x34: {  	p0 =	seq.s32 s17, $0x0;
	[sflag:s0] =	ssyncset.done $0x0  }
0x35: {  	s5 =	simm.s32 $0x0;
	s1 =	simm.s32 @!p0 $0x6;
	[sflag:s0] =	ssyncadd.s32 $0xFFFFFB00  }
0x36: {  	s0 =	sand.u32 $0x60, s5;
	_ =	swait.ge @!p0 [sflag:s1], $0xA000  }
0x37: {  	s2 =	sand.u32 $0x780, s5;
	s19 =	sor.u32 $0x10, s0;
	[sflag:s1] =	ssyncset.done @!p0 $0x0  }
0x38: {  	s22 =	sor.u32 s19, s2;
	[sflag:s1] =	ssyncadd.s32 @!p0 $0xFFFF6000  }
0x39: {  	v7 =	vld [tilespmem:s22+$0x9780];
	_ =	sdelay $0x7  }
0x3a: {  	v0 =	vld.idx.msk [tilespmem:v7+s3+$0x0], $0xffff  }
0x3b: {  	v1 =	vadd.s32 $0x3E8, v7  }
0x3c: {  	s23 =	simm.s32 $0x9780;
	s1 =	sand.u32 $0x3C00, s5  }
0x3d: {  	v2 =	vld [tilespmem:s23+$0x0];
	s24 =	sadd.s32 $0xA180, s1  }
0x3e: {  	s4 =	sor.u32 s19, s24  }
0x3f: {  	[tilespmem:s4+$0x0] =	vst v0  }
0x40: {  	v0 =	vld.idx.msk [tilespmem:v1+s3+$0x0], $0xffff  }
0x41: {  	v1 =	vadd.s32 $0x7D0, v7;
	_ =	sdelay $0x3  }
0x42: {  	v3 =	vld.idx.msk [tilespmem:v2+s3+$0x0], $0xffff;
	[tilespmem:s4+$0x80] =	vst v0  }
0x43: {  	v0 =	vadd.s32 $0x3E8, v2;
	v1 =	vld.idx.msk [tilespmem:v1+s3+$0x0], $0xffff  }
0x44: {  	v4 =	vadd.s32 $0xBB8, v7;
	_ =	sdelay $0x1  }
0x45: {  	s2 =	sor.u32 s0, s24  }
0x46: {  	[tilespmem:s2+$0x0] =	vst v3  }
0x47: {  	v0 =	vld.idx.msk [tilespmem:v0+s3+$0x0], $0xffff;
	[tilespmem:s4+$0x100] =	vst v1  }
0x48: {  	v1 =	vadd.s32 $0x7D0, v2;
	v3 =	vld.idx.msk [tilespmem:v4+s3+$0x0], $0xffff  }
0x49: {  	v4 =	vadd.s32 $0xFA0, v7;
	_ =	sdelay $0x2  }
0x4a: {  	[tilespmem:s2+$0x80] =	vst v0  }
0x4b: {  	v0 =	vld.idx.msk [tilespmem:v1+s3+$0x0], $0xffff;
	[tilespmem:s4+$0x180] =	vst v3  }
0x4c: {  	v1 =	vadd.s32 $0xBB8, v2;
	v3 =	vld.idx.msk [tilespmem:v4+s3+$0x0], $0xffff  }
0x4d: {  	v4 =	vadd.s32 $0x1388, v7;
	_ =	sdelay $0x2  }
0x4e: {  	[tilespmem:s2+$0x100] =	vst v0  }
0x4f: {  	v0 =	vld.idx.msk [tilespmem:v1+s3+$0x0], $0xffff;
	[tilespmem:s4+$0x200] =	vst v3  }
0x50: {  	v1 =	vadd.s32 $0xFA0, v2;
	v3 =	vld.idx.msk [tilespmem:v4+s3+$0x0], $0xffff  }
0x51: {  	v4 =	vadd.s32 $0x1770, v7;
	_ =	sdelay $0x2  }
0x52: {  	[tilespmem:s2+$0x180] =	vst v0  }
0x53: {  	v0 =	vld.idx.msk [tilespmem:v1+s3+$0x0], $0xffff;
	[tilespmem:s4+$0x280] =	vst v3  }
0x54: {  	s25 =	sand.u32 $0x3, s5;
	v1 =	vadd.s32 $0x1388, v2;
	v3 =	vld.idx.msk [tilespmem:v4+s3+$0x0], $0xffff  }
0x55: {  	s4 =	sshll.u32 s25, $0x5;
	v4 =	vadd.s32 $0x1B58, v7  }
0x56: {  	s4 =	sadd.s32 $0x0, s4  }
0x57: {  	s26 =	sadd.s32 $0x10, s4  }
0x58: {  	s6 =	sor.u32 $0x300, s26;
	[tilespmem:s2+$0x200] =	vst v0  }
0x59: {  	v0 =	vld.idx.msk [tilespmem:v1+s3+$0x0], $0xffff;
	[tilespmem:s6+$0xA180] =	vst v3  }
0x5a: {  	v1 =	vadd.s32 $0x1770, v2;
	v3 =	vld.idx.msk [tilespmem:v4+s3+$0x0], $0xffff  }
0x5b: {  	v4 =	vadd.s32 $0x1F40, v7;
	_ =	sdelay $0x1  }
0x5c: {  	s29 =	simm.s32 $0x20  }
0x5d: {  	s18 =	sand.u32 $0x60, s29;
	s5 =	sor.u32 $0x380, s26;
	[tilespmem:s2+$0x280] =	vst v0  }
0x5e: {  	s7 =	sand.u32 $0x780, s29;
	v1 =	vld.idx.msk [tilespmem:v1+s3+$0x0], $0xffff;
	[tilespmem:s5+$0xA180] =	vst v3;
	s5 =	sor.u32 $0x10, s18  }
0x5f: {  	v3 =	vadd.s32 $0x1B58, v2;
	v4 =	vld.idx.msk [tilespmem:v4+s3+$0x0], $0xffff;
	s2 =	sor.u32 s5, s7  }
0x60: {  	v0 =	vld [tilespmem:s2+$0x9780]  }
0x61: {  	v5 =	vadd.s32 $0x2328, v7  }
0x62: {  	s8 =	sor.u32 $0x300, s4  }
0x63: {  	s9 =	sadd.s32 $0xC980, s1;
	[tilespmem:s8+$0xA180] =	vst v1  }
0x64: {  	s10 =	simm.s32 $0x97A0;
	s7 =	sor.u32 s19, s9;
	v3 =	vld.idx.msk [tilespmem:v3+s3+$0x0], $0xffff  }
0x65: {  	v6 =	vadd.s32 $0x1F40, v2;
	v1 =	vld [tilespmem:s10+$0x0];
	[tilespmem:s7+$0x0] =	vst v4  }
0x66: {  	v4 =	vld.idx.msk [tilespmem:v5+s3+$0x0], $0xffff  }
0x67: {  	v5 =	vadd.s32 $0x2710, v7  }
0x68: {  	s4 =	sor.u32 $0x380, s4;
	v8 =	vld.idx.msk [tilespmem:v0+s3+$0x0], $0xffff  }
0x69: {  	s12 =	simm.s32 $0x100;
	s11 =	sadd.s32 $0xCA00, s1;
	[tilespmem:s4+$0xA180] =	vst v3;
	v3 =	vadd.s32 $0x3E8, v0  }
0x6a: {  	s8 =	sor.u32 s19, s11;
	s7 =	sand.u32 $0x3C00, s12;
	v6 =	vld.idx.msk [tilespmem:v6+s3+$0x0], $0xffff  }
0x6b: {  	v9 =	vadd.s32 $0x2328, v2;
	s13 =	sadd.s32 $0xA180, s7;
	[tilespmem:s8+$0x0] =	vst v4  }
0x6c: {  	s14 =	sor.u32 s5, s13;
	v4 =	vld.idx.msk [tilespmem:v5+s3+$0x0], $0xffff  }
0x6d: {  	v5 =	vld.idx.msk [tilespmem:v1+s3+$0x0], $0xffff;
	[tilespmem:s14+$0x0] =	vst v8;
	v8 =	vadd.s32 $0x2AF8, v7  }
0x6e: {  	s2 =	sor.u32 s0, s9;
	v10 =	vadd.s32 $0x3E8, v1;
	v3 =	vld.idx.msk [tilespmem:v3+s3+$0x0], $0xffff  }
0x6f: {  	s9 =	sadd.s32 $0xCA80, s1;
	[tilespmem:s2+$0x0] =	vst v6;
	v6 =	vadd.s32 $0x7D0, v0  }
0x70: {  	s10 =	sor.u32 s19, s9;
	v9 =	vld.idx.msk [tilespmem:v9+s3+$0x0], $0xffff  }
0x71: {  	v11 =	vadd.s32 $0x2710, v2;
	s16 =	sor.u32 s18, s13;
	[tilespmem:s10+$0x0] =	vst v4  }
0x72: {  	[tilespmem:s16+$0x0] =	vst v5;
	v4 =	vld.idx.msk [tilespmem:v8+s3+$0x0], $0xffff  }
0x73: {  	v5 =	vld.idx.msk [tilespmem:v10+s3+$0x0], $0xffff;
	[tilespmem:s14+$0x80] =	vst v3;
	v3 =	vadd.s32 $0x2EE0, v7  }
0x74: {  	s6 =	sor.u32 s0, s11;
	v8 =	vadd.s32 $0x7D0, v1;
	v6 =	vld.idx.msk [tilespmem:v6+s3+$0x0], $0xffff  }
0x75: {  	s20 =	sadd.s32 $0xCB00, s1;
	[tilespmem:s6+$0x0] =	vst v9;
	v9 =	vadd.s32 $0xBB8, v0  }
0x76: {  	s21 =	sor.u32 s19, s20;
	v10 =	vld.idx.msk [tilespmem:v11+s3+$0x0], $0xffff  }
0x77: {  	v11 =	vadd.s32 $0x2AF8, v2;
	[tilespmem:s21+$0x0] =	vst v4  }
0x78: {  	[tilespmem:s16+$0x80] =	vst v5;
	v3 =	vld.idx.msk [tilespmem:v3+s3+$0x0], $0xffff  }
0x79: {  	v5 =	vadd.s32 $0x32C8, v7;
	v4 =	vld.idx.msk [tilespmem:v8+s3+$0x0], $0xffff;
	[tilespmem:s14+$0x100] =	vst v6  }
0x7a: {  	s22 =	sor.u32 s0, s9;
	v6 =	vadd.s32 $0xBB8, v1;
	v8 =	vld.idx.msk [tilespmem:v9+s3+$0x0], $0xffff  }
0x7b: {  	s23 =	sadd.s32 $0xCB80, s1;
	[tilespmem:s22+$0x0] =	vst v10;
	v9 =	vadd.s32 $0xFA0, v0  }
0x7c: {  	s24 =	sor.u32 s19, s23;
	v10 =	vld.idx.msk [tilespmem:v11+s3+$0x0], $0xffff  }
0x7d: {  	v11 =	vadd.s32 $0x2EE0, v2;
	[tilespmem:s24+$0x0] =	vst v3  }
0x7e: {  	[tilespmem:s16+$0x100] =	vst v4;
	v3 =	vld.idx.msk [tilespmem:v5+s3+$0x0], $0xffff  }
0x7f: {  	v4 =	vld.idx.msk [tilespmem:v6+s3+$0x0], $0xffff;
	v5 =	vadd.s32 $0x36B0, v7;
	[tilespmem:s14+$0x180] =	vst v8  }
0x80: {  	s6 =	sor.u32 s0, s20;
	v6 =	vadd.s32 $0xFA0, v1;
	v8 =	vld.idx.msk [tilespmem:v9+s3+$0x0], $0xffff  }
0x81: {  	s25 =	sadd.s32 $0xCC00, s1;
	[tilespmem:s6+$0x0] =	vst v10;
	v9 =	vadd.s32 $0x1388, v0  }
0x82: {  	s26 =	sor.u32 s19, s25;
	v10 =	vld.idx.msk [tilespmem:v11+s3+$0x0], $0xffff  }
0x83: {  	v11 =	vadd.s32 $0x32C8, v2;
	[tilespmem:s26+$0x0] =	vst v3  }
0x84: {  	[tilespmem:s16+$0x180] =	vst v4;
	v3 =	vld.idx.msk [tilespmem:v5+s3+$0x0], $0xffff  }
0x85: {  	v4 =	vld.idx.msk [tilespmem:v6+s3+$0x0], $0xffff;
	v5 =	vadd.s32 $0x3A98, v7;
	[tilespmem:s14+$0x200] =	vst v8  }
0x86: {  	s8 =	sor.u32 s0, s23;
	v6 =	vadd.s32 $0x1388, v1;
	v8 =	vld.idx.msk [tilespmem:v9+s3+$0x0], $0xffff  }
0x87: {  	s29 =	sadd.s32 $0xCC80, s1;
	[tilespmem:s8+$0x0] =	vst v10;
	v9 =	vadd.s32 $0x1770, v0  }
0x88: {  	s10 =	sor.u32 s19, s29;
	v10 =	vld.idx.msk [tilespmem:v11+s3+$0x0], $0xffff  }
0x89: {  	v11 =	vadd.s32 $0x36B0, v2;
	[tilespmem:s10+$0x0] =	vst v3  }
0x8a: {  	[tilespmem:s16+$0x200] =	vst v4;
	v3 =	vld.idx.msk [tilespmem:v5+s3+$0x0], $0xffff  }
0x8b: {  	s11 =	simm.s32 $0x1;
	v4 =	vld.idx.msk [tilespmem:v6+s3+$0x0], $0xffff;
	v5 =	vadd.s32 $0x3E80, v7;
	[tilespmem:s14+$0x280] =	vst v8  }
0x8c: {  	s4 =	sand.u32 $0x3, s11;
	s6 =	sor.u32 s0, s25;
	v6 =	vadd.s32 $0x1770, v1;
	v8 =	vld.idx.msk [tilespmem:v9+s3+$0x0], $0xffff  }
0x8d: {  	s12 =	sadd.s32 $0xCD00, s1;
	s4 =	sshll.u32 s4, $0x5;
	[tilespmem:s6+$0x0] =	vst v10;
	v9 =	vadd.s32 $0x1B58, v0  }
0x8e: {  	s13 =	sor.u32 s19, s12;
	s4 =	sadd.s32 $0x100, s4;
	v10 =	vld.idx.msk [tilespmem:v11+s3+$0x0], $0xffff  }
0x8f: {  	s14 =	sadd.s32 $0x10, s4;
	v11 =	vadd.s32 $0x3A98, v2;
	[tilespmem:s13+$0x0] =	vst v3  }
0x90: {  	[tilespmem:s16+$0x280] =	vst v4;
	s16 =	sor.u32 $0x300, s14;
	v3 =	vld.idx.msk [tilespmem:v5+s3+$0x0], $0xffff  }
0x91: {  	v4 =	vld.idx.msk [tilespmem:v6+s3+$0x0], $0xffff;
	v5 =	vadd.s32 $0x4268, v7;
	[tilespmem:s16+$0xA180] =	vst v8  }
0x92: {  	s20 =	sor.u32 s0, s29;
	v8 =	vld.idx.msk [tilespmem:v9+s3+$0x0], $0xffff  }
0x93: {  	s21 =	sadd.s32 $0xF180, s1;
	s24 =	simm.s32 $0x40;
	v6 =	vadd.s32 $0x1B58, v1;
	[tilespmem:s20+$0x0] =	vst v10  }
0x94: {  	s22 =	sor.u32 s19, s21;
	s9 =	sand.u32 $0x60, s24;
	v9 =	vadd.s32 $0x1F40, v0;
	v10 =	vld.idx.msk [tilespmem:v11+s3+$0x0], $0xffff  }
0x95: {  	s23 =	sor.u32 $0x300, s4;
	s8 =	sand.u32 $0x780, s24;
	s10 =	sor.u32 $0x10, s9;
	v11 =	vadd.s32 $0x3E80, v2;
	[tilespmem:s22+$0x0] =	vst v3  }
0x96: {  	s8 =	sor.u32 s10, s8;
	s25 =	sor.u32 $0x380, s14;
	[tilespmem:s23+$0xA180] =	vst v4;
	v5 =	vld.idx.msk [tilespmem:v5+s3+$0x0], $0xffff  }
0x97: {  	v4 =	vld [tilespmem:s8+$0x9780];
	[tilespmem:s25+$0xA180] =	vst v8;
	v8 =	vadd.s32 $0x4650, v7  }
0x98: {  	s6 =	sor.u32 s0, s12;
	v6 =	vld.idx.msk [tilespmem:v6+s3+$0x0], $0xffff  }
0x99: {  	s26 =	sadd.s32 $0xF200, s1;
	v9 =	vld.idx.msk [tilespmem:v9+s3+$0x0], $0xffff;
	[tilespmem:s6+$0x0] =	vst v10;
	v10 =	vadd.s32 $0x1F40, v1  }
0x9a: {  	v12 =	vadd.s32 $0x2328, v0;
	s29 =	simm.s32 $0x97C0;
	s11 =	sor.u32 s19, s26;
	v11 =	vld.idx.msk [tilespmem:v11+s3+$0x0], $0xffff  }
0x9b: {  	v13 =	vadd.s32 $0x4268, v2;
	v3 =	vld [tilespmem:s29+$0x0];
	[tilespmem:s11+$0x0] =	vst v5  }
0x9c: {  	s4 =	sor.u32 $0x380, s4;
	s11 =	sadd.s32 $0xC980, s7;
	v5 =	vld.idx.msk [tilespmem:v8+s3+$0x0], $0xffff  }
0x9d: {  	[tilespmem:s4+$0xA180] =	vst v6;
	v6 =	vadd.s32 $0x4A38, v7;
	s13 =	sor.u32 s5, s11  }
0x9e: {  	s2 =	sor.u32 s0, s21;
	v8 =	vld.idx.msk [tilespmem:v10+s3+$0x0], $0xffff;
	[tilespmem:s13+$0x0] =	vst v9  }
0x9f: {  	s12 =	sadd.s32 $0xF280, s1;
	v9 =	vadd.s32 $0x2328, v1;
	[tilespmem:s2+$0x0] =	vst v11;
	v10 =	vld.idx.msk [tilespmem:v12+s3+$0x0], $0xffff  }
0xa0: {  	s14 =	sor.u32 s19, s12;
	v12 =	vadd.s32 $0x2710, v0;
	v11 =	vld.idx.msk [tilespmem:v13+s3+$0x0], $0xffff  }
0xa1: {  	v14 =	vld.idx.msk [tilespmem:v4+s3+$0x0], $0xffff;
	v13 =	vadd.s32 $0x4650, v2;
	[tilespmem:s14+$0x0] =	vst v5  }
0xa2: {  	s21 =	simm.s32 $0x200;
	s20 =	sadd.s32 $0xCA00, s7;
	s16 =	sor.u32 s18, s11;
	v5 =	vld.idx.msk [tilespmem:v6+s3+$0x0], $0xffff;
	v6 =	vadd.s32 $0x3E8, v4  }
0xa3: {  	s22 =	sor.u32 s5, s20;
	s11 =	sand.u32 $0x3C00, s21;
	v15 =	vld.idx.msk [tilespmem:v3+s3+$0x0], $0xffff;
	[tilespmem:s16+$0x0] =	vst v8;
	v8 =	vadd.s32 $0x4E20, v7  }
0xa4: {  	s23 =	sor.u32 s0, s26;
	s24 =	sadd.s32 $0xA180, s11;
	v9 =	vld.idx.msk [tilespmem:v9+s3+$0x0], $0xffff;
	[tilespmem:s22+$0x0] =	vst v10;
	v10 =	vadd.s32 $0x3E8, v3  }
0xa5: {  	s25 =	sadd.s32 $0xF300, s1;
	s4 =	sor.u32 s10, s24;
	[tilespmem:s23+$0x0] =	vst v11;
	v11 =	vld.idx.msk [tilespmem:v12+s3+$0x0], $0xffff;
	v12 =	vadd.s32 $0x2710, v1  }
0xa6: {  	s13 =	sor.u32 s19, s25;
	[tilespmem:s4+$0x0] =	vst v14;
	v14 =	vadd.s32 $0x2AF8, v0;
	v13 =	vld.idx.msk [tilespmem:v13+s3+$0x0], $0xffff  }
0xa7: {  	s2 =	sor.u32 s9, s24;
	v6 =	vld.idx.msk [tilespmem:v6+s3+$0x0], $0xffff;
	[tilespmem:s13+$0x0] =	vst v5;
	v5 =	vadd.s32 $0x4A38, v2  }
0xa8: {  	s8 =	sor.u32 s18, s20;
	s26 =	sadd.s32 $0xCA80, s7;
	[tilespmem:s2+$0x0] =	vst v15;
	v15 =	vadd.s32 $0x7D0, v4;
	v8 =	vld.idx.msk [tilespmem:v8+s3+$0x0], $0xffff  }
0xa9: {  	s29 =	sor.u32 s5, s26;
	v10 =	vld.idx.msk [tilespmem:v10+s3+$0x0], $0xffff;
	[tilespmem:s8+$0x0] =	vst v9;
	v9 =	vadd.s32 $0x5208, v7  }
0xaa: {  	s12 =	sor.u32 s0, s12;
	v12 =	vld.idx.msk [tilespmem:v12+s3+$0x0], $0xffff;
	[tilespmem:s29+$0x0] =	vst v11;
	v11 =	vadd.s32 $0x7D0, v3  }
0xab: {  	v16 =	vadd.s32 $0x2AF8, v1;
	s14 =	sadd.s32 $0xF380, s1;
	v14 =	vld.idx.msk [tilespmem:v14+s3+$0x0], $0xffff;
	[tilespmem:s12+$0x0] =	vst v13  }
0xac: {  	s16 =	sor.u32 s19, s14;
	[tilespmem:s4+$0x80] =	vst v6;
	v6 =	vadd.s32 $0x2EE0, v0;
	v5 =	vld.idx.msk [tilespmem:v5+s3+$0x0], $0xffff  }
0xad: {  	v13 =	vld.idx.msk [tilespmem:v15+s3+$0x0], $0xffff;
	[tilespmem:s16+$0x0] =	vst v8;
	v8 =	vadd.s32 $0x4E20, v2  }
0xae: {  	s20 =	sor.u32 s18, s26;
	s21 =	sadd.s32 $0xCB00, s7;
	[tilespmem:s2+$0x80] =	vst v10;
	v10 =	vadd.s32 $0xBB8, v4;
	v9 =	vld.idx.msk [tilespmem:v9+s3+$0x0], $0xffff  }
0xaf: {  	s22 =	sor.u32 s5, s21;
	v11 =	vld.idx.msk [tilespmem:v11+s3+$0x0], $0xffff;
	[tilespmem:s20+$0x0] =	vst v12;
	v12 =	vadd.s32 $0x55F0, v7  }
0xb0: {  	s6 =	sor.u32 s0, s25;
	v15 =	vld.idx.msk [tilespmem:v16+s3+$0x0], $0xffff;
	[tilespmem:s22+$0x0] =	vst v14;
	v14 =	vadd.s32 $0xBB8, v3  }
0xb1: {  	s23 =	sadd.s32 $0xF400, s1;
	v16 =	vadd.s32 $0x2EE0, v1;
	v6 =	vld.idx.msk [tilespmem:v6+s3+$0x0], $0xffff;
	[tilespmem:s6+$0x0] =	vst v5  }
0xb2: {  	s24 =	sor.u32 s19, s23;
	v5 =	vadd.s32 $0x32C8, v0;
	[tilespmem:s4+$0x100] =	vst v13;
	v8 =	vld.idx.msk [tilespmem:v8+s3+$0x0], $0xffff  }
0xb3: {  	v10 =	vld.idx.msk [tilespmem:v10+s3+$0x0], $0xffff;
	[tilespmem:s24+$0x0] =	vst v9  }
0xb4: {  	s26 =	sadd.s32 $0xCB80, s7;
	s25 =	sor.u32 s18, s21;
	[tilespmem:s2+$0x100] =	vst v11;
	v9 =	vadd.s32 $0x5208, v2;
	v11 =	vld.idx.msk [tilespmem:v12+s3+$0x0], $0xffff  }
0xb5: {  	s29 =	sor.u32 s5, s26;
	v13 =	vadd.s32 $0xFA0, v4;
	v12 =	vld.idx.msk [tilespmem:v14+s3+$0x0], $0xffff;
	[tilespmem:s25+$0x0] =	vst v15  }
0xb6: {  	v14 =	vld.idx.msk [tilespmem:v16+s3+$0x0], $0xffff;
	[tilespmem:s29+$0x0] =	vst v6;
	v6 =	vadd.s32 $0x59D8, v7  }
0xb7: {  	s8 =	sor.u32 s0, s14;
	s14 =	simm.s32 $0x97E0;
	v15 =	vadd.s32 $0xFA0, v3;
	v16 =	vld.idx.msk [tilespmem:v5+s3+$0x0], $0xffff  }
0xb8: {  	v17 =	vadd.s32 $0x32C8, v1;
	s16 =	sadd.s32 $0xF480, s1;
	v5 =	vld [tilespmem:s14+$0x0];
	[tilespmem:s8+$0x0] =	vst v8  }
0xb9: {  	s24 =	sor.u32 s19, s16;
	v8 =	vadd.s32 $0x36B0, v0;
	[tilespmem:s4+$0x180] =	vst v10;
	v9 =	vld.idx.msk [tilespmem:v9+s3+$0x0], $0xffff  }
0xba: {  	v10 =	vld.idx.msk [tilespmem:v13+s3+$0x0], $0xffff;
	[tilespmem:s24+$0x0] =	vst v11;
	v11 =	vadd.s32 $0x55F0, v2  }
0xbb: {  	s25 =	sor.u32 s18, s26;
	s26 =	sadd.s32 $0xCC00, s7;
	[tilespmem:s2+$0x180] =	vst v12;
	v12 =	vadd.s32 $0x1388, v4;
	v6 =	vld.idx.msk [tilespmem:v6+s3+$0x0], $0xffff  }
0xbc: {  	s29 =	sor.u32 s5, s26;
	v13 =	vld.idx.msk [tilespmem:v15+s3+$0x0], $0xffff;
	[tilespmem:s25+$0x0] =	vst v14;
	v14 =	vadd.s32 $0x5DC0, v7  }
0xbd: {  	s6 =	sor.u32 s0, s23;
	v15 =	vld.idx.msk [tilespmem:v17+s3+$0x0], $0xffff;
	[tilespmem:s29+$0x0] =	vst v16;
	v16 =	vadd.s32 $0x1388, v3  }
0xbe: {  	s14 =	sadd.s32 $0xF500, s1;
	v17 =	vadd.s32 $0x36B0, v1;
	v8 =	vld.idx.msk [tilespmem:v8+s3+$0x0], $0xffff;
	[tilespmem:s6+$0x0] =	vst v9  }
0xbf: {  	s20 =	sor.u32 s19, s14;
	v9 =	vadd.s32 $0x3A98, v0;
	[tilespmem:s4+$0x200] =	vst v10;
	v10 =	vld.idx.msk [tilespmem:v11+s3+$0x0], $0xffff  }
0xc0: {  	v11 =	vld.idx.msk [tilespmem:v12+s3+$0x0], $0xffff;
	[tilespmem:s20+$0x0] =	vst v6;
	v6 =	vadd.s32 $0x59D8, v2  }
0xc1: {  	s22 =	sadd.s32 $0xCC80, s7;
	s21 =	sor.u32 s18, s26;
	[tilespmem:s2+$0x200] =	vst v13;
	v13 =	vadd.s32 $0x1770, v4;
	v12 =	vld.idx.msk [tilespmem:v14+s3+$0x0], $0xffff  }
0xc2: {  	s23 =	sor.u32 s5, s22;
	[tilespmem:s21+$0x0] =	vst v15;
	v15 =	vadd.s32 $0x61A8, v7;
	v14 =	vld.idx.msk [tilespmem:v16+s3+$0x0], $0xffff  }
0xc3: {  	s8 =	sor.u32 s0, s16;
	v16 =	vld.idx.msk [tilespmem:v17+s3+$0x0], $0xffff;
	[tilespmem:s23+$0x0] =	vst v8;
	v8 =	vadd.s32 $0x1770, v3  }
0xc4: {  	v17 =	vadd.s32 $0x3A98, v1;
	v9 =	vld.idx.msk [tilespmem:v9+s3+$0x0], $0xffff;
	[tilespmem:s8+$0x0] =	vst v10;
	s8 =	sadd.s32 $0x11980, s1  }
0xc5: {  	s21 =	simm.s32 $0x2;
	v10 =	vadd.s32 $0x3E80, v0;
	[tilespmem:s4+$0x280] =	vst v11;
	s24 =	sor.u32 s19, s8;
	v6 =	vld.idx.msk [tilespmem:v6+s3+$0x0], $0xffff  }
0xc6: {  	s25 =	sand.u32 $0x3, s21;
	v11 =	vld.idx.msk [tilespmem:v13+s3+$0x0], $0xffff;
	[tilespmem:s24+$0x0] =	vst v12;
	v12 =	vadd.s32 $0x5DC0, v2  }
0xc7: {  	s26 =	sor.u32 s18, s22;
	s29 =	sadd.s32 $0xCD00, s7;
	s4 =	sshll.u32 s25, $0x5;
	[tilespmem:s2+$0x280] =	vst v14;
	v14 =	vadd.s32 $0x1B58, v4;
	v13 =	vld.idx.msk [tilespmem:v15+s3+$0x0], $0xffff  }
0xc8: {  	s16 =	sor.u32 s5, s29;
	s4 =	sadd.s32 $0x200, s4;
	[tilespmem:s26+$0x0] =	vst v16;
	v8 =	vld.idx.msk [tilespmem:v8+s3+$0x0], $0xffff;
	v15 =	vadd.s32 $0x6590, v7  }
0xc9: {  	s6 =	sor.u32 s0, s14;
	s20 =	sadd.s32 $0x10, s4;
	v16 =	vld.idx.msk [tilespmem:v17+s3+$0x0], $0xffff;
	[tilespmem:s16+$0x0] =	vst v9;
	v9 =	vadd.s32 $0x1B58, v3  }
0xca: {  	s22 =	sor.u32 $0x300, s20;
	v17 =	vadd.s32 $0x3E80, v1;
	v10 =	vld.idx.msk [tilespmem:v10+s3+$0x0], $0xffff;
	[tilespmem:s6+$0x0] =	vst v6;
	s6 =	sadd.s32 $0x11A00, s1  }
0xcb: {  	[tilespmem:s22+$0xA180] =	vst v11;
	v6 =	vadd.s32 $0x4268, v0;
	v11 =	vld.idx.msk [tilespmem:v12+s3+$0x0], $0xffff;
	s23 =	sor.u32 s19, s6  }
0xcc: {  	s14 =	sor.u32 $0x300, s4;
	s2 =	sor.u32 s18, s29;
	v12 =	vld.idx.msk [tilespmem:v14+s3+$0x0], $0xffff;
	[tilespmem:s23+$0x0] =	vst v13  }
0xcd: {  	s25 =	sor.u32 $0x380, s20;
	s20 =	simm.s32 $0x60;
	s16 =	sadd.s32 $0xF180, s7;
	v13 =	vadd.s32 $0x61A8, v2;
	[tilespmem:s14+$0xA180] =	vst v8;
	v8 =	vld.idx.msk [tilespmem:v15+s3+$0x0], $0xffff  }
0xce: {  	s13 =	sand.u32 $0x60, s20;
	s24 =	sor.u32 s5, s16;
	v14 =	vadd.s32 $0x1F40, v4;
	[tilespmem:s2+$0x0] =	vst v16;
	v9 =	vld.idx.msk [tilespmem:v9+s3+$0x0], $0xffff  }
0xcf: {  	s8 =	sor.u32 s0, s8;
	s29 =	sand.u32 $0x780, s20;
	s14 =	sor.u32 $0x10, s13;
	v16 =	vld.idx.msk [tilespmem:v17+s3+$0x0], $0xffff;
	[tilespmem:s24+$0x0] =	vst v10  }
0xd0: {  	v15 =	vadd.s32 $0x6978, v7;
	s23 =	sor.u32 s14, s29;
	v10 =	vld.idx.msk [tilespmem:v6+s3+$0x0], $0xffff;
	[tilespmem:s8+$0x0] =	vst v11;
	s8 =	sadd.s32 $0x11A80, s1  }
0xd1: {  	v17 =	vadd.s32 $0x1F40, v3;
	v6 =	vld [tilespmem:s23+$0x9780];
	[tilespmem:s25+$0xA180] =	vst v12;
	s26 =	sor.u32 s19, s8  }
0xd2: {  	s22 =	sor.u32 $0x380, s4;
	v11 =	vadd.s32 $0x4650, v0;
	v12 =	vld.idx.msk [tilespmem:v13+s3+$0x0], $0xffff;
	[tilespmem:s26+$0x0] =	vst v8  }
0xd3: {  	s25 =	sor.u32 s18, s16;
	v13 =	vld.idx.msk [tilespmem:v14+s3+$0x0], $0xffff;
	v14 =	vadd.s32 $0x4268, v1;
	[tilespmem:s22+$0xA180] =	vst v9  }
0xd4: {  	s12 =	sadd.s32 $0xF200, s7;
	v9 =	vadd.s32 $0x2328, v4;
	[tilespmem:s25+$0x0] =	vst v16;
	v16 =	vld.idx.msk [tilespmem:v5+s3+$0x0], $0xffff  }
0xd5: {  	s24 =	sor.u32 s5, s12;
	v8 =	vadd.s32 $0x6590, v2;
	v15 =	vld.idx.msk [tilespmem:v15+s3+$0x0], $0xffff  }
0xd6: {  	s29 =	sadd.s32 $0xC980, s11;
	s26 =	sor.u32 s0, s6;
	v17 =	vld.idx.msk [tilespmem:v17+s3+$0x0], $0xffff;
	[tilespmem:s24+$0x0] =	vst v10;
	v10 =	vadd.s32 $0x6D60, v7  }
0xd7: {  	s16 =	sor.u32 s10, s29;
	v11 =	vld.idx.msk [tilespmem:v11+s3+$0x0], $0xffff;
	[tilespmem:s26+$0x0] =	vst v12  }
0xd8: {  	s2 =	sadd.s32 $0x11B00, s1;
	v14 =	vld.idx.msk [tilespmem:v14+s3+$0x0], $0xffff;
	[tilespmem:s16+$0x0] =	vst v13;
	v12 =	vadd.s32 $0x4A38, v0  }
0xd9: {  	s22 =	sor.u32 s19, s2;
	v13 =	vadd.s32 $0x2328, v3;
	v9 =	vld.idx.msk [tilespmem:v9+s3+$0x0], $0xffff  }
0xda: {  	s4 =	sor.u32 s9, s29;
	s16 =	sadd.s32 $0xF280, s7;
	v8 =	vld.idx.msk [tilespmem:v8+s3+$0x0], $0xffff;
	[tilespmem:s22+$0x0] =	vst v15;
	v15 =	vadd.s32 $0x4650, v1  }
0xdb: {  	v18 =	vadd.s32 $0x2710, v4;
	s23 =	sor.u32 s5, s16;
	[tilespmem:s4+$0x0] =	vst v17;
	v10 =	vld.idx.msk [tilespmem:v10+s3+$0x0], $0xffff  }
0xdc: {  	s24 =	sor.u32 s18, s12;
	v19 =	vld.idx.msk [tilespmem:v6+s3+$0x0], $0xffff;
	s22 =	sadd.s32 $0xCA00, s11;
	v17 =	vadd.s32 $0x6978, v2;
	[tilespmem:s23+$0x0] =	vst v11  }
0xdd: {  	s25 =	sor.u32 s10, s22;
	v11 =	vadd.s32 $0x7148, v7;
	s23 =	simm.s32 $0x300;
	v12 =	vld.idx.msk [tilespmem:v12+s3+$0x0], $0xffff;
	[tilespmem:s24+$0x0] =	vst v14  }
0xde: {  	v20 =	vadd.s32 $0x3E8, v5;
	s8 =	sor.u32 s0, s8;
	s4 =	sadd.s32 $0x11B80, s1;
	v13 =	vld.idx.msk [tilespmem:v13+s3+$0x0], $0xffff;
	s6 =	sand.u32 $0x3C00, s23;
	[tilespmem:s25+$0x0] =	vst v9  }
0xdf: {  	s26 =	sor.u32 s19, s4;
	v14 =	vadd.s32 $0x3E8, v6;
	s24 =	sadd.s32 $0xA180, s6;
	[tilespmem:s8+$0x0] =	vst v8;
	v9 =	vld.idx.msk [tilespmem:v15+s3+$0x0], $0xffff  }
0xe0: {  	v15 =	vadd.s32 $0x4E20, v0;
	v18 =	vld.idx.msk [tilespmem:v18+s3+$0x0], $0xffff;
	s25 =	sor.u32 s14, s24;
	[tilespmem:s26+$0x0] =	vst v10  }
0xe1: {  	s8 =	sadd.s32 $0xF300, s7;
	v8 =	vld.idx.msk [tilespmem:v17+s3+$0x0], $0xffff;
	s12 =	sor.u32 s13, s24;
	v10 =	vadd.s32 $0x2710, v3;
	[tilespmem:s25+$0x0] =	vst v19  }
0xe2: {  	v19 =	vadd.s32 $0x2AF8, v4;
	s26 =	sor.u32 s5, s8;
	[tilespmem:s12+$0x0] =	vst v16;
	v11 =	vld.idx.msk [tilespmem:v11+s3+$0x0], $0xffff  }
0xe3: {  	s22 =	sor.u32 s9, s22;
	s24 =	sadd.s32 $0xCA80, s11;
	v17 =	vld.idx.msk [tilespmem:v20+s3+$0x0], $0xffff;
	[tilespmem:s26+$0x0] =	vst v12;
	v12 =	vadd.s32 $0x7530, v7  }
0xe4: {  	v16 =	vadd.s32 $0x4A38, v1;
	s29 =	sor.u32 s10, s24;
	v14 =	vld.idx.msk [tilespmem:v14+s3+$0x0], $0xffff;
	[tilespmem:s22+$0x0] =	vst v13  }
0xe5: {  	s16 =	sor.u32 s18, s16;
	v20 =	vadd.s32 $0x7D0, v6;
	s26 =	sadd.s32 $0x11C00, s1;
	v15 =	vld.idx.msk [tilespmem:v15+s3+$0x0], $0xffff;
	[tilespmem:s29+$0x0] =	vst v18  }
0xe6: {  	s29 =	sor.u32 s19, s26;
	v18 =	vadd.s32 $0x7D0, v5;
	[tilespmem:s16+$0x0] =	vst v9;
	v10 =	vld.idx.msk [tilespmem:v10+s3+$0x0], $0xffff  }
0xe7: {  	v13 =	vadd.s32 $0x5208, v0;
	v19 =	vld.idx.msk [tilespmem:v19+s3+$0x0], $0xffff;
	[tilespmem:s29+$0x0] =	vst v11  }
0xe8: {  	v11 =	vadd.s32 $0x2AF8, v3;
	s29 =	sadd.s32 $0xF380, s7;
	[tilespmem:s12+$0x80] =	vst v17;
	v9 =	vld.idx.msk [tilespmem:v12+s3+$0x0], $0xffff  }
0xe9: {  	[tilespmem:s25+$0x80] =	vst v14;
	v12 =	vadd.s32 $0x2EE0, v4;
	v14 =	vld.idx.msk [tilespmem:v16+s3+$0x0], $0xffff;
	s22 =	sor.u32 s5, s29  }
0xea: {  	v7 =	vadd.s32 $0x7918, v7;
	v16 =	vld.idx.msk [tilespmem:v20+s3+$0x0], $0xffff;
	[tilespmem:s22+$0x0] =	vst v15;
	s22 =	sor.u32 s9, s24;
	s24 =	sadd.s32 $0xCB00, s11  }
0xeb: {  	s30 =	sadd.s32 $0x11C80, s1;
	v15 =	vadd.s32 $0x4E20, v1;
	v17 =	vld.idx.msk [tilespmem:v18+s3+$0x0], $0xffff;
	[tilespmem:s22+$0x0] =	vst v10;
	s22 =	sor.u32 s10, s24  }
0xec: {  	v18 =	vadd.s32 $0xBB8, v6;
	v13 =	vld.idx.msk [tilespmem:v13+s3+$0x0], $0xffff;
	[tilespmem:s22+$0x0] =	vst v19;
	s22 =	sor.u32 s19, s30  }
0xed: {  	s8 =	sor.u32 s18, s8;
	v20 =	vadd.s32 $0xBB8, v5;
	v11 =	vld.idx.msk [tilespmem:v11+s3+$0x0], $0xffff;
	[tilespmem:s22+$0x0] =	vst v9  }
0xee: {  	v19 =	vadd.s32 $0x55F0, v0;
	v12 =	vld.idx.msk [tilespmem:v12+s3+$0x0], $0xffff;
	[tilespmem:s8+$0x0] =	vst v14  }
0xef: {  	v9 =	vadd.s32 $0x2EE0, v3;
	s8 =	sadd.s32 $0xF400, s7;
	v21 =	vld.idx.msk [tilespmem:v7+s3+$0x0], $0xffff;
	[tilespmem:s25+$0x100] =	vst v16  }
0xf0: {  	v22 =	vadd.s32 $0x32C8, v4;
	s16 =	sor.u32 s5, s8;
	v10 =	vld.idx.msk [tilespmem:v15+s3+$0x0], $0xffff;
	[tilespmem:s12+$0x100] =	vst v17  }
0xf1: {  	s31 =	sor.u32 s0, s2;
	s22 =	sor.u32 s0, s26;
	s26 =	sor.u32 s9, s24;
	v15 =	vld.idx.msk [tilespmem:v18+s3+$0x0], $0xffff;
	[tilespmem:s16+$0x0] =	vst v13  }
0xf2: {  	s28 =	sor.u32 s0, s4;
	s4 =	sadd.s32 $0xCB80, s11;
	s24 =	sadd.s32 $0x11D00, s1;
	v16 =	vld.idx.msk [tilespmem:v20+s3+$0x0], $0xffff;
	[tilespmem:s26+$0x0] =	vst v11;
	v11 =	vadd.s32 $0x5208, v1  }
0xf3: {  	s1 =	sor.u32 s0, s24;
	s19 =	sor.u32 s19, s24;
	v17 =	vadd.s32 $0xFA0, v6;
	v7 =	vld.idx.msk [tilespmem:v19+s3+$0x0], $0xffff;
	s26 =	sor.u32 s10, s4  }
0xf4: {  	s24 =	sor.u32 s9, s4;
	s16 =	sor.u32 s0, s30;
	s0 =	simm.s32 $0x6;
	[tilespmem:s26+$0x0] =	vst v12;
	v14 =	vld.idx.msk [tilespmem:v9+s3+$0x0], $0xffff;
	v9 =	vadd.s32 $0x59D8, v0  }
0xf5: {  	v18 =	vadd.s32 $0xFA0, v5;
	s30 =	sor.u32 s18, s29;
	s26 =	sor.u32 s18, s8;
	[tilespmem:s19+$0x0] =	vst v21;
	s19 =	simm.s32 $0x9800;
	v12 =	vld.idx.msk [tilespmem:v22+s3+$0x0], $0xffff  }
.LBB2_5:
0xf6: {  	v13 =	vld [tilespmem:s19+$0x0];
	v19 =	vadd.s32 $0x32C8, v3;
	[tilespmem:s30+$0x0] =	vst v10;
	s8 =	sadd.s32 $0xF480, s7;
	s2 =	smov.u32 s5;
	s5 =	smov.u32 s10  }
0xf7: {  	v10 =	vadd.s32 $0x36B0, v4;
	s10 =	smov.u32 s14;
	[tilespmem:s25+$0x180] =	vst v15;
	v11 =	vld.idx.msk [tilespmem:v11+s3+$0x0], $0xffff;
	s4 =	sor.u32 s18, s8;
	s8 =	sor.u32 s2, s8  }
0xf8: {  	v15 =	vld.idx.msk [tilespmem:v17+s3+$0x0], $0xffff;
	[tilespmem:s8+$0x0] =	vst v7;
	v7 =	vadd.s32 $0x6D60, v2;
	s8 =	smov.u32 s7;
	s7 =	smov.u32 s11;
	s11 =	smov.u32 s6  }
0xf9: {  	[tilespmem:s12+$0x180] =	vst v16;
	s6 =	sadd.s32 $0xCC00, s7;
	v16 =	vadd.s32 $0x55F0, v1;
	v9 =	vld.idx.msk [tilespmem:v9+s3+$0x0], $0xffff  }
0xfa: {  	v17 =	vld.idx.msk [tilespmem:v18+s3+$0x0], $0xffff;
	v18 =	vadd.s32 $0x1388, v6;
	[tilespmem:s24+$0x0] =	vst v14;
	s14 =	sor.u32 s9, s6;
	s6 =	sor.u32 s5, s6  }
0xfb: {  	v14 =	vld.idx.msk [tilespmem:v19+s3+$0x0], $0xffff;
	[tilespmem:s6+$0x0] =	vst v12;
	v12 =	vadd.s32 $0x5DC0, v0  }
0xfc: {  	v19 =	vadd.s32 $0x1388, v5;
	v10 =	vld.idx.msk [tilespmem:v10+s3+$0x0], $0xffff;
	[tilespmem:s31+$0x0] =	vst v8  }
0xfd: {  	s24 =	sadd.s32 $0xF500, s8;
	v8 =	vadd.s32 $0x36B0, v3;
	[tilespmem:s26+$0x0] =	vst v11;
	v7 =	vld.idx.msk [tilespmem:v7+s3+$0x0], $0xffff  }
0xfe: {  	s6 =	sor.u32 s18, s24;
	s24 =	sor.u32 s2, s24;
	v11 =	vadd.s32 $0x3A98, v4;
	[tilespmem:s25+$0x200] =	vst v15;
	v15 =	vld.idx.msk [tilespmem:v16+s3+$0x0], $0xffff  }
0xff: {  	v16 =	vld.idx.msk [tilespmem:v18+s3+$0x0], $0xffff;
	[tilespmem:s24+$0x0] =	vst v9;
	v9 =	vadd.s32 $0x7148, v2  }
0x100: {  	s24 =	sadd.s32 $0xCC80, s7;
	[tilespmem:s12+$0x200] =	vst v17;
	v17 =	vadd.s32 $0x59D8, v1;
	v12 =	vld.idx.msk [tilespmem:v12+s3+$0x0], $0xffff  }
0x101: {  	v18 =	vld.idx.msk [tilespmem:v19+s3+$0x0], $0xffff;
	v19 =	vadd.s32 $0x1770, v6;
	[tilespmem:s14+$0x0] =	vst v14;
	s14 =	sor.u32 s9, s24;
	s24 =	sor.u32 s5, s24  }
0x102: {  	v8 =	vld.idx.msk [tilespmem:v8+s3+$0x0], $0xffff;
	[tilespmem:s24+$0x0] =	vst v10;
	v10 =	vadd.s32 $0x61A8, v0  }
0x103: {  	v14 =	vadd.s32 $0x1770, v5;
	v11 =	vld.idx.msk [tilespmem:v11+s3+$0x0], $0xffff;
	[tilespmem:s28+$0x0] =	vst v7  }
0x104: {  	s24 =	sadd.s32 $0x11980, s8;
	v7 =	vadd.s32 $0x3A98, v3;
	[tilespmem:s4+$0x0] =	vst v15;
	v9 =	vld.idx.msk [tilespmem:v9+s3+$0x0], $0xffff  }
0x105: {  	v15 =	vadd.s32 $0x3E80, v4;
	s4 =	sor.u32 s18, s24;
	s24 =	sor.u32 s2, s24;
	[tilespmem:s25+$0x280] =	vst v16;
	v16 =	vld.idx.msk [tilespmem:v17+s3+$0x0], $0xffff  }
0x106: {  	s21 =	sadd.s32 $0x1, s21;
	v17 =	vld.idx.msk [tilespmem:v19+s3+$0x0], $0xffff;
	[tilespmem:s24+$0x0] =	vst v12;
	v12 =	vadd.s32 $0x7530, v2  }
0x107: {  	s24 =	sand.u32 $0x3, s21;
	[tilespmem:s12+$0x280] =	vst v18;
	s12 =	sadd.s32 $0xCD00, s7;
	v18 =	vadd.s32 $0x5DC0, v1;
	v10 =	vld.idx.msk [tilespmem:v10+s3+$0x0], $0xffff  }
0x108: {  	v19 =	vadd.s32 $0x1B58, v6;
	s24 =	sshll.u32 s24, $0x5;
	v14 =	vld.idx.msk [tilespmem:v14+s3+$0x0], $0xffff;
	[tilespmem:s14+$0x0] =	vst v8;
	s14 =	sor.u32 s9, s12;
	s12 =	sor.u32 s5, s12  }
0x109: {  	s24 =	sadd.s32 s24, s23;
	v8 =	vadd.s32 $0x6590, v0;
	v7 =	vld.idx.msk [tilespmem:v7+s3+$0x0], $0xffff;
	[tilespmem:s12+$0x0] =	vst v11  }
0x10a: {  	s25 =	sor.u32 $0x300, s24;
	v11 =	vadd.s32 $0x1B58, v5;
	s12 =	sor.u32 $0x380, s24;
	s24 =	sadd.s32 $0x10, s24;
	v15 =	vld.idx.msk [tilespmem:v15+s3+$0x0], $0xffff;
	[tilespmem:s22+$0x0] =	vst v9  }
0x10b: {  	s26 =	sadd.s32 $0x11A00, s8;
	s22 =	sor.u32 $0x300, s24;
	v9 =	vadd.s32 $0x3E80, v3;
	[tilespmem:s6+$0x0] =	vst v16;
	v12 =	vld.idx.msk [tilespmem:v12+s3+$0x0], $0xffff  }
0x10c: {  	v16 =	vadd.s32 $0x4268, v4;
	s6 =	sor.u32 s18, s26;
	[tilespmem:s22+$0xA180] =	vst v17;
	v17 =	vld.idx.msk [tilespmem:v18+s3+$0x0], $0xffff;
	s22 =	sor.u32 s2, s26  }
0x10d: {  	v18 =	vld.idx.msk [tilespmem:v19+s3+$0x0], $0xffff;
	[tilespmem:s22+$0x0] =	vst v10;
	v10 =	vadd.s32 $0x7918, v2;
	v2 =	vmovc v1;
	v1 =	vmovc v3;
	v3 =	vmov v5;
	v5 =	vmov v13  }
0x10e: {  	s22 =	sadd.s32 $0xF180, s7;
	[tilespmem:s25+$0xA180] =	vst v14;
	v13 =	vadd.s32 $0x61A8, v2;
	v8 =	vld.idx.msk [tilespmem:v8+s3+$0x0], $0xffff  }
0x10f: {  	v14 =	vadd.s32 $0x1F40, v6;
	s25 =	sor.u32 s9, s22;
	v11 =	vld.idx.msk [tilespmem:v11+s3+$0x0], $0xffff;
	[tilespmem:s14+$0x0] =	vst v7;
	s14 =	sor.u32 s5, s22  }
0x110: {  	v7 =	vld.idx.msk [tilespmem:v9+s3+$0x0], $0xffff;
	[tilespmem:s14+$0x0] =	vst v15;
	v9 =	vadd.s32 $0x6978, v0  }
0x111: {  	v15 =	vld.idx.msk [tilespmem:v16+s3+$0x0], $0xffff;
	[tilespmem:s16+$0x0] =	vst v12  }
0x112: {  	s20 =	sadd.s32 $0x20, s20;
	s14 =	sor.u32 $0x380, s24;
	v12 =	vadd.s32 $0x1F40, v3;
	s16 =	sadd.s32 $0x11A80, s8;
	[tilespmem:s4+$0x0] =	vst v17;
	v10 =	vld.idx.msk [tilespmem:v10+s3+$0x0], $0xffff  }
0x113: {  	s0 =	sadd.s32 $0x2, s0;
	v16 =	vadd.s32 $0x4650, v4;
	s4 =	sand.u32 $0x60, s20;
	s22 =	sor.u32 s2, s16;
	[tilespmem:s14+$0xA180] =	vst v18;
	v13 =	vld.idx.msk [tilespmem:v13+s3+$0x0], $0xffff  }
0x114: {  	p1 =	slt.u32 s0, $0x4E;
	s24 =	sand.u32 $0x780, s20;
	v17 =	vadd.s32 $0x4268, v1;
	s14 =	sor.u32 $0x10, s4;
	v14 =	vld.idx.msk [tilespmem:v14+s3+$0x0], $0xffff;
	[tilespmem:s22+$0x0] =	vst v8  }
0x115: {  	s16 =	sor.u32 s18, s16;
	s22 =	sor.u32 s14, s24;
	v8 =	vadd.s32 $0x6590, v2;
	[tilespmem:s12+$0xA180] =	vst v11;
	s12 =	sadd.s32 $0xF200, s7;
	v9 =	vld.idx.msk [tilespmem:v9+s3+$0x0], $0xffff  }
0x116: {  	v18 =	vadd.s32 $0x2328, v6;
	v11 =	vld [tilespmem:s22+$0x9780];
	[tilespmem:s25+$0x0] =	vst v7;
	s22 =	sor.u32 s9, s12;
	s12 =	sor.u32 s5, s12  }
0x117: {  	v7 =	vld.idx.msk [tilespmem:v12+s3+$0x0], $0xffff;
	[tilespmem:s12+$0x0] =	vst v15;
	v12 =	vadd.s32 $0x6D60, v0  }
0x118: {  	s12 =	sadd.s32 $0xC980, s11;
	v15 =	vld.idx.msk [tilespmem:v16+s3+$0x0], $0xffff;
	[tilespmem:s1+$0x0] =	vst v10  }
0x119: {  	s1 =	sor.u32 s13, s12;
	s12 =	sor.u32 s10, s12;
	v10 =	vld.idx.msk [tilespmem:v17+s3+$0x0], $0xffff;
	[tilespmem:s6+$0x0] =	vst v13;
	s6 =	sadd.s32 $0x11B00, s8  }
0x11a: {  	v13 =	vadd.s32 $0x4A38, v4;
	[tilespmem:s12+$0x0] =	vst v14;
	v8 =	vld.idx.msk [tilespmem:v8+s3+$0x0], $0xffff;
	s31 =	sor.u32 s18, s6;
	s6 =	sor.u32 s2, s6  }
0x11b: {  	v14 =	vadd.s32 $0x2328, v3;
	v16 =	vld.idx.msk [tilespmem:v18+s3+$0x0], $0xffff;
	[tilespmem:s6+$0x0] =	vst v9  }
0x11c: {  	v9 =	vadd.s32 $0x4650, v1;
	s6 =	sadd.s32 $0xF280, s7;
	v12 =	vld.idx.msk [tilespmem:v12+s3+$0x0], $0xffff  }
0x11d: {  	v17 =	vld.idx.msk [tilespmem:v5+s3+$0x0], $0xffff;
	[tilespmem:s1+$0x0] =	vst v7;
	v7 =	vadd.s32 $0x2710, v6;
	s1 =	sor.u32 s9, s6;
	s6 =	sor.u32 s5, s6  }
0x11e: {  	v18 =	vld.idx.msk [tilespmem:v11+s3+$0x0], $0xffff;
	[tilespmem:s6+$0x0] =	vst v15;
	v15 =	vadd.s32 $0x7148, v0  }
0x11f: {  	s12 =	sadd.s32 $0xCA00, s11;
	[tilespmem:s22+$0x0] =	vst v10;
	v10 =	vld.idx.msk [tilespmem:v13+s3+$0x0], $0xffff;
	v13 =	vadd.s32 $0x6978, v2  }
0x120: {  	s23 =	sadd.s32 $0x100, s23;
	v19 =	vadd.s32 $0x3E8, v11;
	s22 =	sor.u32 s10, s12;
	v14 =	vld.idx.msk [tilespmem:v14+s3+$0x0], $0xffff;
	[tilespmem:s16+$0x0] =	vst v8;
	s16 =	sadd.s32 $0x11B80, s8  }
0x121: {  	s26 =	sor.u32 s13, s12;
	s6 =	sand.u32 $0x3C00, s23;
	[tilespmem:s22+$0x0] =	vst v16;
	v9 =	vld.idx.msk [tilespmem:v9+s3+$0x0], $0xffff;
	v16 =	vadd.s32 $0x4E20, v4;
	s12 =	sor.u32 s2, s16  }
0x122: {  	v20 =	vadd.s32 $0x3E8, v5;
	s22 =	sadd.s32 $0xA180, s6;
	s28 =	sor.u32 s18, s16;
	v7 =	vld.idx.msk [tilespmem:v7+s3+$0x0], $0xffff;
	[tilespmem:s12+$0x0] =	vst v12  }
0x123: {  	s16 =	sadd.s32 $0xF300, s7;
	s12 =	sor.u32 s4, s22;
	s25 =	sor.u32 s14, s22;
	v12 =	vadd.s32 $0x2710, v3;
	v15 =	vld.idx.msk [tilespmem:v15+s3+$0x0], $0xffff  }
0x124: {  	s24 =	sor.u32 s9, s16;
	s16 =	sor.u32 s5, s16;
	[tilespmem:s25+$0x0] =	vst v18;
	v18 =	vadd.s32 $0x2AF8, v6;
	v8 =	vld.idx.msk [tilespmem:v13+s3+$0x0], $0xffff  }
0x125: {  	v13 =	vld.idx.msk [tilespmem:v19+s3+$0x0], $0xffff;
	[tilespmem:s16+$0x0] =	vst v10;
	v10 =	vadd.s32 $0x7530, v0  }
0x126: {  	s16 =	sadd.s32 $0xCA80, s11;
	[tilespmem:s12+$0x0] =	vst v17;
	v17 =	vadd.s32 $0x4A38, v1;
	v16 =	vld.idx.msk [tilespmem:v16+s3+$0x0], $0xffff  }
0x127: {  	s29 =	sadd.s32 $0x11C00, s8;
	v19 =	vld.idx.msk [tilespmem:v20+s3+$0x0], $0xffff;
	v20 =	vadd.s32 $0x7D0, v11;
	[tilespmem:s26+$0x0] =	vst v14;
	s26 =	sor.u32 s13, s16;
	s16 =	sor.u32 s10, s16  }
0x128: {  	s22 =	sor.u32 s18, s29;
	v12 =	vld.idx.msk [tilespmem:v12+s3+$0x0], $0xffff;
	[tilespmem:s16+$0x0] =	vst v7;
	v7 =	vadd.s32 $0x5208, v4;
	s16 =	sor.u32 s2, s29  }
0x129: {  	v14 =	vadd.s32 $0x7D0, v5;
	v18 =	vld.idx.msk [tilespmem:v18+s3+$0x0], $0xffff;
	[tilespmem:s16+$0x0] =	vst v15  }
0x12a: {  	v15 =	vadd.s32 $0x2AF8, v3;
	[tilespmem:s1+$0x0] =	vst v9;
	s1 =	sadd.s32 $0xF380, s7;
	v9 =	vld.idx.msk [tilespmem:v10+s3+$0x0], $0xffff  }
0x12b: {  	v10 =	vadd.s32 $0x2EE0, v6;
	[tilespmem:s25+$0x80] =	vst v13;
	v13 =	vld.idx.msk [tilespmem:v17+s3+$0x0], $0xffff;
	s30 =	sor.u32 s9, s1;
	s1 =	sor.u32 s5, s1  }
0x12c: {  	v17 =	vld.idx.msk [tilespmem:v20+s3+$0x0], $0xffff;
	[tilespmem:s1+$0x0] =	vst v16;
	v16 =	vadd.s32 $0x7918, v0;
	v0 =	vmovc v4;
	v4 =	vmov v6;
	v6 =	vmov v11  }
0x12d: {  	s1 =	sadd.s32 $0xCB00, s11;
	v11 =	vadd.s32 $0x4E20, v1;
	[tilespmem:s12+$0x80] =	vst v19;
	v7 =	vld.idx.msk [tilespmem:v7+s3+$0x0], $0xffff  }
0x12e: {  	v19 =	vadd.s32 $0xBB8, v6;
	s29 =	sor.u32 s13, s1;
	s1 =	sor.u32 s10, s1;
	v14 =	vld.idx.msk [tilespmem:v14+s3+$0x0], $0xffff;
	[tilespmem:s26+$0x0] =	vst v12;
	s26 =	sadd.s32 $0x11C80, s8  }
0x12f: {  	v12 =	vld.idx.msk [tilespmem:v15+s3+$0x0], $0xffff;
	[tilespmem:s1+$0x0] =	vst v18;
	v18 =	vadd.s32 $0x55F0, v0;
	s16 =	sor.u32 s18, s26;
	s1 =	sor.u32 s2, s26  }
0x130: {  	v20 =	vadd.s32 $0xBB8, v5;
	v21 =	vld.idx.msk [tilespmem:v10+s3+$0x0], $0xffff;
	[tilespmem:s1+$0x0] =	vst v9  }
0x131: {  	v9 =	vadd.s32 $0x2EE0, v3;
	s1 =	sadd.s32 $0xF400, s7;
	[tilespmem:s24+$0x0] =	vst v13;
	v13 =	vld.idx.msk [tilespmem:v16+s3+$0x0], $0xffff  }
0x132: {  	v22 =	vadd.s32 $0x32C8, v4;
	s26 =	sor.u32 s9, s1;
	s1 =	sor.u32 s5, s1;
	[tilespmem:s25+$0x100] =	vst v17;
	v10 =	vld.idx.msk [tilespmem:v11+s3+$0x0], $0xffff  }
.Ltmp1:
0x133: {  	v15 =	vld.idx.msk [tilespmem:v19+s3+$0x0], $0xffff;
	[tilespmem:s1+$0x0] =	vst v7;
	(pc) =	sbr.rel @p1 .LBB2_5-.Ltmp1, $4  }
0x134: {  	v11 =	vadd.s32 $0x5208, v1;
	s1 =	sadd.s32 $0xCB80, s11;
	[tilespmem:s12+$0x100] =	vst v14;
	v7 =	vld.idx.msk [tilespmem:v18+s3+$0x0], $0xffff  }
0x135: {  	s8 =	sadd.s32 $0x11D00, s8;
	v17 =	vadd.s32 $0xFA0, v6;
	s24 =	sor.u32 s13, s1;
	s1 =	sor.u32 s10, s1;
	v16 =	vld.idx.msk [tilespmem:v20+s3+$0x0], $0xffff;
	[tilespmem:s29+$0x0] =	vst v12  }
0x136: {  	s2 =	sor.u32 s2, s8;
	v14 =	vld.idx.msk [tilespmem:v9+s3+$0x0], $0xffff;
	[tilespmem:s1+$0x0] =	vst v21;
	v9 =	vadd.s32 $0x59D8, v0;
	s1 =	sor.u32 s18, s8;
	s18 =	smov.u32 s9  }
0x137: {  	s19 =	sadd.s32 $0x20, s19;
	v18 =	vadd.s32 $0xFA0, v5;
	s9 =	smov.u32 s13;
	s13 =	smov.u32 s4;
	v12 =	vld.idx.msk [tilespmem:v22+s3+$0x0], $0xffff;
	[tilespmem:s2+$0x0] =	vst v13  }
0x138: {  	_ =	sdelay $0x2  }
0x139: {  	[tilespmem:s25+$0x180] =	vst v15  }
0x13a: {  	v13 =	vld.idx.msk [tilespmem:v17+s3+$0x0], $0xffff;
	[tilespmem:s12+$0x180] =	vst v16  }
0x13b: {  	v25 =	vadd.s32 $0x1388, v6;
	v24 =	vld.idx.msk [tilespmem:v18+s3+$0x0], $0xffff  }
0x13c: {  	v26 =	vadd.s32 $0x1388, v5;
	_ =	sdelay $0x2  }
0x13d: {  	[tilespmem:s25+$0x200] =	vst v13  }
0x13e: {  	v13 =	vld.idx.msk [tilespmem:v25+s3+$0x0], $0xffff;
	[tilespmem:s12+$0x200] =	vst v24  }
0x13f: {  	v27 =	vadd.s32 $0x1770, v6;
	v15 =	vld.idx.msk [tilespmem:v26+s3+$0x0], $0xffff  }
0x140: {  	v28 =	vadd.s32 $0x1770, v5;
	_ =	sdelay $0x2  }
0x141: {  	s0 =	sadd.s32 $0x1, s21;
	[tilespmem:s25+$0x280] =	vst v13  }
0x142: {  	s0 =	sand.u32 $0x3, s0;
	v13 =	vld.idx.msk [tilespmem:v27+s3+$0x0], $0xffff;
	[tilespmem:s12+$0x280] =	vst v15  }
0x143: {  	v29 =	vadd.s32 $0x1B58, v6;
	s0 =	sshll.u32 s0, $0x5;
	v15 =	vld.idx.msk [tilespmem:v28+s3+$0x0], $0xffff  }
0x144: {  	v30 =	vadd.s32 $0x1B58, v5;
	s0 =	sadd.s32 s0, s23  }
0x145: {  	s2 =	sadd.s32 $0x10, s0  }
0x146: {  	s4 =	sor.u32 $0x300, s2  }
0x147: {  	s29 =	sor.u32 $0x300, s0;
	[tilespmem:s4+$0xA180] =	vst v13  }
0x148: {  	v13 =	vld.idx.msk [tilespmem:v29+s3+$0x0], $0xffff;
	[tilespmem:s29+$0xA180] =	vst v15  }
0x149: {  	v31 =	vadd.s32 $0x1F40, v6;
	v15 =	vld.idx.msk [tilespmem:v30+s3+$0x0], $0xffff  }
0x14a: {  	v32 =	vadd.s32 $0x1F40, v5;
	_ =	sdelay $0x1  }
0x14b: {  	s2 =	sor.u32 $0x380, s2  }
0x14c: {  	s0 =	sor.u32 $0x380, s0;
	[tilespmem:s2+$0xA180] =	vst v13  }
0x14d: {  	v13 =	vld.idx.msk [tilespmem:v31+s3+$0x0], $0xffff;
	[tilespmem:s0+$0xA180] =	vst v15  }
0x14e: {  	v33 =	vadd.s32 $0x2328, v6;
	v34 =	vld.idx.msk [tilespmem:v32+s3+$0x0], $0xffff  }
0x14f: {  	v35 =	vadd.s32 $0x2328, v5  }
0x150: {  	s2 =	sadd.s32 $0xC980, s6  }
0x151: {  	s4 =	sor.u32 s14, s2  }
0x152: {  	s0 =	sor.u32 s13, s2;
	[tilespmem:s4+$0x0] =	vst v13  }
0x153: {  	v13 =	vld.idx.msk [tilespmem:v33+s3+$0x0], $0xffff;
	[tilespmem:s0+$0x0] =	vst v34  }
0x154: {  	v36 =	vadd.s32 $0x2710, v6;
	v16 =	vld.idx.msk [tilespmem:v35+s3+$0x0], $0xffff  }
0x155: {  	v37 =	vadd.s32 $0x2710, v5  }
0x156: {  	s8 =	sadd.s32 $0xCA00, s6  }
0x157: {  	s12 =	sor.u32 s14, s8  }
0x158: {  	s0 =	sor.u32 s13, s8;
	[tilespmem:s12+$0x0] =	vst v13  }
0x159: {  	v13 =	vld.idx.msk [tilespmem:v36+s3+$0x0], $0xffff;
	[tilespmem:s0+$0x0] =	vst v16  }
0x15a: {  	v38 =	vadd.s32 $0x2AF8, v6;
	v16 =	vld.idx.msk [tilespmem:v37+s3+$0x0], $0xffff  }
0x15b: {  	v39 =	vadd.s32 $0x2AF8, v5  }
0x15c: {  	s19 =	sadd.s32 $0xCA80, s6  }
0x15d: {  	s20 =	sor.u32 s14, s19  }
0x15e: {  	s0 =	sor.u32 s13, s19;
	[tilespmem:s20+$0x0] =	vst v13  }
0x15f: {  	v13 =	vld.idx.msk [tilespmem:v38+s3+$0x0], $0xffff;
	[tilespmem:s0+$0x0] =	vst v16  }
0x160: {  	v40 =	vadd.s32 $0x2EE0, v6;
	v16 =	vld.idx.msk [tilespmem:v39+s3+$0x0], $0xffff  }
0x161: {  	v41 =	vadd.s32 $0x2EE0, v5  }
0x162: {  	s21 =	sadd.s32 $0xCB00, s6  }
0x163: {  	v42 =	vadd.s32 $0x32C8, v3;
	s23 =	sor.u32 s14, s21  }
0x164: {  	v45 =	vadd.s32 $0x36B0, v4;
	s0 =	sor.u32 s13, s21;
	[tilespmem:s23+$0x0] =	vst v13  }
0x165: {  	v15 =	vld.idx.msk [tilespmem:v40+s3+$0x0], $0xffff;
	[tilespmem:s0+$0x0] =	vst v16  }
0x166: {  	v43 =	vadd.s32 $0x32C8, v6;
	s4 =	sadd.s32 $0xCC00, s11;
	v17 =	vld.idx.msk [tilespmem:v41+s3+$0x0], $0xffff  }
0x167: {  	v44 =	vadd.s32 $0x32C8, v5;
	[tilespmem:s24+$0x0] =	vst v14;
	s8 =	sor.u32 s10, s4  }
0x168: {  	s25 =	sadd.s32 $0xCB80, s6;
	[tilespmem:s8+$0x0] =	vst v12;
	v13 =	vld.idx.msk [tilespmem:v42+s3+$0x0], $0xffff  }
0x169: {  	v46 =	vadd.s32 $0x36B0, v3;
	s29 =	sor.u32 s14, s25;
	v12 =	vld.idx.msk [tilespmem:v45+s3+$0x0], $0xffff  }
0x16a: {  	v48 =	vadd.s32 $0x3A98, v4;
	s0 =	sor.u32 s13, s25;
	[tilespmem:s29+$0x0] =	vst v15  }
0x16b: {  	v16 =	vld.idx.msk [tilespmem:v43+s3+$0x0], $0xffff;
	[tilespmem:s0+$0x0] =	vst v17  }
0x16c: {  	v47 =	vadd.s32 $0x36B0, v6;
	s20 =	sadd.s32 $0xCC80, s11;
	s0 =	sor.u32 s9, s4;
	v18 =	vld.idx.msk [tilespmem:v44+s3+$0x0], $0xffff  }
0x16d: {  	v19 =	vadd.s32 $0x36B0, v5;
	s21 =	sor.u32 s10, s20;
	[tilespmem:s0+$0x0] =	vst v13  }
0x16e: {  	s12 =	sadd.s32 $0xCC00, s6;
	[tilespmem:s21+$0x0] =	vst v12;
	v49 =	vld.idx.msk [tilespmem:v46+s3+$0x0], $0xffff  }
0x16f: {  	v50 =	vadd.s32 $0x3A98, v3;
	s19 =	sor.u32 s14, s12;
	v12 =	vld.idx.msk [tilespmem:v48+s3+$0x0], $0xffff  }
0x170: {  	v53 =	vadd.s32 $0x3E80, v4;
	s2 =	sor.u32 s13, s12;
	[tilespmem:s19+$0x0] =	vst v16  }
0x171: {  	v16 =	vld.idx.msk [tilespmem:v47+s3+$0x0], $0xffff;
	[tilespmem:s2+$0x0] =	vst v18  }
0x172: {  	v51 =	vadd.s32 $0x3A98, v6;
	s25 =	sadd.s32 $0xCD00, s11;
	s0 =	sor.u32 s9, s20;
	v18 =	vld.idx.msk [tilespmem:v19+s3+$0x0], $0xffff  }
0x173: {  	v52 =	vadd.s32 $0x3A98, v5;
	s29 =	sor.u32 s10, s25;
	[tilespmem:s0+$0x0] =	vst v49  }
0x174: {  	s23 =	sadd.s32 $0xCC80, s6;
	[tilespmem:s29+$0x0] =	vst v12;
	v14 =	vld.idx.msk [tilespmem:v50+s3+$0x0], $0xffff  }
0x175: {  	v54 =	vadd.s32 $0x3E80, v3;
	s24 =	sor.u32 s14, s23;
	v12 =	vld.idx.msk [tilespmem:v53+s3+$0x0], $0xffff  }
0x176: {  	v57 =	vadd.s32 $0x4268, v4;
	s2 =	sor.u32 s13, s23;
	[tilespmem:s24+$0x0] =	vst v16  }
0x177: {  	v16 =	vld.idx.msk [tilespmem:v51+s3+$0x0], $0xffff;
	[tilespmem:s2+$0x0] =	vst v18  }
0x178: {  	v55 =	vadd.s32 $0x3E80, v6;
	s12 =	sadd.s32 $0xF180, s11;
	s0 =	sor.u32 s9, s25;
	v18 =	vld.idx.msk [tilespmem:v52+s3+$0x0], $0xffff  }
0x179: {  	v56 =	vadd.s32 $0x3E80, v5;
	s19 =	sor.u32 s10, s12;
	[tilespmem:s0+$0x0] =	vst v14  }
0x17a: {  	s4 =	sadd.s32 $0xCD00, s6;
	[tilespmem:s19+$0x0] =	vst v12;
	v14 =	vld.idx.msk [tilespmem:v54+s3+$0x0], $0xffff  }
0x17b: {  	v58 =	vadd.s32 $0x4268, v3;
	s8 =	sor.u32 s14, s4;
	v12 =	vld.idx.msk [tilespmem:v57+s3+$0x0], $0xffff  }
0x17c: {  	v61 =	vadd.s32 $0x4650, v4;
	s2 =	sor.u32 s13, s4;
	[tilespmem:s8+$0x0] =	vst v16  }
0x17d: {  	v16 =	vld.idx.msk [tilespmem:v55+s3+$0x0], $0xffff;
	[tilespmem:s2+$0x0] =	vst v18  }
0x17e: {  	v59 =	vadd.s32 $0x4268, v6;
	s23 =	sadd.s32 $0xF200, s11;
	s0 =	sor.u32 s9, s12;
	v18 =	vld.idx.msk [tilespmem:v56+s3+$0x0], $0xffff  }
0x17f: {  	v60 =	vadd.s32 $0x4268, v5;
	s24 =	sor.u32 s10, s23;
	[tilespmem:s0+$0x0] =	vst v14  }
0x180: {  	s20 =	sadd.s32 $0xF180, s6;
	[tilespmem:s24+$0x0] =	vst v12;
	v14 =	vld.idx.msk [tilespmem:v58+s3+$0x0], $0xffff  }
0x181: {  	v62 =	vadd.s32 $0x4650, v3;
	s21 =	sor.u32 s14, s20;
	v12 =	vld.idx.msk [tilespmem:v61+s3+$0x0], $0xffff  }
0x182: {  	v22 =	vadd.s32 $0x4A38, v4;
	s2 =	sor.u32 s13, s20;
	[tilespmem:s21+$0x0] =	vst v16  }
0x183: {  	v16 =	vld.idx.msk [tilespmem:v59+s3+$0x0], $0xffff;
	[tilespmem:s2+$0x0] =	vst v18  }
0x184: {  	v63 =	vadd.s32 $0x4650, v6;
	s8 =	sadd.s32 $0xF280, s11;
	s0 =	sor.u32 s9, s23;
	v18 =	vld.idx.msk [tilespmem:v60+s3+$0x0], $0xffff  }
0x185: {  	v21 =	vadd.s32 $0x4650, v5;
	s12 =	sor.u32 s10, s8;
	[tilespmem:s0+$0x0] =	vst v14  }
0x186: {  	v30 =	vadd.s32 $0x6D60, v2;
	s25 =	sadd.s32 $0xF200, s6;
	[tilespmem:s12+$0x0] =	vst v12;
	v14 =	vld.idx.msk [tilespmem:v62+s3+$0x0], $0xffff  }
0x187: {  	v23 =	vadd.s32 $0x4A38, v3;
	s29 =	sor.u32 s14, s25;
	v12 =	vld.idx.msk [tilespmem:v22+s3+$0x0], $0xffff  }
0x188: {  	v26 =	vadd.s32 $0x4E20, v4;
	s4 =	sor.u32 s13, s25;
	[tilespmem:s29+$0x0] =	vst v16  }
0x189: {  	v16 =	vld.idx.msk [tilespmem:v63+s3+$0x0], $0xffff;
	[tilespmem:s4+$0x0] =	vst v18  }
0x18a: {  	[tilespmem:s31+$0x0] =	vst v8;
	v24 =	vadd.s32 $0x4A38, v6;
	s24 =	sadd.s32 $0xF300, s11;
	s0 =	sor.u32 s9, s8;
	v18 =	vld.idx.msk [tilespmem:v21+s3+$0x0], $0xffff  }
0x18b: {  	v25 =	vadd.s32 $0x4A38, v5;
	v35 =	vld.idx.msk [tilespmem:v30+s3+$0x0], $0xffff;
	s25 =	sor.u32 s10, s24;
	[tilespmem:s0+$0x0] =	vst v14  }
0x18c: {  	s19 =	sadd.s32 $0xF280, s6;
	[tilespmem:s25+$0x0] =	vst v12;
	v14 =	vld.idx.msk [tilespmem:v23+s3+$0x0], $0xffff  }
0x18d: {  	[tilespmem:s30+$0x0] =	vst v10;
	v27 =	vadd.s32 $0x4E20, v3;
	s20 =	sor.u32 s14, s19;
	v13 =	vld.idx.msk [tilespmem:v26+s3+$0x0], $0xffff  }
0x18e: {  	v38 =	vadd.s32 $0x7148, v2;
	s21 =	sor.u32 s13, s19;
	[tilespmem:s20+$0x0] =	vst v16  }
0x18f: {  	v16 =	vld.idx.msk [tilespmem:v24+s3+$0x0], $0xffff;
	[tilespmem:s21+$0x0] =	vst v18  }
0x190: {  	v28 =	vadd.s32 $0x4E20, v6;
	[tilespmem:s28+$0x0] =	vst v35;
	s8 =	sadd.s32 $0xF380, s11;
	s0 =	sor.u32 s9, s24;
	v10 =	vld.idx.msk [tilespmem:v25+s3+$0x0], $0xffff  }
0x191: {  	v11 =	vld.idx.msk [tilespmem:v11+s3+$0x0], $0xffff;
	v29 =	vadd.s32 $0x4E20, v5;
	s12 =	sor.u32 s10, s8;
	s4 =	sadd.s32 $0xF480, s7;
	[tilespmem:s0+$0x0] =	vst v14  }
0x192: {  	v32 =	vadd.s32 $0x5208, v4;
	s29 =	sadd.s32 $0xF300, s6;
	[tilespmem:s12+$0x0] =	vst v13;
	s23 =	sor.u32 s5, s4;
	v15 =	vld.idx.msk [tilespmem:v27+s3+$0x0], $0xffff  }
0x193: {  	v33 =	vadd.s32 $0x5208, v3;
	s30 =	sor.u32 s14, s29;
	v13 =	vld.idx.msk [tilespmem:v38+s3+$0x0], $0xffff;
	[tilespmem:s23+$0x0] =	vst v7  }
0x194: {  	v31 =	vadd.s32 $0x55F0, v1;
	s2 =	sor.u32 s13, s29;
	v9 =	vld.idx.msk [tilespmem:v9+s3+$0x0], $0xffff;
	[tilespmem:s30+$0x0] =	vst v16  }
0x195: {  	v51 =	vadd.s32 $0x7530, v2;
	v7 =	vld.idx.msk [tilespmem:v28+s3+$0x0], $0xffff;
	[tilespmem:s2+$0x0] =	vst v10  }
0x196: {  	[tilespmem:s26+$0x0] =	vst v11;
	v34 =	vadd.s32 $0x5208, v6;
	s8 =	sor.u32 s9, s8;
	v8 =	vld.idx.msk [tilespmem:v29+s3+$0x0], $0xffff  }
0x197: {  	v36 =	vadd.s32 $0x5208, v5;
	s0 =	sadd.s32 $0xF500, s7;
	v14 =	vld.idx.msk [tilespmem:v32+s3+$0x0], $0xffff;
	[tilespmem:s8+$0x0] =	vst v15  }
0x198: {  	v39 =	vadd.s32 $0x55F0, v4;
	s19 =	sadd.s32 $0xF380, s6;
	[tilespmem:s22+$0x0] =	vst v13;
	s31 =	sor.u32 s5, s0;
	v15 =	vld.idx.msk [tilespmem:v33+s3+$0x0], $0xffff  }
0x199: {  	v40 =	vadd.s32 $0x55F0, v3;
	v12 =	vld.idx.msk [tilespmem:v31+s3+$0x0], $0xffff;
	s20 =	sor.u32 s14, s19;
	[tilespmem:s31+$0x0] =	vst v9  }
0x19a: {  	v37 =	vadd.s32 $0x5DC0, v0;
	s23 =	sadd.s32 $0xF400, s11;
	v56 =	vld.idx.msk [tilespmem:v51+s3+$0x0], $0xffff;
	s2 =	sor.u32 s13, s19;
	[tilespmem:s20+$0x0] =	vst v7  }
0x19b: {  	v44 =	vadd.s32 $0x59D8, v1;
	s24 =	sor.u32 s10, s23;
	v10 =	vld.idx.msk [tilespmem:v34+s3+$0x0], $0xffff;
	[tilespmem:s2+$0x0] =	vst v8  }
0x19c: {  	v41 =	vadd.s32 $0x55F0, v6;
	s21 =	sor.u32 s18, s4;
	s4 =	sor.u32 s9, s23;
	[tilespmem:s24+$0x0] =	vst v14;
	v9 =	vld.idx.msk [tilespmem:v36+s3+$0x0], $0xffff  }
0x19d: {  	v43 =	vadd.s32 $0x55F0, v5;
	v7 =	vld.idx.msk [tilespmem:v39+s3+$0x0], $0xffff;
	[tilespmem:s4+$0x0] =	vst v15  }
0x19e: {  	v46 =	vadd.s32 $0x59D8, v4;
	s25 =	sadd.s32 $0xF400, s6;
	[tilespmem:s21+$0x0] =	vst v12;
	v8 =	vld.idx.msk [tilespmem:v40+s3+$0x0], $0xffff  }
0x19f: {  	v47 =	vadd.s32 $0x59D8, v3;
	s26 =	sor.u32 s14, s25;
	v42 =	vld.idx.msk [tilespmem:v37+s3+$0x0], $0xffff;
	[tilespmem:s16+$0x0] =	vst v56  }
0x1a0: {  	v45 =	vadd.s32 $0x61A8, v0;
	v49 =	vld.idx.msk [tilespmem:v44+s3+$0x0], $0xffff;
	s30 =	sadd.s32 $0xF480, s11;
	s2 =	sor.u32 s13, s25;
	[tilespmem:s26+$0x0] =	vst v10  }
0x1a1: {  	v52 =	vadd.s32 $0x5DC0, v1;
	s31 =	sor.u32 s10, s30;
	v11 =	vld.idx.msk [tilespmem:v41+s3+$0x0], $0xffff;
	[tilespmem:s2+$0x0] =	vst v9  }
0x1a2: {  	s28 =	sadd.s32 $0x11980, s7;
	v48 =	vadd.s32 $0x59D8, v6;
	[tilespmem:s31+$0x0] =	vst v7;
	s2 =	sor.u32 s9, s30;
	v12 =	vld.idx.msk [tilespmem:v43+s3+$0x0], $0xffff  }
0x1a3: {  	v50 =	vadd.s32 $0x59D8, v5;
	s29 =	sor.u32 s5, s28;
	v10 =	vld.idx.msk [tilespmem:v46+s3+$0x0], $0xffff;
	[tilespmem:s2+$0x0] =	vst v8  }
0x1a4: {  	v53 =	vadd.s32 $0x5DC0, v4;
	s12 =	sadd.s32 $0xF480, s6;
	s0 =	sor.u32 s18, s0;
	[tilespmem:s29+$0x0] =	vst v42;
	v9 =	vld.idx.msk [tilespmem:v47+s3+$0x0], $0xffff  }
0x1a5: {  	v54 =	vadd.s32 $0x5DC0, v3;
	s19 =	sor.u32 s14, s12;
	[tilespmem:s0+$0x0] =	vst v49;
	v14 =	vld.idx.msk [tilespmem:v45+s3+$0x0], $0xffff  }
0x1a6: {  	v19 =	vadd.s32 $0x7918, v2;
	s22 =	sadd.s32 $0xF500, s11;
	s8 =	sor.u32 s13, s12;
	v7 =	vld.idx.msk [tilespmem:v52+s3+$0x0], $0xffff;
	[tilespmem:s19+$0x0] =	vst v11  }
0x1a7: {  	v59 =	vadd.s32 $0x61A8, v1;
	s23 =	sor.u32 s10, s22;
	v15 =	vld.idx.msk [tilespmem:v48+s3+$0x0], $0xffff;
	[tilespmem:s8+$0x0] =	vst v12  }
0x1a8: {  	v55 =	vadd.s32 $0x5DC0, v6;
	s20 =	sadd.s32 $0x11A00, s7;
	[tilespmem:s23+$0x0] =	vst v10;
	s8 =	sor.u32 s9, s22;
	v13 =	vld.idx.msk [tilespmem:v50+s3+$0x0], $0xffff  }
0x1a9: {  	v57 =	vadd.s32 $0x5DC0, v5;
	s21 =	sor.u32 s5, s20;
	v8 =	vld.idx.msk [tilespmem:v53+s3+$0x0], $0xffff;
	[tilespmem:s8+$0x0] =	vst v9  }
0x1aa: {  	v60 =	vadd.s32 $0x61A8, v4;
	s24 =	sadd.s32 $0xF500, s6;
	[tilespmem:s21+$0x0] =	vst v14;
	s26 =	sor.u32 s18, s28;
	v11 =	vld.idx.msk [tilespmem:v54+s3+$0x0], $0xffff  }
0x1ab: {  	v61 =	vadd.s32 $0x61A8, v3;
	v2 =	vld.idx.msk [tilespmem:v19+s3+$0x0], $0xffff;
	s25 =	sor.u32 s14, s24;
	[tilespmem:s26+$0x0] =	vst v7  }
0x1ac: {  	v58 =	vadd.s32 $0x6590, v0;
	s0 =	sor.u32 s13, s24;
	s28 =	sadd.s32 $0x11980, s11;
	v10 =	vld.idx.msk [tilespmem:v59+s3+$0x0], $0xffff;
	[tilespmem:s25+$0x0] =	vst v15  }
0x1ad: {  	v20 =	vadd.s32 $0x6590, v1;
	s29 =	sor.u32 s10, s28;
	v12 =	vld.idx.msk [tilespmem:v55+s3+$0x0], $0xffff;
	[tilespmem:s0+$0x0] =	vst v13  }
0x1ae: {  	v62 =	vadd.s32 $0x61A8, v6;
	s4 =	sor.u32 s9, s28;
	[tilespmem:s29+$0x0] =	vst v8;
	v14 =	vld.idx.msk [tilespmem:v57+s3+$0x0], $0xffff  }
0x1af: {  	v18 =	vadd.s32 $0x61A8, v5;
	v9 =	vld.idx.msk [tilespmem:v60+s3+$0x0], $0xffff;
	[tilespmem:s4+$0x0] =	vst v11  }
0x1b0: {  	v21 =	vadd.s32 $0x6590, v4;
	[tilespmem:s1+$0x0] =	vst v2;
	s30 =	sadd.s32 $0x11980, s6;
	s2 =	sor.u32 s18, s20;
	v22 =	vld.idx.msk [tilespmem:v61+s3+$0x0], $0xffff  }
0x1b1: {  	v23 =	vadd.s32 $0x6590, v3;
	v63 =	vld.idx.msk [tilespmem:v58+s3+$0x0], $0xffff;
	s31 =	sor.u32 s14, s30;
	[tilespmem:s2+$0x0] =	vst v10  }
0x1b2: {  	v27 =	vadd.s32 $0x6978, v0;
	s16 =	sadd.s32 $0x11A00, s11;
	v8 =	vld.idx.msk [tilespmem:v20+s3+$0x0], $0xffff;
	s0 =	sor.u32 s13, s30;
	[tilespmem:s31+$0x0] =	vst v12  }
0x1b3: {  	v28 =	vadd.s32 $0x6978, v1;
	s19 =	sor.u32 s10, s16;
	v24 =	vld.idx.msk [tilespmem:v62+s3+$0x0], $0xffff;
	[tilespmem:s0+$0x0] =	vst v14  }
0x1b4: {  	v25 =	vadd.s32 $0x6590, v6;
	s8 =	sadd.s32 $0x11A80, s7;
	[tilespmem:s19+$0x0] =	vst v9;
	s0 =	sor.u32 s9, s16;
	v7 =	vld.idx.msk [tilespmem:v18+s3+$0x0], $0xffff  }
0x1b5: {  	v26 =	vadd.s32 $0x6590, v5;
	s12 =	sor.u32 s5, s8;
	v11 =	vld.idx.msk [tilespmem:v21+s3+$0x0], $0xffff;
	[tilespmem:s0+$0x0] =	vst v22  }
0x1b6: {  	v29 =	vadd.s32 $0x6978, v4;
	s20 =	sadd.s32 $0x11A00, s6;
	s23 =	sor.u32 s18, s8;
	[tilespmem:s12+$0x0] =	vst v63;
	v13 =	vld.idx.msk [tilespmem:v23+s3+$0x0], $0xffff  }
0x1b7: {  	v30 =	vadd.s32 $0x6978, v3;
	s21 =	sor.u32 s14, s20;
	v32 =	vld.idx.msk [tilespmem:v27+s3+$0x0], $0xffff;
	[tilespmem:s23+$0x0] =	vst v8  }
0x1b8: {  	v34 =	vadd.s32 $0x6D60, v0;
	s24 =	sadd.s32 $0x11A80, s11;
	s22 =	sor.u32 s13, s20;
	v9 =	vld.idx.msk [tilespmem:v28+s3+$0x0], $0xffff;
	[tilespmem:s21+$0x0] =	vst v24  }
0x1b9: {  	v35 =	vadd.s32 $0x6D60, v1;
	s25 =	sor.u32 s10, s24;
	v14 =	vld.idx.msk [tilespmem:v25+s3+$0x0], $0xffff;
	[tilespmem:s22+$0x0] =	vst v7  }
0x1ba: {  	v31 =	vadd.s32 $0x6978, v6;
	s26 =	sor.u32 s9, s24;
	s30 =	sadd.s32 $0x11B00, s7;
	[tilespmem:s25+$0x0] =	vst v11;
	v10 =	vld.idx.msk [tilespmem:v26+s3+$0x0], $0xffff  }
0x1bb: {  	v33 =	vadd.s32 $0x6978, v5;
	s31 =	sor.u32 s5, s30;
	v12 =	vld.idx.msk [tilespmem:v29+s3+$0x0], $0xffff;
	[tilespmem:s26+$0x0] =	vst v13  }
0x1bc: {  	v36 =	vadd.s32 $0x6D60, v4;
	s28 =	sadd.s32 $0x11A80, s6;
	[tilespmem:s31+$0x0] =	vst v32;
	s0 =	sor.u32 s18, s30;
	v7 =	vld.idx.msk [tilespmem:v30+s3+$0x0], $0xffff  }
0x1bd: {  	v37 =	vadd.s32 $0x6D60, v3;
	s29 =	sor.u32 s14, s28;
	v15 =	vld.idx.msk [tilespmem:v34+s3+$0x0], $0xffff;
	[tilespmem:s0+$0x0] =	vst v9  }
0x1be: {  	v40 =	vadd.s32 $0x7148, v0;
	s1 =	sor.u32 s13, s28;
	s2 =	sadd.s32 $0x11B00, s11;
	v11 =	vld.idx.msk [tilespmem:v35+s3+$0x0], $0xffff;
	[tilespmem:s29+$0x0] =	vst v14  }
0x1bf: {  	v41 =	vadd.s32 $0x7148, v1;
	s4 =	sor.u32 s10, s2;
	v2 =	vld.idx.msk [tilespmem:v31+s3+$0x0], $0xffff;
	[tilespmem:s1+$0x0] =	vst v10  }
0x1c0: {  	v38 =	vadd.s32 $0x6D60, v6;
	s16 =	sadd.s32 $0x11B80, s7;
	[tilespmem:s4+$0x0] =	vst v12;
	s1 =	sor.u32 s9, s2;
	v8 =	vld.idx.msk [tilespmem:v33+s3+$0x0], $0xffff  }
0x1c1: {  	v39 =	vadd.s32 $0x6D60, v5;
	s19 =	sor.u32 s5, s16;
	v13 =	vld.idx.msk [tilespmem:v36+s3+$0x0], $0xffff;
	[tilespmem:s1+$0x0] =	vst v7  }
0x1c2: {  	v42 =	vadd.s32 $0x7148, v4;
	s8 =	sadd.s32 $0x11B00, s6;
	[tilespmem:s19+$0x0] =	vst v15;
	s1 =	sor.u32 s18, s16;
	v7 =	vld.idx.msk [tilespmem:v37+s3+$0x0], $0xffff  }
0x1c3: {  	v43 =	vadd.s32 $0x7148, v3;
	s12 =	sor.u32 s14, s8;
	v15 =	vld.idx.msk [tilespmem:v40+s3+$0x0], $0xffff;
	[tilespmem:s1+$0x0] =	vst v11  }
0x1c4: {  	v47 =	vadd.s32 $0x7530, v0;
	s20 =	sadd.s32 $0x11B80, s11;
	s0 =	sor.u32 s13, s8;
	v12 =	vld.idx.msk [tilespmem:v41+s3+$0x0], $0xffff;
	[tilespmem:s12+$0x0] =	vst v2  }
0x1c5: {  	v48 =	vadd.s32 $0x7530, v1;
	s21 =	sor.u32 s10, s20;
	v44 =	vld.idx.msk [tilespmem:v38+s3+$0x0], $0xffff;
	[tilespmem:s0+$0x0] =	vst v8  }
0x1c6: {  	v45 =	vadd.s32 $0x7148, v6;
	s24 =	sadd.s32 $0x11C00, s7;
	[tilespmem:s21+$0x0] =	vst v13;
	s0 =	sor.u32 s9, s20;
	v9 =	vld.idx.msk [tilespmem:v39+s3+$0x0], $0xffff  }
0x1c7: {  	v46 =	vadd.s32 $0x7148, v5;
	s25 =	sor.u32 s5, s24;
	v2 =	vld.idx.msk [tilespmem:v42+s3+$0x0], $0xffff;
	[tilespmem:s0+$0x0] =	vst v7  }
0x1c8: {  	v49 =	vadd.s32 $0x7530, v4;
	s22 =	sadd.s32 $0x11B80, s6;
	[tilespmem:s25+$0x0] =	vst v15;
	s0 =	sor.u32 s18, s24;
	v8 =	vld.idx.msk [tilespmem:v43+s3+$0x0], $0xffff  }
0x1c9: {  	v50 =	vadd.s32 $0x7530, v3;
	s23 =	sor.u32 s14, s22;
	v15 =	vld.idx.msk [tilespmem:v47+s3+$0x0], $0xffff;
	[tilespmem:s0+$0x0] =	vst v12  }
0x1ca: {  	v53 =	vadd.s32 $0x7918, v0;
	s26 =	sadd.s32 $0x11C00, s11;
	s1 =	sor.u32 s13, s22;
	v13 =	vld.idx.msk [tilespmem:v48+s3+$0x0], $0xffff;
	[tilespmem:s23+$0x0] =	vst v44  }
0x1cb: {  	v54 =	vadd.s32 $0x7918, v1;
	s28 =	sor.u32 s10, s26;
	v10 =	vld.idx.msk [tilespmem:v45+s3+$0x0], $0xffff;
	[tilespmem:s1+$0x0] =	vst v9  }
0x1cc: {  	v51 =	vadd.s32 $0x7530, v6;
	s31 =	sadd.s32 $0x11C80, s7;
	[tilespmem:s28+$0x0] =	vst v2;
	s1 =	sor.u32 s9, s26;
	v11 =	vld.idx.msk [tilespmem:v46+s3+$0x0], $0xffff  }
0x1cd: {  	v52 =	vadd.s32 $0x7530, v5;
	s2 =	sor.u32 s5, s31;
	v2 =	vld.idx.msk [tilespmem:v49+s3+$0x0], $0xffff;
	[tilespmem:s1+$0x0] =	vst v8  }
0x1ce: {  	v55 =	vadd.s32 $0x7918, v4;
	s29 =	sadd.s32 $0x11C00, s6;
	[tilespmem:s2+$0x0] =	vst v15;
	s1 =	sor.u32 s18, s31;
	v56 =	vld.idx.msk [tilespmem:v50+s3+$0x0], $0xffff  }
0x1cf: {  	v57 =	vadd.s32 $0x7918, v3;
	s30 =	sor.u32 s14, s29;
	v0 =	vld.idx.msk [tilespmem:v53+s3+$0x0], $0xffff;
	[tilespmem:s1+$0x0] =	vst v13  }
0x1d0: {  	s4 =	sadd.s32 $0x11C80, s11;
	s0 =	sor.u32 s13, s29;
	v1 =	vld.idx.msk [tilespmem:v54+s3+$0x0], $0xffff;
	[tilespmem:s30+$0x0] =	vst v10  }
0x1d1: {  	s8 =	sor.u32 s10, s4;
	v58 =	vld.idx.msk [tilespmem:v51+s3+$0x0], $0xffff;
	[tilespmem:s0+$0x0] =	vst v11  }
0x1d2: {  	v59 =	vadd.s32 $0x7918, v6;
	s19 =	sadd.s32 $0x11D00, s7;
	[tilespmem:s8+$0x0] =	vst v2;
	s0 =	sor.u32 s9, s4;
	v60 =	vld.idx.msk [tilespmem:v52+s3+$0x0], $0xffff  }
0x1d3: {  	v61 =	vadd.s32 $0x7918, v5;
	s20 =	sor.u32 s5, s19;
	v2 =	vld.idx.msk [tilespmem:v55+s3+$0x0], $0xffff;
	[tilespmem:s0+$0x0] =	vst v56  }
0x1d4: {  	s12 =	sadd.s32 $0x11C80, s6;
	[tilespmem:s20+$0x0] =	vst v0;
	s0 =	sor.u32 s18, s19;
	v3 =	vld.idx.msk [tilespmem:v57+s3+$0x0], $0xffff  }
0x1d5: {  	s16 =	sor.u32 s14, s12;
	[tilespmem:s0+$0x0] =	vst v1  }
0x1d6: {  	s21 =	sadd.s32 $0x11D00, s11;
	s1 =	sor.u32 s13, s12;
	[tilespmem:s16+$0x0] =	vst v58  }
0x1d7: {  	s22 =	sor.u32 s10, s21;
	v62 =	vld.idx.msk [tilespmem:v59+s3+$0x0], $0xffff;
	[tilespmem:s1+$0x0] =	vst v60  }
0x1d8: {  	[tilespmem:s22+$0x0] =	vst v2;
	s1 =	sor.u32 s9, s21;
	v63 =	vld.idx.msk [tilespmem:v61+s3+$0x0], $0xffff  }
0x1d9: {  	p1 =	sne.s32 s17, $0x13;
	s18 =	smul.u32 $0x5000, s17;
	[tilespmem:s1+$0x0] =	vst v3  }
.Ltmp2:
0x1da: {  	s23 =	sadd.s32 $0x11D00, s6;
	s25 =	rddreg [dreg:$0x7];
	(pc) =	sbr.rel @p1 .LBB2_8-.Ltmp2, $4  }
0x1db: {  	s24 =	sor.u32 s14, s23;
	s2 =	sadd.s32 s25, s18  }
0x1dc: {  	s29 =	simm.s32 $0x2800;
	s0 =	sor.u32 s13, s23;
	[tilespmem:s24+$0x0] =	vst v62;
	s26 =	sshrl.u32 s2, $0x3  }
0x1dd: {  	s31 =	simm.s32 $0xA180;
	s30 =	simm.s32 $0x64000;
	s28 =	sadd.s32 s15, s26;
	[tilespmem:s0+$0x0] =	vst v63  }
0x1de: {  	[hbm4b:s28+s29] =	stream.strided.scatter [tilespmem:s31], [sflag:$0x6], $0xA000, s30, s29, $0x38;
	[tilespmem:$0x1E180] =	vst v63  }
.Ltmp3:
0x1df: {  	(pc) =	sbr.rel .LBB2_9-.Ltmp3, $4  }
0x1e0: {  	s0 =	simm.s32 $0x5  }
0x1e1: {  	_ =	swait.ge [sflag:s0], $0x500  }
0x1e2: {  	[sflag:s0] =	ssyncset.done $0x0  }
0x1e3: {  	[sflag:s0] =	ssyncadd.s32 $0xFFFFFB00  }
.LBB2_8:
0x1e4: {  	s0 =	smul.u32 $0xA00, s17;
	_ =	sdelay $0x1  }
0x1e5: {  	s1 =	rddreg [dreg:$0x3];
	s0 =	sshrl.u32 s0, $0x3  }
0x1e6: {  	s30 =	simm.s32 $0x9780;
	s0 =	sadd.s32 s1, s0  }
.Ltmp4:
0x1e7: {  	s31 =	simm.s32 $0x5;
	s0 =	sadd.s32 $0x140, s0;
	(pc) =	sbr.rel @p0 .LBB2_10-.Ltmp4, $4  }
0x1e8: {  	[tilespmem:s30], [sflag:$0x4] =	stream.linear.gather [hbm4b:s0+s3], $0x500, $0x38;
	[tilespmem:$0x1E180] =	vst v63  }
0x1e9: {  	_ =	swait.ge [sflag:s31], $0x500  }
0x1ea: {  	[sflag:s31] =	ssyncset.done $0x0  }
0x1eb: {  	[sflag:s31] =	ssyncadd.s32 $0xFFFFFB00  }
.LBB2_9:
0x1ec: {  	s0 =	simm.s32 $0x7  }
0x1ed: {  	_ =	swait.ge [sflag:s0], $0xA000  }
0x1ee: {  	[sflag:s0] =	ssyncset.done $0x0  }
0x1ef: {  	[sflag:s0] =	ssyncadd.s32 $0xFFFF6000  }
.LBB2_10:
0x1f0: {  	s1 =	simm.s32 $0x0  }
0x1f1: {  	s0 =	sand.u32 $0x60, s1  }
0x1f2: {  	s2 =	sand.u32 $0x780, s1;
	s19 =	sor.u32 $0x10, s0  }
0x1f3: {  	s2 =	sor.u32 s19, s2  }
0x1f4: {  	v7 =	vld [tilespmem:s2+$0x9C80];
	_ =	sdelay $0x7  }
0x1f5: {  	v0 =	vld.idx.msk [tilespmem:v7+s3+$0x0], $0xffff  }
0x1f6: {  	s23 =	simm.s32 $0x9C80;
	v1 =	vadd.s32 $0x3E8, v7  }
0x1f7: {  	s16 =	sand.u32 $0x3C00, s1;
	v2 =	vld [tilespmem:s23+$0x0]  }
0x1f8: {  	s24 =	sor.u32 $0x14180, s16  }
0x1f9: {  	s4 =	sor.u32 s19, s24  }
0x1fa: {  	[tilespmem:s4+$0x0] =	vst v0  }
0x1fb: {  	v0 =	vld.idx.msk [tilespmem:v1+s3+$0x0], $0xffff  }
0x1fc: {  	v1 =	vadd.s32 $0x7D0, v7;
	_ =	sdelay $0x2  }
0x1fd: {  	v3 =	vld.idx.msk [tilespmem:v2+s3+$0x0], $0xffff  }
0x1fe: {  	[tilespmem:s4+$0x80] =	vst v0;
	v0 =	vadd.s32 $0x3E8, v2  }
0x1ff: {  	v1 =	vld.idx.msk [tilespmem:v1+s3+$0x0], $0xffff  }
0x200: {  	v4 =	vadd.s32 $0xBB8, v7  }
0x201: {  	s2 =	sor.u32 s0, s24  }
0x202: {  	[tilespmem:s2+$0x0] =	vst v3  }
0x203: {  	v0 =	vld.idx.msk [tilespmem:v0+s3+$0x0], $0xffff  }
0x204: {  	[tilespmem:s4+$0x100] =	vst v1;
	v1 =	vadd.s32 $0x7D0, v2  }
0x205: {  	v3 =	vld.idx.msk [tilespmem:v4+s3+$0x0], $0xffff  }
0x206: {  	v4 =	vadd.s32 $0xFA0, v7;
	_ =	sdelay $0x1  }
0x207: {  	[tilespmem:s2+$0x80] =	vst v0  }
0x208: {  	v0 =	vld.idx.msk [tilespmem:v1+s3+$0x0], $0xffff  }
0x209: {  	v1 =	vadd.s32 $0xBB8, v2;
	[tilespmem:s4+$0x180] =	vst v3  }
0x20a: {  	v3 =	vld.idx.msk [tilespmem:v4+s3+$0x0], $0xffff  }
0x20b: {  	v4 =	vadd.s32 $0x1388, v7;
	_ =	sdelay $0x1  }
0x20c: {  	[tilespmem:s2+$0x100] =	vst v0  }
0x20d: {  	v0 =	vld.idx.msk [tilespmem:v1+s3+$0x0], $0xffff  }
0x20e: {  	v1 =	vadd.s32 $0xFA0, v2;
	[tilespmem:s4+$0x200] =	vst v3  }
0x20f: {  	v3 =	vld.idx.msk [tilespmem:v4+s3+$0x0], $0xffff  }
0x210: {  	v4 =	vadd.s32 $0x1770, v7;
	_ =	sdelay $0x1  }
0x211: {  	[tilespmem:s2+$0x180] =	vst v0  }
0x212: {  	v0 =	vld.idx.msk [tilespmem:v1+s3+$0x0], $0xffff  }
0x213: {  	v1 =	vadd.s32 $0x1388, v2;
	[tilespmem:s4+$0x280] =	vst v3  }
0x214: {  	s1 =	sand.u32 $0x3, s1;
	v3 =	vld.idx.msk [tilespmem:v4+s3+$0x0], $0xffff  }
0x215: {  	s1 =	sshll.u32 s1, $0x5;
	v4 =	vadd.s32 $0x1B58, v7  }
0x216: {  	s1 =	sadd.s32 $0x0, s1  }
0x217: {  	s25 =	sadd.s32 $0x10, s1;
	[tilespmem:s2+$0x200] =	vst v0  }
0x218: {  	s5 =	sor.u32 $0x300, s25;
	v0 =	vld.idx.msk [tilespmem:v1+s3+$0x0], $0xffff  }
0x219: {  	v1 =	vadd.s32 $0x1770, v2;
	[tilespmem:s5+$0x14180] =	vst v3  }
0x21a: {  	v3 =	vld.idx.msk [tilespmem:v4+s3+$0x0], $0xffff  }
0x21b: {  	s6 =	simm.s32 $0x20;
	v4 =	vadd.s32 $0x1F40, v7  }
0x21c: {  	s5 =	sand.u32 $0x60, s6  }
0x21d: {  	s4 =	sand.u32 $0x780, s6;
	s7 =	sor.u32 $0x10, s5;
	[tilespmem:s2+$0x280] =	vst v0  }
0x21e: {  	s26 =	sor.u32 $0x380, s25;
	s2 =	sor.u32 s7, s4;
	v1 =	vld.idx.msk [tilespmem:v1+s3+$0x0], $0xffff  }
0x21f: {  	v0 =	vld [tilespmem:s2+$0x9C80];
	[tilespmem:s26+$0x14180] =	vst v3;
	v3 =	vadd.s32 $0x1B58, v2  }
0x220: {  	v4 =	vld.idx.msk [tilespmem:v4+s3+$0x0], $0xffff  }
0x221: {  	v5 =	vadd.s32 $0x2328, v7  }
0x222: {  	s6 =	sor.u32 $0x300, s1  }
0x223: {  	s8 =	sadd.s32 $0x16980, s16;
	[tilespmem:s6+$0x14180] =	vst v1  }
0x224: {  	s9 =	simm.s32 $0x9CA0;
	s10 =	sor.u32 s19, s8;
	v3 =	vld.idx.msk [tilespmem:v3+s3+$0x0], $0xffff  }
0x225: {  	v6 =	vadd.s32 $0x1F40, v2;
	v1 =	vld [tilespmem:s9+$0x0];
	[tilespmem:s10+$0x0] =	vst v4  }
0x226: {  	v4 =	vld.idx.msk [tilespmem:v5+s3+$0x0], $0xffff  }
0x227: {  	v5 =	vadd.s32 $0x2710, v7  }
0x228: {  	s1 =	sor.u32 $0x380, s1;
	v8 =	vld.idx.msk [tilespmem:v0+s3+$0x0], $0xffff  }
0x229: {  	s12 =	simm.s32 $0x100;
	s11 =	sadd.s32 $0x16A00, s16;
	[tilespmem:s1+$0x14180] =	vst v3;
	v3 =	vadd.s32 $0x3E8, v0  }
0x22a: {  	s13 =	sor.u32 s19, s11;
	s9 =	sand.u32 $0x3C00, s12;
	v6 =	vld.idx.msk [tilespmem:v6+s3+$0x0], $0xffff  }
0x22b: {  	v9 =	vadd.s32 $0x2328, v2;
	s1 =	sor.u32 $0x14180, s9;
	[tilespmem:s13+$0x0] =	vst v4  }
0x22c: {  	s14 =	sor.u32 s7, s1;
	v4 =	vld.idx.msk [tilespmem:v5+s3+$0x0], $0xffff  }
0x22d: {  	[tilespmem:s14+$0x0] =	vst v8;
	v8 =	vadd.s32 $0x2AF8, v7;
	v5 =	vld.idx.msk [tilespmem:v1+s3+$0x0], $0xffff  }
0x22e: {  	s4 =	sor.u32 s0, s8;
	v10 =	vadd.s32 $0x3E8, v1;
	v3 =	vld.idx.msk [tilespmem:v3+s3+$0x0], $0xffff  }
0x22f: {  	s15 =	sadd.s32 $0x16A80, s16;
	[tilespmem:s4+$0x0] =	vst v6;
	v6 =	vadd.s32 $0x7D0, v0  }
0x230: {  	s8 =	sor.u32 s19, s15;
	v9 =	vld.idx.msk [tilespmem:v9+s3+$0x0], $0xffff  }
0x231: {  	v11 =	vadd.s32 $0x2710, v2;
	s1 =	sor.u32 s5, s1;
	[tilespmem:s8+$0x0] =	vst v4  }
0x232: {  	[tilespmem:s1+$0x0] =	vst v5;
	v4 =	vld.idx.msk [tilespmem:v8+s3+$0x0], $0xffff  }
0x233: {  	v5 =	vld.idx.msk [tilespmem:v10+s3+$0x0], $0xffff;
	[tilespmem:s14+$0x80] =	vst v3;
	v3 =	vadd.s32 $0x2EE0, v7  }
0x234: {  	s6 =	sor.u32 s0, s11;
	v8 =	vadd.s32 $0x7D0, v1;
	v6 =	vld.idx.msk [tilespmem:v6+s3+$0x0], $0xffff  }
0x235: {  	s20 =	sadd.s32 $0x16B00, s16;
	[tilespmem:s6+$0x0] =	vst v9;
	v9 =	vadd.s32 $0xBB8, v0  }
0x236: {  	s21 =	sor.u32 s19, s20;
	v10 =	vld.idx.msk [tilespmem:v11+s3+$0x0], $0xffff  }
0x237: {  	v11 =	vadd.s32 $0x2AF8, v2;
	[tilespmem:s21+$0x0] =	vst v4  }
0x238: {  	[tilespmem:s1+$0x80] =	vst v5;
	v3 =	vld.idx.msk [tilespmem:v3+s3+$0x0], $0xffff  }
0x239: {  	v5 =	vadd.s32 $0x32C8, v7;
	v4 =	vld.idx.msk [tilespmem:v8+s3+$0x0], $0xffff;
	[tilespmem:s14+$0x100] =	vst v6  }
0x23a: {  	s4 =	sor.u32 s0, s15;
	v6 =	vadd.s32 $0xBB8, v1;
	v8 =	vld.idx.msk [tilespmem:v9+s3+$0x0], $0xffff  }
0x23b: {  	s22 =	sadd.s32 $0x16B80, s16;
	v9 =	vadd.s32 $0xFA0, v0;
	[tilespmem:s4+$0x0] =	vst v10  }
0x23c: {  	s23 =	sor.u32 s19, s22;
	v10 =	vld.idx.msk [tilespmem:v11+s3+$0x0], $0xffff  }
0x23d: {  	v11 =	vadd.s32 $0x2EE0, v2;
	[tilespmem:s23+$0x0] =	vst v3  }
0x23e: {  	[tilespmem:s1+$0x100] =	vst v4;
	v3 =	vld.idx.msk [tilespmem:v5+s3+$0x0], $0xffff  }
0x23f: {  	v4 =	vld.idx.msk [tilespmem:v6+s3+$0x0], $0xffff;
	v5 =	vadd.s32 $0x36B0, v7;
	[tilespmem:s14+$0x180] =	vst v8  }
0x240: {  	s6 =	sor.u32 s0, s20;
	v6 =	vadd.s32 $0xFA0, v1;
	v8 =	vld.idx.msk [tilespmem:v9+s3+$0x0], $0xffff  }
0x241: {  	s24 =	sadd.s32 $0x16C00, s16;
	v9 =	vadd.s32 $0x1388, v0;
	[tilespmem:s6+$0x0] =	vst v10  }
0x242: {  	s25 =	sor.u32 s19, s24;
	v10 =	vld.idx.msk [tilespmem:v11+s3+$0x0], $0xffff  }
0x243: {  	v11 =	vadd.s32 $0x32C8, v2;
	[tilespmem:s25+$0x0] =	vst v3  }
0x244: {  	[tilespmem:s1+$0x180] =	vst v4;
	v3 =	vld.idx.msk [tilespmem:v5+s3+$0x0], $0xffff  }
0x245: {  	v4 =	vld.idx.msk [tilespmem:v6+s3+$0x0], $0xffff;
	v5 =	vadd.s32 $0x3A98, v7;
	[tilespmem:s14+$0x200] =	vst v8  }
0x246: {  	s4 =	sor.u32 s0, s22;
	v6 =	vadd.s32 $0x1388, v1;
	v8 =	vld.idx.msk [tilespmem:v9+s3+$0x0], $0xffff  }
0x247: {  	s26 =	sadd.s32 $0x16C80, s16;
	v9 =	vadd.s32 $0x1770, v0;
	[tilespmem:s4+$0x0] =	vst v10  }
0x248: {  	s10 =	sor.u32 s19, s26;
	v10 =	vld.idx.msk [tilespmem:v11+s3+$0x0], $0xffff  }
0x249: {  	v11 =	vadd.s32 $0x36B0, v2;
	[tilespmem:s10+$0x0] =	vst v3  }
0x24a: {  	[tilespmem:s1+$0x200] =	vst v4;
	v3 =	vld.idx.msk [tilespmem:v5+s3+$0x0], $0xffff  }
0x24b: {  	s11 =	simm.s32 $0x1;
	v4 =	vld.idx.msk [tilespmem:v6+s3+$0x0], $0xffff;
	v5 =	vadd.s32 $0x3E80, v7;
	[tilespmem:s14+$0x280] =	vst v8  }
0x24c: {  	s2 =	sand.u32 $0x3, s11;
	s6 =	sor.u32 s0, s24;
	v6 =	vadd.s32 $0x1770, v1;
	v8 =	vld.idx.msk [tilespmem:v9+s3+$0x0], $0xffff  }
0x24d: {  	s12 =	sadd.s32 $0x16D00, s16;
	s2 =	sshll.u32 s2, $0x5;
	v9 =	vadd.s32 $0x1B58, v0;
	[tilespmem:s6+$0x0] =	vst v10  }
0x24e: {  	s2 =	sadd.s32 $0x100, s2;
	s13 =	sor.u32 s19, s12;
	v10 =	vld.idx.msk [tilespmem:v11+s3+$0x0], $0xffff  }
0x24f: {  	s14 =	sadd.s32 $0x10, s2;
	v11 =	vadd.s32 $0x3A98, v2;
	[tilespmem:s13+$0x0] =	vst v3  }
0x250: {  	s15 =	sor.u32 $0x300, s14;
	[tilespmem:s1+$0x280] =	vst v4;
	v3 =	vld.idx.msk [tilespmem:v5+s3+$0x0], $0xffff  }
0x251: {  	v4 =	vld.idx.msk [tilespmem:v6+s3+$0x0], $0xffff;
	v5 =	vadd.s32 $0x4268, v7;
	[tilespmem:s15+$0x14180] =	vst v8  }
0x252: {  	s20 =	sor.u32 s0, s26;
	v6 =	vadd.s32 $0x1B58, v1;
	v8 =	vld.idx.msk [tilespmem:v9+s3+$0x0], $0xffff  }
0x253: {  	s21 =	sadd.s32 $0x19180, s16;
	v9 =	vadd.s32 $0x1F40, v0;
	[tilespmem:s20+$0x0] =	vst v10  }
0x254: {  	s22 =	sor.u32 s19, s21;
	v10 =	vld.idx.msk [tilespmem:v11+s3+$0x0], $0xffff  }
0x255: {  	s23 =	simm.s32 $0x40;
	s10 =	sor.u32 $0x300, s2;
	v11 =	vadd.s32 $0x3E80, v2;
	[tilespmem:s22+$0x0] =	vst v3  }
0x256: {  	s8 =	sor.u32 $0x380, s14;
	[tilespmem:s10+$0x14180] =	vst v4;
	s10 =	sand.u32 $0x60, s23;
	v5 =	vld.idx.msk [tilespmem:v5+s3+$0x0], $0xffff  }
0x257: {  	s4 =	sand.u32 $0x780, s23;
	v6 =	vld.idx.msk [tilespmem:v6+s3+$0x0], $0xffff;
	s11 =	sor.u32 $0x10, s10;
	[tilespmem:s8+$0x14180] =	vst v8;
	v8 =	vadd.s32 $0x4650, v7  }
0x258: {  	s6 =	sor.u32 s0, s12;
	s4 =	sor.u32 s11, s4;
	v9 =	vld.idx.msk [tilespmem:v9+s3+$0x0], $0xffff  }
0x259: {  	s24 =	sadd.s32 $0x19200, s16;
	v4 =	vld [tilespmem:s4+$0x9C80];
	[tilespmem:s6+$0x0] =	vst v10;
	v10 =	vadd.s32 $0x1F40, v1  }
0x25a: {  	v12 =	vadd.s32 $0x2328, v0;
	s26 =	sor.u32 s19, s24;
	s25 =	simm.s32 $0x9CC0;
	v11 =	vld.idx.msk [tilespmem:v11+s3+$0x0], $0xffff  }
0x25b: {  	v13 =	vadd.s32 $0x4268, v2;
	v3 =	vld [tilespmem:s25+$0x0];
	[tilespmem:s26+$0x0] =	vst v5  }
0x25c: {  	s2 =	sor.u32 $0x380, s2;
	s12 =	sadd.s32 $0x16980, s9;
	v5 =	vld.idx.msk [tilespmem:v8+s3+$0x0], $0xffff  }
0x25d: {  	s13 =	sor.u32 s7, s12;
	[tilespmem:s2+$0x14180] =	vst v6;
	v6 =	vadd.s32 $0x4A38, v7  }
0x25e: {  	s1 =	sor.u32 s0, s21;
	[tilespmem:s13+$0x0] =	vst v9;
	v8 =	vld.idx.msk [tilespmem:v10+s3+$0x0], $0xffff  }
0x25f: {  	s8 =	sadd.s32 $0x19280, s16;
	v9 =	vadd.s32 $0x2328, v1;
	v10 =	vld.idx.msk [tilespmem:v12+s3+$0x0], $0xffff;
	[tilespmem:s1+$0x0] =	vst v11  }
0x260: {  	s14 =	sor.u32 s19, s8;
	v12 =	vadd.s32 $0x2710, v0;
	v11 =	vld.idx.msk [tilespmem:v13+s3+$0x0], $0xffff  }
0x261: {  	v13 =	vadd.s32 $0x4650, v2;
	v14 =	vld.idx.msk [tilespmem:v4+s3+$0x0], $0xffff;
	[tilespmem:s14+$0x0] =	vst v5  }
0x262: {  	s21 =	simm.s32 $0x200;
	s15 =	sor.u32 s5, s12;
	s20 =	sadd.s32 $0x16A00, s9;
	v5 =	vld.idx.msk [tilespmem:v6+s3+$0x0], $0xffff;
	v6 =	vadd.s32 $0x3E8, v4  }
0x263: {  	s22 =	sor.u32 s7, s20;
	v15 =	vld.idx.msk [tilespmem:v3+s3+$0x0], $0xffff;
	s13 =	sand.u32 $0x3C00, s21;
	[tilespmem:s15+$0x0] =	vst v8;
	v8 =	vadd.s32 $0x4E20, v7  }
0x264: {  	s23 =	sor.u32 s0, s24;
	s24 =	sor.u32 $0x14180, s13;
	[tilespmem:s22+$0x0] =	vst v10;
	v10 =	vadd.s32 $0x3E8, v3;
	v9 =	vld.idx.msk [tilespmem:v9+s3+$0x0], $0xffff  }
0x265: {  	s12 =	sadd.s32 $0x19300, s16;
	s1 =	sor.u32 s11, s24;
	[tilespmem:s23+$0x0] =	vst v11;
	v11 =	vld.idx.msk [tilespmem:v12+s3+$0x0], $0xffff;
	v12 =	vadd.s32 $0x2710, v1  }
0x266: {  	s14 =	sor.u32 s19, s12;
	[tilespmem:s1+$0x0] =	vst v14;
	v14 =	vadd.s32 $0x2AF8, v0;
	v13 =	vld.idx.msk [tilespmem:v13+s3+$0x0], $0xffff  }
0x267: {  	s2 =	sor.u32 s10, s24;
	v6 =	vld.idx.msk [tilespmem:v6+s3+$0x0], $0xffff;
	[tilespmem:s14+$0x0] =	vst v5;
	v5 =	vadd.s32 $0x4A38, v2  }
0x268: {  	s25 =	sadd.s32 $0x16A80, s9;
	s4 =	sor.u32 s5, s20;
	[tilespmem:s2+$0x0] =	vst v15;
	v15 =	vadd.s32 $0x7D0, v4;
	v8 =	vld.idx.msk [tilespmem:v8+s3+$0x0], $0xffff  }
0x269: {  	s26 =	sor.u32 s7, s25;
	v10 =	vld.idx.msk [tilespmem:v10+s3+$0x0], $0xffff;
	[tilespmem:s4+$0x0] =	vst v9;
	v9 =	vadd.s32 $0x5208, v7  }
0x26a: {  	s8 =	sor.u32 s0, s8;
	v12 =	vld.idx.msk [tilespmem:v12+s3+$0x0], $0xffff;
	[tilespmem:s26+$0x0] =	vst v11;
	v11 =	vadd.s32 $0x7D0, v3  }
0x26b: {  	v16 =	vadd.s32 $0x2AF8, v1;
	s14 =	sadd.s32 $0x19380, s16;
	v14 =	vld.idx.msk [tilespmem:v14+s3+$0x0], $0xffff;
	[tilespmem:s8+$0x0] =	vst v13  }
0x26c: {  	s15 =	sor.u32 s19, s14;
	[tilespmem:s1+$0x80] =	vst v6;
	v6 =	vadd.s32 $0x2EE0, v0;
	v5 =	vld.idx.msk [tilespmem:v5+s3+$0x0], $0xffff  }
0x26d: {  	v13 =	vld.idx.msk [tilespmem:v15+s3+$0x0], $0xffff;
	[tilespmem:s15+$0x0] =	vst v8;
	v8 =	vadd.s32 $0x4E20, v2  }
0x26e: {  	s20 =	sadd.s32 $0x16B00, s9;
	s6 =	sor.u32 s5, s25;
	[tilespmem:s2+$0x80] =	vst v10;
	v10 =	vadd.s32 $0xBB8, v4;
	v9 =	vld.idx.msk [tilespmem:v9+s3+$0x0], $0xffff  }
0x26f: {  	s21 =	sor.u32 s7, s20;
	v11 =	vld.idx.msk [tilespmem:v11+s3+$0x0], $0xffff;
	[tilespmem:s6+$0x0] =	vst v12;
	v12 =	vadd.s32 $0x55F0, v7  }
0x270: {  	s12 =	sor.u32 s0, s12;
	v15 =	vld.idx.msk [tilespmem:v16+s3+$0x0], $0xffff;
	[tilespmem:s21+$0x0] =	vst v14;
	v14 =	vadd.s32 $0xBB8, v3  }
0x271: {  	s22 =	sadd.s32 $0x19400, s16;
	v16 =	vadd.s32 $0x2EE0, v1;
	v6 =	vld.idx.msk [tilespmem:v6+s3+$0x0], $0xffff;
	[tilespmem:s12+$0x0] =	vst v5  }
0x272: {  	s23 =	sor.u32 s19, s22;
	v5 =	vadd.s32 $0x32C8, v0;
	[tilespmem:s1+$0x100] =	vst v13;
	v8 =	vld.idx.msk [tilespmem:v8+s3+$0x0], $0xffff  }
0x273: {  	v10 =	vld.idx.msk [tilespmem:v10+s3+$0x0], $0xffff;
	[tilespmem:s23+$0x0] =	vst v9  }
0x274: {  	s24 =	sadd.s32 $0x16B80, s9;
	s8 =	sor.u32 s5, s20;
	v9 =	vadd.s32 $0x5208, v2;
	[tilespmem:s2+$0x100] =	vst v11;
	v11 =	vld.idx.msk [tilespmem:v12+s3+$0x0], $0xffff  }
0x275: {  	s25 =	sor.u32 s7, s24;
	v13 =	vadd.s32 $0xFA0, v4;
	v12 =	vld.idx.msk [tilespmem:v14+s3+$0x0], $0xffff;
	[tilespmem:s8+$0x0] =	vst v15  }
0x276: {  	v14 =	vld.idx.msk [tilespmem:v16+s3+$0x0], $0xffff;
	[tilespmem:s25+$0x0] =	vst v6;
	v6 =	vadd.s32 $0x59D8, v7  }
0x277: {  	s4 =	sor.u32 s0, s14;
	s26 =	simm.s32 $0x9CE0;
	v15 =	vadd.s32 $0xFA0, v3;
	v16 =	vld.idx.msk [tilespmem:v5+s3+$0x0], $0xffff  }
0x278: {  	v17 =	vadd.s32 $0x32C8, v1;
	v5 =	vld [tilespmem:s26+$0x0];
	[tilespmem:s4+$0x0] =	vst v8;
	s4 =	sadd.s32 $0x19480, s16  }
0x279: {  	v8 =	vadd.s32 $0x36B0, v0;
	[tilespmem:s1+$0x180] =	vst v10;
	v9 =	vld.idx.msk [tilespmem:v9+s3+$0x0], $0xffff;
	s14 =	sor.u32 s19, s4  }
0x27a: {  	v10 =	vld.idx.msk [tilespmem:v13+s3+$0x0], $0xffff;
	[tilespmem:s14+$0x0] =	vst v11;
	v11 =	vadd.s32 $0x55F0, v2  }
0x27b: {  	s20 =	sadd.s32 $0x16C00, s9;
	s15 =	sor.u32 s5, s24;
	[tilespmem:s2+$0x180] =	vst v12;
	v12 =	vadd.s32 $0x1388, v4;
	v6 =	vld.idx.msk [tilespmem:v6+s3+$0x0], $0xffff  }
0x27c: {  	s21 =	sor.u32 s7, s20;
	v13 =	vld.idx.msk [tilespmem:v15+s3+$0x0], $0xffff;
	[tilespmem:s15+$0x0] =	vst v14;
	v14 =	vadd.s32 $0x5DC0, v7  }
0x27d: {  	s6 =	sor.u32 s0, s22;
	v15 =	vld.idx.msk [tilespmem:v17+s3+$0x0], $0xffff;
	[tilespmem:s21+$0x0] =	vst v16;
	v16 =	vadd.s32 $0x1388, v3  }
0x27e: {  	s22 =	sadd.s32 $0x19500, s16;
	v17 =	vadd.s32 $0x36B0, v1;
	v8 =	vld.idx.msk [tilespmem:v8+s3+$0x0], $0xffff;
	[tilespmem:s6+$0x0] =	vst v9  }
0x27f: {  	s23 =	sor.u32 s19, s22;
	v9 =	vadd.s32 $0x3A98, v0;
	[tilespmem:s1+$0x200] =	vst v10;
	v10 =	vld.idx.msk [tilespmem:v11+s3+$0x0], $0xffff  }
0x280: {  	v11 =	vld.idx.msk [tilespmem:v12+s3+$0x0], $0xffff;
	[tilespmem:s23+$0x0] =	vst v6;
	v6 =	vadd.s32 $0x59D8, v2  }
0x281: {  	s24 =	sor.u32 s5, s20;
	s25 =	sadd.s32 $0x16C80, s9;
	[tilespmem:s2+$0x200] =	vst v13;
	v13 =	vadd.s32 $0x1770, v4;
	v12 =	vld.idx.msk [tilespmem:v14+s3+$0x0], $0xffff  }
0x282: {  	s26 =	sor.u32 s7, s25;
	v14 =	vld.idx.msk [tilespmem:v16+s3+$0x0], $0xffff;
	[tilespmem:s24+$0x0] =	vst v15;
	v15 =	vadd.s32 $0x61A8, v7  }
0x283: {  	s4 =	sor.u32 s0, s4;
	v16 =	vld.idx.msk [tilespmem:v17+s3+$0x0], $0xffff;
	[tilespmem:s26+$0x0] =	vst v8;
	v8 =	vadd.s32 $0x1770, v3  }
0x284: {  	v17 =	vadd.s32 $0x3A98, v1;
	v9 =	vld.idx.msk [tilespmem:v9+s3+$0x0], $0xffff;
	[tilespmem:s4+$0x0] =	vst v10;
	s4 =	sadd.s32 $0x1B980, s16  }
0x285: {  	v10 =	vadd.s32 $0x3E80, v0;
	[tilespmem:s1+$0x280] =	vst v11;
	s14 =	sor.u32 s19, s4;
	s1 =	simm.s32 $0x2;
	v6 =	vld.idx.msk [tilespmem:v6+s3+$0x0], $0xffff  }
0x286: {  	v11 =	vld.idx.msk [tilespmem:v13+s3+$0x0], $0xffff;
	s15 =	sand.u32 $0x3, s1;
	[tilespmem:s14+$0x0] =	vst v12;
	v12 =	vadd.s32 $0x5DC0, v2  }
0x287: {  	s20 =	sadd.s32 $0x16D00, s9;
	s12 =	sor.u32 s5, s25;
	[tilespmem:s2+$0x280] =	vst v14;
	s8 =	sshll.u32 s15, $0x5;
	v14 =	vadd.s32 $0x1B58, v4;
	v13 =	vld.idx.msk [tilespmem:v15+s3+$0x0], $0xffff  }
0x288: {  	s23 =	sor.u32 s7, s20;
	v8 =	vld.idx.msk [tilespmem:v8+s3+$0x0], $0xffff;
	[tilespmem:s12+$0x0] =	vst v16;
	s21 =	sadd.s32 $0x200, s8;
	v15 =	vadd.s32 $0x6590, v7  }
0x289: {  	s6 =	sor.u32 s0, s22;
	v16 =	vld.idx.msk [tilespmem:v17+s3+$0x0], $0xffff;
	[tilespmem:s23+$0x0] =	vst v9;
	v9 =	vadd.s32 $0x1B58, v3;
	s8 =	sadd.s32 $0x10, s21  }
0x28a: {  	s22 =	sadd.s32 $0x1BA00, s16;
	v17 =	vadd.s32 $0x3E80, v1;
	v10 =	vld.idx.msk [tilespmem:v10+s3+$0x0], $0xffff;
	s24 =	sor.u32 $0x300, s8;
	[tilespmem:s6+$0x0] =	vst v6  }
0x28b: {  	s25 =	sor.u32 s19, s22;
	[tilespmem:s24+$0x14180] =	vst v11;
	v6 =	vadd.s32 $0x4268, v0;
	v11 =	vld.idx.msk [tilespmem:v12+s3+$0x0], $0xffff  }
0x28c: {  	s26 =	sor.u32 $0x300, s21;
	v12 =	vld.idx.msk [tilespmem:v14+s3+$0x0], $0xffff;
	[tilespmem:s25+$0x0] =	vst v13;
	v13 =	vadd.s32 $0x61A8, v2  }
0x28d: {  	s2 =	sor.u32 s5, s20;
	s12 =	sadd.s32 $0x19180, s9;
	v14 =	vadd.s32 $0x1F40, v4;
	[tilespmem:s26+$0x14180] =	vst v8;
	v8 =	vld.idx.msk [tilespmem:v15+s3+$0x0], $0xffff  }
0x28e: {  	s14 =	sor.u32 s7, s12;
	v9 =	vld.idx.msk [tilespmem:v9+s3+$0x0], $0xffff;
	[tilespmem:s2+$0x0] =	vst v16  }
0x28f: {  	s4 =	sor.u32 s0, s4;
	s20 =	simm.s32 $0x60;
	v15 =	vadd.s32 $0x6978, v7;
	v16 =	vld.idx.msk [tilespmem:v17+s3+$0x0], $0xffff;
	[tilespmem:s14+$0x0] =	vst v10  }
0x290: {  	s15 =	sor.u32 $0x380, s8;
	v17 =	vadd.s32 $0x1F40, v3;
	s14 =	sand.u32 $0x60, s20;
	v10 =	vld.idx.msk [tilespmem:v6+s3+$0x0], $0xffff;
	[tilespmem:s4+$0x0] =	vst v11  }
0x291: {  	s8 =	sadd.s32 $0x1BA80, s16;
	s24 =	sand.u32 $0x780, s20;
	s6 =	sor.u32 $0x10, s14;
	[tilespmem:s15+$0x14180] =	vst v12;
	v12 =	vld.idx.msk [tilespmem:v13+s3+$0x0], $0xffff  }
0x292: {  	s23 =	sor.u32 s19, s8;
	v11 =	vadd.s32 $0x4650, v0;
	s4 =	sor.u32 s6, s24;
	v13 =	vld.idx.msk [tilespmem:v14+s3+$0x0], $0xffff  }
0x293: {  	s25 =	sor.u32 $0x380, s21;
	v14 =	vadd.s32 $0x4268, v1;
	v6 =	vld [tilespmem:s4+$0x9C80];
	[tilespmem:s23+$0x0] =	vst v8  }
0x294: {  	s12 =	sor.u32 s5, s12;
	s26 =	sadd.s32 $0x19200, s9;
	[tilespmem:s25+$0x14180] =	vst v9;
	v9 =	vadd.s32 $0x2328, v4;
	v15 =	vld.idx.msk [tilespmem:v15+s3+$0x0], $0xffff  }
0x295: {  	s4 =	sor.u32 s7, s26;
	v8 =	vadd.s32 $0x6590, v2;
	v17 =	vld.idx.msk [tilespmem:v17+s3+$0x0], $0xffff;
	[tilespmem:s12+$0x0] =	vst v16  }
0x296: {  	s15 =	sor.u32 s0, s22;
	s22 =	sadd.s32 $0x16980, s13;
	v16 =	vld.idx.msk [tilespmem:v5+s3+$0x0], $0xffff;
	[tilespmem:s4+$0x0] =	vst v10;
	v10 =	vadd.s32 $0x6D60, v7  }
0x297: {  	s23 =	sor.u32 s11, s22;
	v11 =	vld.idx.msk [tilespmem:v11+s3+$0x0], $0xffff;
	[tilespmem:s15+$0x0] =	vst v12  }
0x298: {  	s2 =	sadd.s32 $0x1BB00, s16;
	v14 =	vld.idx.msk [tilespmem:v14+s3+$0x0], $0xffff;
	[tilespmem:s23+$0x0] =	vst v13;
	v12 =	vadd.s32 $0x4A38, v0  }
0x299: {  	s24 =	sor.u32 s19, s2;
	v13 =	vadd.s32 $0x2328, v3;
	v9 =	vld.idx.msk [tilespmem:v9+s3+$0x0], $0xffff  }
0x29a: {  	s12 =	sadd.s32 $0x19280, s9;
	s4 =	sor.u32 s10, s22;
	v8 =	vld.idx.msk [tilespmem:v8+s3+$0x0], $0xffff;
	[tilespmem:s24+$0x0] =	vst v15;
	v15 =	vadd.s32 $0x4650, v1  }
0x29b: {  	v18 =	vadd.s32 $0x2710, v4;
	s25 =	sor.u32 s7, s12;
	[tilespmem:s4+$0x0] =	vst v17;
	v10 =	vld.idx.msk [tilespmem:v10+s3+$0x0], $0xffff  }
0x29c: {  	s21 =	sor.u32 s5, s26;
	s22 =	sadd.s32 $0x16A00, s13;
	v17 =	vadd.s32 $0x6978, v2;
	v19 =	vld.idx.msk [tilespmem:v6+s3+$0x0], $0xffff;
	[tilespmem:s25+$0x0] =	vst v11  }
0x29d: {  	s23 =	simm.s32 $0x300;
	s24 =	sor.u32 s11, s22;
	v11 =	vadd.s32 $0x7148, v7;
	v12 =	vld.idx.msk [tilespmem:v12+s3+$0x0], $0xffff;
	[tilespmem:s21+$0x0] =	vst v14  }
0x29e: {  	s8 =	sor.u32 s0, s8;
	s4 =	sadd.s32 $0x1BB80, s16;
	v14 =	vadd.s32 $0x3E8, v6;
	v13 =	vld.idx.msk [tilespmem:v13+s3+$0x0], $0xffff;
	s21 =	sand.u32 $0x3C00, s23;
	[tilespmem:s24+$0x0] =	vst v9  }
0x29f: {  	v20 =	vadd.s32 $0x3E8, v5;
	s26 =	sor.u32 s19, s4;
	s25 =	sor.u32 $0x14180, s21;
	[tilespmem:s8+$0x0] =	vst v8;
	v9 =	vld.idx.msk [tilespmem:v15+s3+$0x0], $0xffff  }
0x2a0: {  	v15 =	vadd.s32 $0x4E20, v0;
	v18 =	vld.idx.msk [tilespmem:v18+s3+$0x0], $0xffff;
	[tilespmem:s26+$0x0] =	vst v10;
	s26 =	sor.u32 s6, s25  }
0x2a1: {  	s8 =	sadd.s32 $0x19300, s9;
	v8 =	vld.idx.msk [tilespmem:v17+s3+$0x0], $0xffff;
	v10 =	vadd.s32 $0x2710, v3;
	s25 =	sor.u32 s14, s25;
	[tilespmem:s26+$0x0] =	vst v19  }
0x2a2: {  	s15 =	sor.u32 s7, s8;
	v11 =	vld.idx.msk [tilespmem:v11+s3+$0x0], $0xffff;
	v19 =	vadd.s32 $0x2AF8, v4;
	[tilespmem:s25+$0x0] =	vst v16  }
0x2a3: {  	s22 =	sor.u32 s10, s22;
	s24 =	sadd.s32 $0x16A80, s13;
	v14 =	vld.idx.msk [tilespmem:v14+s3+$0x0], $0xffff;
	[tilespmem:s15+$0x0] =	vst v12;
	v12 =	vadd.s32 $0x7530, v7  }
0x2a4: {  	v16 =	vadd.s32 $0x4A38, v1;
	v17 =	vld.idx.msk [tilespmem:v20+s3+$0x0], $0xffff;
	[tilespmem:s22+$0x0] =	vst v13;
	s15 =	sor.u32 s11, s24  }
0x2a5: {  	s29 =	sadd.s32 $0x1BC00, s16;
	s12 =	sor.u32 s5, s12;
	v20 =	vadd.s32 $0x7D0, v6;
	v15 =	vld.idx.msk [tilespmem:v15+s3+$0x0], $0xffff;
	[tilespmem:s15+$0x0] =	vst v18  }
0x2a6: {  	s15 =	sor.u32 s19, s29;
	v18 =	vadd.s32 $0x7D0, v5;
	[tilespmem:s12+$0x0] =	vst v9;
	v10 =	vld.idx.msk [tilespmem:v10+s3+$0x0], $0xffff  }
0x2a7: {  	v13 =	vadd.s32 $0x5208, v0;
	v19 =	vld.idx.msk [tilespmem:v19+s3+$0x0], $0xffff;
	[tilespmem:s15+$0x0] =	vst v11  }
0x2a8: {  	s12 =	sadd.s32 $0x19380, s9;
	v11 =	vadd.s32 $0x2AF8, v3;
	v9 =	vld.idx.msk [tilespmem:v12+s3+$0x0], $0xffff;
	[tilespmem:s26+$0x80] =	vst v14  }
0x2a9: {  	s15 =	sor.u32 s7, s12;
	v12 =	vadd.s32 $0x2EE0, v4;
	v14 =	vld.idx.msk [tilespmem:v16+s3+$0x0], $0xffff;
	[tilespmem:s25+$0x80] =	vst v17  }
0x2aa: {  	v7 =	vadd.s32 $0x7918, v7;
	v16 =	vld.idx.msk [tilespmem:v20+s3+$0x0], $0xffff;
	[tilespmem:s15+$0x0] =	vst v15;
	s15 =	sor.u32 s10, s24;
	s24 =	sadd.s32 $0x16B00, s13  }
0x2ab: {  	s30 =	sadd.s32 $0x1BC80, s16;
	v15 =	vadd.s32 $0x4E20, v1;
	v17 =	vld.idx.msk [tilespmem:v18+s3+$0x0], $0xffff;
	[tilespmem:s15+$0x0] =	vst v10;
	s15 =	sor.u32 s11, s24  }
0x2ac: {  	v18 =	vadd.s32 $0xBB8, v6;
	v13 =	vld.idx.msk [tilespmem:v13+s3+$0x0], $0xffff;
	[tilespmem:s15+$0x0] =	vst v19;
	s15 =	sor.u32 s19, s30  }
0x2ad: {  	s8 =	sor.u32 s5, s8;
	v20 =	vadd.s32 $0xBB8, v5;
	v11 =	vld.idx.msk [tilespmem:v11+s3+$0x0], $0xffff;
	[tilespmem:s15+$0x0] =	vst v9  }
0x2ae: {  	v19 =	vadd.s32 $0x55F0, v0;
	v12 =	vld.idx.msk [tilespmem:v12+s3+$0x0], $0xffff;
	[tilespmem:s8+$0x0] =	vst v14  }
0x2af: {  	v9 =	vadd.s32 $0x2EE0, v3;
	s8 =	sadd.s32 $0x19400, s9;
	v21 =	vld.idx.msk [tilespmem:v7+s3+$0x0], $0xffff;
	[tilespmem:s26+$0x100] =	vst v16  }
0x2b0: {  	v22 =	vadd.s32 $0x32C8, v4;
	s15 =	sor.u32 s7, s8;
	v10 =	vld.idx.msk [tilespmem:v15+s3+$0x0], $0xffff;
	[tilespmem:s25+$0x100] =	vst v17  }
0x2b1: {  	s31 =	sor.u32 s0, s2;
	s2 =	simm.s32 $0x9D00;
	s24 =	sor.u32 s10, s24;
	v15 =	vld.idx.msk [tilespmem:v18+s3+$0x0], $0xffff;
	[tilespmem:s15+$0x0] =	vst v13  }
0x2b2: {  	s28 =	sor.u32 s0, s4;
	s4 =	sadd.s32 $0x1BD00, s16;
	s15 =	sadd.s32 $0x16B80, s13;
	v16 =	vld.idx.msk [tilespmem:v20+s3+$0x0], $0xffff;
	[tilespmem:s24+$0x0] =	vst v11;
	v11 =	vadd.s32 $0x5208, v1  }
0x2b3: {  	s16 =	sor.u32 s0, s30;
	s22 =	sor.u32 s0, s29;
	v17 =	vadd.s32 $0xFA0, v6;
	v7 =	vld.idx.msk [tilespmem:v19+s3+$0x0], $0xffff;
	s24 =	sor.u32 s11, s15  }
0x2b4: {  	s0 =	sor.u32 s0, s4;
	s30 =	sor.u32 s5, s8;
	[tilespmem:s24+$0x0] =	vst v12;
	s24 =	sor.u32 s19, s4;
	v14 =	vld.idx.msk [tilespmem:v9+s3+$0x0], $0xffff;
	v9 =	vadd.s32 $0x59D8, v0  }
0x2b5: {  	v18 =	vadd.s32 $0xFA0, v5;
	s29 =	sor.u32 s10, s15;
	s19 =	simm.s32 $0x6;
	s4 =	sor.u32 s5, s12;
	[tilespmem:s24+$0x0] =	vst v21;
	v12 =	vld.idx.msk [tilespmem:v22+s3+$0x0], $0xffff  }
.LBB2_11:
0x2b6: {  	v13 =	vld [tilespmem:s2+$0x0];
	v19 =	vadd.s32 $0x32C8, v3;
	[tilespmem:s4+$0x0] =	vst v10;
	s12 =	sadd.s32 $0x19480, s9;
	s8 =	smov.u32 s7;
	s7 =	smov.u32 s11  }
0x2b7: {  	v10 =	vadd.s32 $0x36B0, v4;
	s11 =	smov.u32 s6;
	[tilespmem:s26+$0x180] =	vst v15;
	v11 =	vld.idx.msk [tilespmem:v11+s3+$0x0], $0xffff;
	s4 =	sor.u32 s5, s12;
	s12 =	sor.u32 s8, s12  }
0x2b8: {  	v15 =	vld.idx.msk [tilespmem:v17+s3+$0x0], $0xffff;
	[tilespmem:s12+$0x0] =	vst v7;
	v7 =	vadd.s32 $0x6D60, v2;
	s12 =	smov.u32 s9;
	s9 =	smov.u32 s13;
	s13 =	smov.u32 s21  }
0x2b9: {  	[tilespmem:s25+$0x180] =	vst v16;
	s6 =	sadd.s32 $0x16C00, s9;
	v16 =	vadd.s32 $0x55F0, v1;
	v9 =	vld.idx.msk [tilespmem:v9+s3+$0x0], $0xffff  }
0x2ba: {  	v17 =	vld.idx.msk [tilespmem:v18+s3+$0x0], $0xffff;
	v18 =	vadd.s32 $0x1388, v6;
	[tilespmem:s29+$0x0] =	vst v14;
	s15 =	sor.u32 s10, s6;
	s6 =	sor.u32 s7, s6  }
0x2bb: {  	v14 =	vld.idx.msk [tilespmem:v19+s3+$0x0], $0xffff;
	[tilespmem:s6+$0x0] =	vst v12;
	v12 =	vadd.s32 $0x5DC0, v0  }
0x2bc: {  	v19 =	vadd.s32 $0x1388, v5;
	v10 =	vld.idx.msk [tilespmem:v10+s3+$0x0], $0xffff;
	[tilespmem:s31+$0x0] =	vst v8  }
0x2bd: {  	s21 =	sadd.s32 $0x19500, s12;
	v8 =	vadd.s32 $0x36B0, v3;
	[tilespmem:s30+$0x0] =	vst v11;
	v7 =	vld.idx.msk [tilespmem:v7+s3+$0x0], $0xffff  }
0x2be: {  	s6 =	sor.u32 s5, s21;
	s21 =	sor.u32 s8, s21;
	v11 =	vadd.s32 $0x3A98, v4;
	[tilespmem:s26+$0x200] =	vst v15;
	v15 =	vld.idx.msk [tilespmem:v16+s3+$0x0], $0xffff  }
0x2bf: {  	v16 =	vld.idx.msk [tilespmem:v18+s3+$0x0], $0xffff;
	[tilespmem:s21+$0x0] =	vst v9;
	v9 =	vadd.s32 $0x7148, v2  }
0x2c0: {  	s21 =	sadd.s32 $0x16C80, s9;
	[tilespmem:s25+$0x200] =	vst v17;
	v17 =	vadd.s32 $0x59D8, v1;
	v12 =	vld.idx.msk [tilespmem:v12+s3+$0x0], $0xffff  }
0x2c1: {  	v18 =	vld.idx.msk [tilespmem:v19+s3+$0x0], $0xffff;
	v19 =	vadd.s32 $0x1770, v6;
	[tilespmem:s15+$0x0] =	vst v14;
	s15 =	sor.u32 s10, s21;
	s21 =	sor.u32 s7, s21  }
0x2c2: {  	v8 =	vld.idx.msk [tilespmem:v8+s3+$0x0], $0xffff;
	[tilespmem:s21+$0x0] =	vst v10;
	v10 =	vadd.s32 $0x61A8, v0  }
0x2c3: {  	v14 =	vadd.s32 $0x1770, v5;
	v11 =	vld.idx.msk [tilespmem:v11+s3+$0x0], $0xffff;
	[tilespmem:s28+$0x0] =	vst v7  }
0x2c4: {  	s21 =	sadd.s32 $0x1B980, s12;
	v7 =	vadd.s32 $0x3A98, v3;
	[tilespmem:s4+$0x0] =	vst v15;
	v9 =	vld.idx.msk [tilespmem:v9+s3+$0x0], $0xffff  }
0x2c5: {  	v15 =	vadd.s32 $0x3E80, v4;
	s4 =	sor.u32 s5, s21;
	s21 =	sor.u32 s8, s21;
	[tilespmem:s26+$0x280] =	vst v16;
	v16 =	vld.idx.msk [tilespmem:v17+s3+$0x0], $0xffff  }
0x2c6: {  	s1 =	sadd.s32 $0x1, s1;
	v17 =	vld.idx.msk [tilespmem:v19+s3+$0x0], $0xffff;
	[tilespmem:s21+$0x0] =	vst v12;
	v12 =	vadd.s32 $0x7530, v2  }
0x2c7: {  	s24 =	sadd.s32 $0x16D00, s9;
	s21 =	sand.u32 $0x3, s1;
	[tilespmem:s25+$0x280] =	vst v18;
	v18 =	vadd.s32 $0x5DC0, v1;
	v10 =	vld.idx.msk [tilespmem:v10+s3+$0x0], $0xffff  }
0x2c8: {  	v19 =	vadd.s32 $0x1B58, v6;
	s21 =	sshll.u32 s21, $0x5;
	v14 =	vld.idx.msk [tilespmem:v14+s3+$0x0], $0xffff;
	[tilespmem:s15+$0x0] =	vst v8;
	s15 =	sor.u32 s10, s24;
	s24 =	sor.u32 s7, s24  }
0x2c9: {  	s21 =	sadd.s32 s21, s23;
	v8 =	vadd.s32 $0x6590, v0;
	v7 =	vld.idx.msk [tilespmem:v7+s3+$0x0], $0xffff;
	[tilespmem:s24+$0x0] =	vst v11  }
0x2ca: {  	s24 =	sor.u32 $0x300, s21;
	v11 =	vadd.s32 $0x1B58, v5;
	s25 =	sor.u32 $0x380, s21;
	s26 =	sadd.s32 $0x10, s21;
	v15 =	vld.idx.msk [tilespmem:v15+s3+$0x0], $0xffff;
	[tilespmem:s22+$0x0] =	vst v9  }
0x2cb: {  	s21 =	sor.u32 $0x300, s26;
	v9 =	vadd.s32 $0x3E80, v3;
	[tilespmem:s6+$0x0] =	vst v16;
	s6 =	sadd.s32 $0x1BA00, s12;
	v12 =	vld.idx.msk [tilespmem:v12+s3+$0x0], $0xffff  }
0x2cc: {  	v16 =	vadd.s32 $0x4268, v4;
	[tilespmem:s21+$0x14180] =	vst v17;
	v17 =	vld.idx.msk [tilespmem:v18+s3+$0x0], $0xffff;
	s21 =	sor.u32 s5, s6;
	s6 =	sor.u32 s8, s6  }
0x2cd: {  	v18 =	vld.idx.msk [tilespmem:v19+s3+$0x0], $0xffff;
	[tilespmem:s6+$0x0] =	vst v10;
	v10 =	vadd.s32 $0x7918, v2;
	v2 =	vmovc v1;
	v1 =	vmovc v3;
	v3 =	vmov v5;
	v5 =	vmov v13  }
0x2ce: {  	s6 =	sadd.s32 $0x19180, s9;
	[tilespmem:s24+$0x14180] =	vst v14;
	v13 =	vadd.s32 $0x61A8, v2;
	v8 =	vld.idx.msk [tilespmem:v8+s3+$0x0], $0xffff  }
0x2cf: {  	v14 =	vadd.s32 $0x1F40, v6;
	v11 =	vld.idx.msk [tilespmem:v11+s3+$0x0], $0xffff;
	[tilespmem:s15+$0x0] =	vst v7;
	s15 =	sor.u32 s10, s6;
	s6 =	sor.u32 s7, s6  }
0x2d0: {  	v7 =	vld.idx.msk [tilespmem:v9+s3+$0x0], $0xffff;
	[tilespmem:s6+$0x0] =	vst v15;
	v9 =	vadd.s32 $0x6978, v0  }
0x2d1: {  	v15 =	vld.idx.msk [tilespmem:v16+s3+$0x0], $0xffff;
	[tilespmem:s16+$0x0] =	vst v12  }
0x2d2: {  	s20 =	sadd.s32 $0x20, s20;
	s6 =	sor.u32 $0x380, s26;
	v12 =	vadd.s32 $0x1F40, v3;
	[tilespmem:s4+$0x0] =	vst v17;
	s4 =	sadd.s32 $0x1BA80, s12;
	v10 =	vld.idx.msk [tilespmem:v10+s3+$0x0], $0xffff  }
0x2d3: {  	s19 =	sadd.s32 $0x2, s19;
	s24 =	sand.u32 $0x60, s20;
	v16 =	vadd.s32 $0x4650, v4;
	[tilespmem:s6+$0x14180] =	vst v18;
	v13 =	vld.idx.msk [tilespmem:v13+s3+$0x0], $0xffff;
	s16 =	sor.u32 s8, s4  }
0x2d4: {  	p0 =	slt.u32 s19, $0x4E;
	s22 =	sand.u32 $0x780, s20;
	v17 =	vadd.s32 $0x4268, v1;
	s6 =	sor.u32 $0x10, s24;
	v14 =	vld.idx.msk [tilespmem:v14+s3+$0x0], $0xffff;
	[tilespmem:s16+$0x0] =	vst v8  }
0x2d5: {  	s4 =	sor.u32 s5, s4;
	s16 =	sor.u32 s6, s22;
	s22 =	sadd.s32 $0x19200, s9;
	v8 =	vadd.s32 $0x6590, v2;
	[tilespmem:s25+$0x14180] =	vst v11;
	v9 =	vld.idx.msk [tilespmem:v9+s3+$0x0], $0xffff  }
0x2d6: {  	v18 =	vadd.s32 $0x2328, v6;
	v11 =	vld [tilespmem:s16+$0x9C80];
	[tilespmem:s15+$0x0] =	vst v7;
	s15 =	sor.u32 s10, s22;
	s16 =	sor.u32 s7, s22  }
0x2d7: {  	v7 =	vld.idx.msk [tilespmem:v12+s3+$0x0], $0xffff;
	[tilespmem:s16+$0x0] =	vst v15;
	v12 =	vadd.s32 $0x6D60, v0  }
0x2d8: {  	s16 =	sadd.s32 $0x16980, s13;
	v15 =	vld.idx.msk [tilespmem:v16+s3+$0x0], $0xffff;
	[tilespmem:s0+$0x0] =	vst v10  }
0x2d9: {  	s0 =	sor.u32 s14, s16;
	s16 =	sor.u32 s11, s16;
	v10 =	vld.idx.msk [tilespmem:v17+s3+$0x0], $0xffff;
	[tilespmem:s21+$0x0] =	vst v13;
	s21 =	sadd.s32 $0x1BB00, s12  }
0x2da: {  	v13 =	vadd.s32 $0x4A38, v4;
	[tilespmem:s16+$0x0] =	vst v14;
	v8 =	vld.idx.msk [tilespmem:v8+s3+$0x0], $0xffff;
	s31 =	sor.u32 s5, s21;
	s16 =	sor.u32 s8, s21  }
0x2db: {  	v14 =	vadd.s32 $0x2328, v3;
	v16 =	vld.idx.msk [tilespmem:v18+s3+$0x0], $0xffff;
	[tilespmem:s16+$0x0] =	vst v9  }
0x2dc: {  	v9 =	vadd.s32 $0x4650, v1;
	s16 =	sadd.s32 $0x19280, s9;
	v12 =	vld.idx.msk [tilespmem:v12+s3+$0x0], $0xffff  }
0x2dd: {  	v17 =	vld.idx.msk [tilespmem:v5+s3+$0x0], $0xffff;
	[tilespmem:s0+$0x0] =	vst v7;
	v7 =	vadd.s32 $0x2710, v6;
	s0 =	sor.u32 s10, s16;
	s16 =	sor.u32 s7, s16  }
0x2de: {  	v18 =	vld.idx.msk [tilespmem:v11+s3+$0x0], $0xffff;
	[tilespmem:s16+$0x0] =	vst v15;
	v15 =	vadd.s32 $0x7148, v0  }
0x2df: {  	s16 =	sadd.s32 $0x16A00, s13;
	[tilespmem:s15+$0x0] =	vst v10;
	v10 =	vld.idx.msk [tilespmem:v13+s3+$0x0], $0xffff;
	v13 =	vadd.s32 $0x6978, v2  }
0x2e0: {  	s23 =	sadd.s32 $0x100, s23;
	v19 =	vadd.s32 $0x3E8, v11;
	s15 =	sor.u32 s11, s16;
	v14 =	vld.idx.msk [tilespmem:v14+s3+$0x0], $0xffff;
	[tilespmem:s4+$0x0] =	vst v8;
	s4 =	sadd.s32 $0x1BB80, s12  }
0x2e1: {  	s21 =	sand.u32 $0x3C00, s23;
	s16 =	sor.u32 s14, s16;
	[tilespmem:s15+$0x0] =	vst v16;
	v9 =	vld.idx.msk [tilespmem:v9+s3+$0x0], $0xffff;
	v16 =	vadd.s32 $0x4E20, v4;
	s15 =	sor.u32 s8, s4  }
0x2e2: {  	v20 =	vadd.s32 $0x3E8, v5;
	s22 =	sor.u32 $0x14180, s21;
	s28 =	sor.u32 s5, s4;
	v7 =	vld.idx.msk [tilespmem:v7+s3+$0x0], $0xffff;
	[tilespmem:s15+$0x0] =	vst v12  }
0x2e3: {  	s25 =	sor.u32 s24, s22;
	s26 =	sor.u32 s6, s22;
	s4 =	sadd.s32 $0x19300, s9;
	v12 =	vadd.s32 $0x2710, v3;
	v15 =	vld.idx.msk [tilespmem:v15+s3+$0x0], $0xffff  }
0x2e4: {  	s29 =	sor.u32 s10, s4;
	s4 =	sor.u32 s7, s4;
	[tilespmem:s26+$0x0] =	vst v18;
	v18 =	vadd.s32 $0x2AF8, v6;
	v8 =	vld.idx.msk [tilespmem:v13+s3+$0x0], $0xffff  }
0x2e5: {  	v13 =	vld.idx.msk [tilespmem:v19+s3+$0x0], $0xffff;
	[tilespmem:s4+$0x0] =	vst v10;
	v10 =	vadd.s32 $0x7530, v0  }
0x2e6: {  	s4 =	sadd.s32 $0x16A80, s13;
	[tilespmem:s25+$0x0] =	vst v17;
	v17 =	vadd.s32 $0x4A38, v1;
	v16 =	vld.idx.msk [tilespmem:v16+s3+$0x0], $0xffff  }
0x2e7: {  	s15 =	sor.u32 s14, s4;
	s4 =	sor.u32 s11, s4;
	v19 =	vld.idx.msk [tilespmem:v20+s3+$0x0], $0xffff;
	v20 =	vadd.s32 $0x7D0, v11;
	[tilespmem:s16+$0x0] =	vst v14;
	s16 =	sadd.s32 $0x1BC00, s12  }
0x2e8: {  	v12 =	vld.idx.msk [tilespmem:v12+s3+$0x0], $0xffff;
	[tilespmem:s4+$0x0] =	vst v7;
	v7 =	vadd.s32 $0x5208, v4;
	s22 =	sor.u32 s5, s16;
	s4 =	sor.u32 s8, s16  }
0x2e9: {  	v14 =	vadd.s32 $0x7D0, v5;
	v18 =	vld.idx.msk [tilespmem:v18+s3+$0x0], $0xffff;
	[tilespmem:s4+$0x0] =	vst v15  }
0x2ea: {  	v15 =	vadd.s32 $0x2AF8, v3;
	[tilespmem:s0+$0x0] =	vst v9;
	s0 =	sadd.s32 $0x19380, s9;
	v9 =	vld.idx.msk [tilespmem:v10+s3+$0x0], $0xffff  }
0x2eb: {  	v10 =	vadd.s32 $0x2EE0, v6;
	[tilespmem:s26+$0x80] =	vst v13;
	v13 =	vld.idx.msk [tilespmem:v17+s3+$0x0], $0xffff;
	s4 =	sor.u32 s10, s0;
	s0 =	sor.u32 s7, s0  }
0x2ec: {  	v17 =	vld.idx.msk [tilespmem:v20+s3+$0x0], $0xffff;
	[tilespmem:s0+$0x0] =	vst v16;
	v16 =	vadd.s32 $0x7918, v0;
	v0 =	vmovc v4;
	v4 =	vmov v6;
	v6 =	vmov v11  }
0x2ed: {  	s0 =	sadd.s32 $0x16B00, s13;
	v11 =	vadd.s32 $0x4E20, v1;
	[tilespmem:s25+$0x80] =	vst v19;
	v7 =	vld.idx.msk [tilespmem:v7+s3+$0x0], $0xffff  }
0x2ee: {  	s30 =	sadd.s32 $0x1BC80, s12;
	v19 =	vadd.s32 $0xBB8, v6;
	v14 =	vld.idx.msk [tilespmem:v14+s3+$0x0], $0xffff;
	[tilespmem:s15+$0x0] =	vst v12;
	s15 =	sor.u32 s14, s0;
	s0 =	sor.u32 s11, s0  }
0x2ef: {  	s16 =	sor.u32 s5, s30;
	v12 =	vld.idx.msk [tilespmem:v15+s3+$0x0], $0xffff;
	[tilespmem:s0+$0x0] =	vst v18;
	v18 =	vadd.s32 $0x55F0, v0;
	s0 =	sor.u32 s8, s30  }
0x2f0: {  	v20 =	vadd.s32 $0xBB8, v5;
	v21 =	vld.idx.msk [tilespmem:v10+s3+$0x0], $0xffff;
	[tilespmem:s0+$0x0] =	vst v9  }
0x2f1: {  	v9 =	vadd.s32 $0x2EE0, v3;
	s0 =	sadd.s32 $0x19400, s9;
	[tilespmem:s29+$0x0] =	vst v13;
	v13 =	vld.idx.msk [tilespmem:v16+s3+$0x0], $0xffff  }
0x2f2: {  	v22 =	vadd.s32 $0x32C8, v4;
	s30 =	sor.u32 s10, s0;
	s0 =	sor.u32 s7, s0;
	[tilespmem:s26+$0x100] =	vst v17;
	v10 =	vld.idx.msk [tilespmem:v11+s3+$0x0], $0xffff  }
.Ltmp5:
0x2f3: {  	v15 =	vld.idx.msk [tilespmem:v19+s3+$0x0], $0xffff;
	[tilespmem:s0+$0x0] =	vst v7;
	(pc) =	sbr.rel @p0 .LBB2_11-.Ltmp5, $4  }
0x2f4: {  	v11 =	vadd.s32 $0x5208, v1;
	s0 =	sadd.s32 $0x16B80, s13;
	[tilespmem:s25+$0x100] =	vst v14;
	v7 =	vld.idx.msk [tilespmem:v18+s3+$0x0], $0xffff  }
0x2f5: {  	s12 =	sadd.s32 $0x1BD00, s12;
	v17 =	vadd.s32 $0xFA0, v6;
	s29 =	sor.u32 s14, s0;
	s0 =	sor.u32 s11, s0;
	v16 =	vld.idx.msk [tilespmem:v20+s3+$0x0], $0xffff;
	[tilespmem:s15+$0x0] =	vst v12  }
0x2f6: {  	s8 =	sor.u32 s8, s12;
	v14 =	vld.idx.msk [tilespmem:v9+s3+$0x0], $0xffff;
	[tilespmem:s0+$0x0] =	vst v21;
	v9 =	vadd.s32 $0x59D8, v0;
	s0 =	sor.u32 s5, s12;
	s5 =	smov.u32 s10  }
0x2f7: {  	s2 =	sadd.s32 $0x20, s2;
	v18 =	vadd.s32 $0xFA0, v5;
	s10 =	smov.u32 s14;
	s14 =	smov.u32 s24;
	v12 =	vld.idx.msk [tilespmem:v22+s3+$0x0], $0xffff;
	[tilespmem:s8+$0x0] =	vst v13  }
0x2f8: {  	_ =	sdelay $0x2  }
0x2f9: {  	[tilespmem:s26+$0x180] =	vst v15  }
0x2fa: {  	v13 =	vld.idx.msk [tilespmem:v17+s3+$0x0], $0xffff;
	[tilespmem:s25+$0x180] =	vst v16  }
0x2fb: {  	v25 =	vadd.s32 $0x1388, v6;
	v24 =	vld.idx.msk [tilespmem:v18+s3+$0x0], $0xffff  }
0x2fc: {  	v26 =	vadd.s32 $0x1388, v5;
	_ =	sdelay $0x2  }
0x2fd: {  	[tilespmem:s26+$0x200] =	vst v13  }
0x2fe: {  	v13 =	vld.idx.msk [tilespmem:v25+s3+$0x0], $0xffff;
	[tilespmem:s25+$0x200] =	vst v24  }
0x2ff: {  	v27 =	vadd.s32 $0x1770, v6;
	v15 =	vld.idx.msk [tilespmem:v26+s3+$0x0], $0xffff  }
0x300: {  	v28 =	vadd.s32 $0x1770, v5;
	_ =	sdelay $0x2  }
0x301: {  	s1 =	sadd.s32 $0x1, s1;
	[tilespmem:s26+$0x280] =	vst v13  }
0x302: {  	s1 =	sand.u32 $0x3, s1;
	v13 =	vld.idx.msk [tilespmem:v27+s3+$0x0], $0xffff;
	[tilespmem:s25+$0x280] =	vst v15  }
0x303: {  	v29 =	vadd.s32 $0x1B58, v6;
	s1 =	sshll.u32 s1, $0x5;
	v15 =	vld.idx.msk [tilespmem:v28+s3+$0x0], $0xffff  }
0x304: {  	v30 =	vadd.s32 $0x1B58, v5;
	s1 =	sadd.s32 s1, s23  }
0x305: {  	s2 =	sadd.s32 $0x10, s1  }
0x306: {  	s8 =	sor.u32 $0x300, s2  }
0x307: {  	s26 =	sor.u32 $0x300, s1;
	[tilespmem:s8+$0x14180] =	vst v13  }
0x308: {  	v13 =	vld.idx.msk [tilespmem:v29+s3+$0x0], $0xffff;
	[tilespmem:s26+$0x14180] =	vst v15  }
0x309: {  	v31 =	vadd.s32 $0x1F40, v6;
	v15 =	vld.idx.msk [tilespmem:v30+s3+$0x0], $0xffff  }
0x30a: {  	v32 =	vadd.s32 $0x1F40, v5;
	_ =	sdelay $0x1  }
0x30b: {  	s2 =	sor.u32 $0x380, s2  }
0x30c: {  	s1 =	sor.u32 $0x380, s1;
	[tilespmem:s2+$0x14180] =	vst v13  }
0x30d: {  	v13 =	vld.idx.msk [tilespmem:v31+s3+$0x0], $0xffff;
	[tilespmem:s1+$0x14180] =	vst v15  }
0x30e: {  	v33 =	vadd.s32 $0x2328, v6;
	v34 =	vld.idx.msk [tilespmem:v32+s3+$0x0], $0xffff  }
0x30f: {  	v35 =	vadd.s32 $0x2328, v5  }
0x310: {  	s12 =	sadd.s32 $0x16980, s21  }
0x311: {  	s15 =	sor.u32 s6, s12  }
0x312: {  	s1 =	sor.u32 s14, s12;
	[tilespmem:s15+$0x0] =	vst v13  }
0x313: {  	v13 =	vld.idx.msk [tilespmem:v33+s3+$0x0], $0xffff;
	[tilespmem:s1+$0x0] =	vst v34  }
0x314: {  	v36 =	vadd.s32 $0x2710, v6;
	v16 =	vld.idx.msk [tilespmem:v35+s3+$0x0], $0xffff  }
0x315: {  	v37 =	vadd.s32 $0x2710, v5  }
0x316: {  	s19 =	sadd.s32 $0x16A00, s21  }
0x317: {  	s20 =	sor.u32 s6, s19  }
0x318: {  	s1 =	sor.u32 s14, s19;
	[tilespmem:s20+$0x0] =	vst v13  }
0x319: {  	v13 =	vld.idx.msk [tilespmem:v36+s3+$0x0], $0xffff;
	[tilespmem:s1+$0x0] =	vst v16  }
0x31a: {  	v38 =	vadd.s32 $0x2AF8, v6;
	v16 =	vld.idx.msk [tilespmem:v37+s3+$0x0], $0xffff  }
0x31b: {  	v39 =	vadd.s32 $0x2AF8, v5  }
0x31c: {  	s23 =	sadd.s32 $0x16A80, s21  }
0x31d: {  	s24 =	sor.u32 s6, s23  }
0x31e: {  	s1 =	sor.u32 s14, s23;
	[tilespmem:s24+$0x0] =	vst v13  }
0x31f: {  	v13 =	vld.idx.msk [tilespmem:v38+s3+$0x0], $0xffff;
	[tilespmem:s1+$0x0] =	vst v16  }
0x320: {  	v40 =	vadd.s32 $0x2EE0, v6;
	v16 =	vld.idx.msk [tilespmem:v39+s3+$0x0], $0xffff  }
0x321: {  	v41 =	vadd.s32 $0x2EE0, v5  }
0x322: {  	s25 =	sadd.s32 $0x16B00, s21  }
0x323: {  	s26 =	sor.u32 s6, s25  }
0x324: {  	v42 =	vadd.s32 $0x32C8, v3;
	s1 =	sor.u32 s14, s25;
	[tilespmem:s26+$0x0] =	vst v13  }
0x325: {  	v15 =	vld.idx.msk [tilespmem:v40+s3+$0x0], $0xffff;
	[tilespmem:s1+$0x0] =	vst v16  }
0x326: {  	v43 =	vadd.s32 $0x32C8, v6;
	v17 =	vld.idx.msk [tilespmem:v41+s3+$0x0], $0xffff  }
0x327: {  	v44 =	vadd.s32 $0x32C8, v5  }
0x328: {  	[tilespmem:s29+$0x0] =	vst v14;
	s8 =	sadd.s32 $0x16B80, s21  }
0x329: {  	v45 =	vadd.s32 $0x36B0, v4;
	s12 =	sor.u32 s6, s8;
	v13 =	vld.idx.msk [tilespmem:v42+s3+$0x0], $0xffff  }
0x32a: {  	v46 =	vadd.s32 $0x36B0, v3;
	s1 =	sor.u32 s14, s8;
	[tilespmem:s12+$0x0] =	vst v15  }
0x32b: {  	s15 =	sadd.s32 $0x16C00, s13;
	v16 =	vld.idx.msk [tilespmem:v43+s3+$0x0], $0xffff;
	[tilespmem:s1+$0x0] =	vst v17  }
0x32c: {  	v47 =	vadd.s32 $0x36B0, v6;
	s19 =	sor.u32 s11, s15;
	v18 =	vld.idx.msk [tilespmem:v44+s3+$0x0], $0xffff  }
0x32d: {  	v19 =	vadd.s32 $0x36B0, v5;
	[tilespmem:s19+$0x0] =	vst v12;
	s1 =	sor.u32 s10, s15  }
0x32e: {  	v12 =	vld.idx.msk [tilespmem:v45+s3+$0x0], $0xffff;
	s20 =	sadd.s32 $0x16C00, s21;
	[tilespmem:s1+$0x0] =	vst v13  }
0x32f: {  	v48 =	vadd.s32 $0x3A98, v4;
	s23 =	sor.u32 s6, s20;
	v49 =	vld.idx.msk [tilespmem:v46+s3+$0x0], $0xffff  }
0x330: {  	v50 =	vadd.s32 $0x3A98, v3;
	s2 =	sor.u32 s14, s20;
	[tilespmem:s23+$0x0] =	vst v16  }
0x331: {  	s24 =	sadd.s32 $0x16C80, s13;
	v16 =	vld.idx.msk [tilespmem:v47+s3+$0x0], $0xffff;
	[tilespmem:s2+$0x0] =	vst v18  }
0x332: {  	s25 =	sor.u32 s11, s24;
	v18 =	vld.idx.msk [tilespmem:v19+s3+$0x0], $0xffff  }
0x333: {  	v51 =	vadd.s32 $0x3A98, v6;
	[tilespmem:s25+$0x0] =	vst v12;
	s1 =	sor.u32 s10, s24  }
0x334: {  	v52 =	vadd.s32 $0x3A98, v5;
	v12 =	vld.idx.msk [tilespmem:v48+s3+$0x0], $0xffff;
	s26 =	sadd.s32 $0x16C80, s21;
	[tilespmem:s1+$0x0] =	vst v49  }
0x335: {  	v53 =	vadd.s32 $0x3E80, v4;
	s29 =	sor.u32 s6, s26;
	v14 =	vld.idx.msk [tilespmem:v50+s3+$0x0], $0xffff  }
0x336: {  	v54 =	vadd.s32 $0x3E80, v3;
	s2 =	sor.u32 s14, s26;
	[tilespmem:s29+$0x0] =	vst v16  }
0x337: {  	[tilespmem:s2+$0x0] =	vst v18;
	s2 =	sadd.s32 $0x16D00, s13  }
0x338: {  	v16 =	vld.idx.msk [tilespmem:v51+s3+$0x0], $0xffff;
	s8 =	sor.u32 s11, s2  }
0x339: {  	v55 =	vadd.s32 $0x3E80, v6;
	v18 =	vld.idx.msk [tilespmem:v52+s3+$0x0], $0xffff;
	s1 =	sor.u32 s10, s2;
	[tilespmem:s8+$0x0] =	vst v12  }
0x33a: {  	v56 =	vadd.s32 $0x3E80, v5;
	[tilespmem:s1+$0x0] =	vst v14;
	v12 =	vld.idx.msk [tilespmem:v53+s3+$0x0], $0xffff  }
0x33b: {  	v57 =	vadd.s32 $0x4268, v4;
	s12 =	sadd.s32 $0x16D00, s21;
	v14 =	vld.idx.msk [tilespmem:v54+s3+$0x0], $0xffff  }
0x33c: {  	v58 =	vadd.s32 $0x4268, v3;
	s15 =	sor.u32 s6, s12  }
0x33d: {  	s19 =	sadd.s32 $0x19180, s13;
	s2 =	sor.u32 s14, s12;
	[tilespmem:s15+$0x0] =	vst v16  }
0x33e: {  	s20 =	sor.u32 s11, s19;
	v16 =	vld.idx.msk [tilespmem:v55+s3+$0x0], $0xffff;
	[tilespmem:s2+$0x0] =	vst v18  }
0x33f: {  	v59 =	vadd.s32 $0x4268, v6;
	s1 =	sor.u32 s10, s19;
	v18 =	vld.idx.msk [tilespmem:v56+s3+$0x0], $0xffff;
	[tilespmem:s20+$0x0] =	vst v12  }
0x340: {  	v60 =	vadd.s32 $0x4268, v5;
	[tilespmem:s1+$0x0] =	vst v14;
	v12 =	vld.idx.msk [tilespmem:v57+s3+$0x0], $0xffff  }
0x341: {  	v61 =	vadd.s32 $0x4650, v4;
	s23 =	sadd.s32 $0x19180, s21;
	v14 =	vld.idx.msk [tilespmem:v58+s3+$0x0], $0xffff  }
0x342: {  	v62 =	vadd.s32 $0x4650, v3;
	s24 =	sor.u32 s6, s23  }
0x343: {  	s25 =	sadd.s32 $0x19200, s13;
	s2 =	sor.u32 s14, s23;
	[tilespmem:s24+$0x0] =	vst v16  }
0x344: {  	s26 =	sor.u32 s11, s25;
	v16 =	vld.idx.msk [tilespmem:v59+s3+$0x0], $0xffff;
	[tilespmem:s2+$0x0] =	vst v18  }
0x345: {  	v63 =	vadd.s32 $0x4650, v6;
	s1 =	sor.u32 s10, s25;
	v18 =	vld.idx.msk [tilespmem:v60+s3+$0x0], $0xffff;
	[tilespmem:s26+$0x0] =	vst v12  }
0x346: {  	v21 =	vadd.s32 $0x4650, v5;
	[tilespmem:s1+$0x0] =	vst v14;
	v12 =	vld.idx.msk [tilespmem:v61+s3+$0x0], $0xffff  }
0x347: {  	v22 =	vadd.s32 $0x4A38, v4;
	s29 =	sadd.s32 $0x19200, s21;
	v14 =	vld.idx.msk [tilespmem:v62+s3+$0x0], $0xffff  }
0x348: {  	v23 =	vadd.s32 $0x4A38, v3;
	[tilespmem:s4+$0x0] =	vst v10;
	s8 =	sor.u32 s6, s29  }
0x349: {  	v11 =	vld.idx.msk [tilespmem:v11+s3+$0x0], $0xffff;
	s12 =	sor.u32 s14, s29;
	s15 =	sadd.s32 $0x19280, s13;
	[tilespmem:s8+$0x0] =	vst v16  }
0x34a: {  	v30 =	vadd.s32 $0x6D60, v2;
	s19 =	sor.u32 s11, s15;
	v16 =	vld.idx.msk [tilespmem:v63+s3+$0x0], $0xffff;
	[tilespmem:s12+$0x0] =	vst v18  }
0x34b: {  	v24 =	vadd.s32 $0x4A38, v6;
	s1 =	sor.u32 s10, s15;
	v18 =	vld.idx.msk [tilespmem:v21+s3+$0x0], $0xffff;
	[tilespmem:s19+$0x0] =	vst v12  }
0x34c: {  	v25 =	vadd.s32 $0x4A38, v5;
	[tilespmem:s1+$0x0] =	vst v14;
	v12 =	vld.idx.msk [tilespmem:v22+s3+$0x0], $0xffff  }
0x34d: {  	[tilespmem:s31+$0x0] =	vst v8;
	v26 =	vadd.s32 $0x4E20, v4;
	s20 =	sadd.s32 $0x19280, s21;
	v14 =	vld.idx.msk [tilespmem:v23+s3+$0x0], $0xffff  }
0x34e: {  	[tilespmem:s30+$0x0] =	vst v11;
	v27 =	vadd.s32 $0x4E20, v3;
	s23 =	sor.u32 s6, s20  }
0x34f: {  	v35 =	vld.idx.msk [tilespmem:v30+s3+$0x0], $0xffff;
	s24 =	sor.u32 s14, s20;
	s26 =	sadd.s32 $0x19300, s13;
	[tilespmem:s23+$0x0] =	vst v16  }
0x350: {  	v31 =	vadd.s32 $0x55F0, v1;
	s29 =	sor.u32 s11, s26;
	v16 =	vld.idx.msk [tilespmem:v24+s3+$0x0], $0xffff;
	[tilespmem:s24+$0x0] =	vst v18  }
0x351: {  	s4 =	sadd.s32 $0x19480, s9;
	v28 =	vadd.s32 $0x4E20, v6;
	s1 =	sor.u32 s10, s26;
	v10 =	vld.idx.msk [tilespmem:v25+s3+$0x0], $0xffff;
	[tilespmem:s29+$0x0] =	vst v12  }
0x352: {  	v29 =	vadd.s32 $0x4E20, v5;
	s25 =	sor.u32 s7, s4;
	[tilespmem:s1+$0x0] =	vst v14;
	v13 =	vld.idx.msk [tilespmem:v26+s3+$0x0], $0xffff  }
0x353: {  	s31 =	sadd.s32 $0x19300, s21;
	v32 =	vadd.s32 $0x5208, v4;
	[tilespmem:s25+$0x0] =	vst v7;
	v15 =	vld.idx.msk [tilespmem:v27+s3+$0x0], $0xffff  }
0x354: {  	v33 =	vadd.s32 $0x5208, v3;
	[tilespmem:s28+$0x0] =	vst v35;
	v9 =	vld.idx.msk [tilespmem:v9+s3+$0x0], $0xffff;
	s8 =	sor.u32 s6, s31  }
0x355: {  	v37 =	vadd.s32 $0x5DC0, v0;
	s2 =	sor.u32 s14, s31;
	s15 =	sadd.s32 $0x19380, s13;
	v12 =	vld.idx.msk [tilespmem:v31+s3+$0x0], $0xffff;
	[tilespmem:s8+$0x0] =	vst v16  }
0x356: {  	v38 =	vadd.s32 $0x7148, v2;
	s19 =	sor.u32 s11, s15;
	v7 =	vld.idx.msk [tilespmem:v28+s3+$0x0], $0xffff;
	[tilespmem:s2+$0x0] =	vst v10  }
0x357: {  	v34 =	vadd.s32 $0x5208, v6;
	s1 =	sadd.s32 $0x19500, s9;
	s8 =	sor.u32 s10, s15;
	v8 =	vld.idx.msk [tilespmem:v29+s3+$0x0], $0xffff;
	[tilespmem:s19+$0x0] =	vst v13  }
0x358: {  	v36 =	vadd.s32 $0x5208, v5;
	s12 =	sor.u32 s7, s1;
	[tilespmem:s8+$0x0] =	vst v15;
	v14 =	vld.idx.msk [tilespmem:v32+s3+$0x0], $0xffff  }
0x359: {  	v39 =	vadd.s32 $0x55F0, v4;
	s20 =	sadd.s32 $0x19380, s21;
	s24 =	sor.u32 s5, s4;
	[tilespmem:s12+$0x0] =	vst v9;
	v15 =	vld.idx.msk [tilespmem:v33+s3+$0x0], $0xffff  }
0x35a: {  	v40 =	vadd.s32 $0x55F0, v3;
	s23 =	sor.u32 s6, s20;
	v42 =	vld.idx.msk [tilespmem:v37+s3+$0x0], $0xffff;
	[tilespmem:s24+$0x0] =	vst v12  }
0x35b: {  	v44 =	vadd.s32 $0x59D8, v1;
	s25 =	sadd.s32 $0x19400, s13;
	s2 =	sor.u32 s14, s20;
	v13 =	vld.idx.msk [tilespmem:v38+s3+$0x0], $0xffff;
	[tilespmem:s23+$0x0] =	vst v7  }
0x35c: {  	v45 =	vadd.s32 $0x61A8, v0;
	s26 =	sor.u32 s11, s25;
	v10 =	vld.idx.msk [tilespmem:v34+s3+$0x0], $0xffff;
	[tilespmem:s2+$0x0] =	vst v8  }
0x35d: {  	s30 =	sadd.s32 $0x1B980, s9;
	v41 =	vadd.s32 $0x55F0, v6;
	s4 =	sor.u32 s10, s25;
	v9 =	vld.idx.msk [tilespmem:v36+s3+$0x0], $0xffff;
	[tilespmem:s26+$0x0] =	vst v14  }
0x35e: {  	v43 =	vadd.s32 $0x55F0, v5;
	s31 =	sor.u32 s7, s30;
	[tilespmem:s4+$0x0] =	vst v15;
	v7 =	vld.idx.msk [tilespmem:v39+s3+$0x0], $0xffff  }
0x35f: {  	s28 =	sadd.s32 $0x19400, s21;
	v46 =	vadd.s32 $0x59D8, v4;
	[tilespmem:s31+$0x0] =	vst v42;
	v8 =	vld.idx.msk [tilespmem:v40+s3+$0x0], $0xffff  }
0x360: {  	v47 =	vadd.s32 $0x59D8, v3;
	s29 =	sor.u32 s6, s28;
	v49 =	vld.idx.msk [tilespmem:v44+s3+$0x0], $0xffff;
	[tilespmem:s22+$0x0] =	vst v13  }
0x361: {  	v51 =	vadd.s32 $0x7530, v2;
	s8 =	sadd.s32 $0x19480, s13;
	s2 =	sor.u32 s14, s28;
	v14 =	vld.idx.msk [tilespmem:v45+s3+$0x0], $0xffff;
	[tilespmem:s29+$0x0] =	vst v10  }
0x362: {  	v52 =	vadd.s32 $0x5DC0, v1;
	s12 =	sor.u32 s11, s8;
	v11 =	vld.idx.msk [tilespmem:v41+s3+$0x0], $0xffff;
	[tilespmem:s2+$0x0] =	vst v9  }
0x363: {  	v48 =	vadd.s32 $0x59D8, v6;
	s2 =	sor.u32 s10, s8;
	v12 =	vld.idx.msk [tilespmem:v43+s3+$0x0], $0xffff;
	[tilespmem:s12+$0x0] =	vst v7  }
0x364: {  	v50 =	vadd.s32 $0x59D8, v5;
	s1 =	sor.u32 s5, s1;
	s20 =	sadd.s32 $0x1BA00, s9;
	[tilespmem:s2+$0x0] =	vst v8;
	v10 =	vld.idx.msk [tilespmem:v46+s3+$0x0], $0xffff  }
0x365: {  	v53 =	vadd.s32 $0x5DC0, v4;
	s15 =	sadd.s32 $0x19480, s21;
	[tilespmem:s1+$0x0] =	vst v49;
	s22 =	sor.u32 s7, s20;
	v9 =	vld.idx.msk [tilespmem:v47+s3+$0x0], $0xffff  }
0x366: {  	v54 =	vadd.s32 $0x5DC0, v3;
	s19 =	sor.u32 s6, s15;
	v56 =	vld.idx.msk [tilespmem:v51+s3+$0x0], $0xffff;
	[tilespmem:s22+$0x0] =	vst v14  }
0x367: {  	v58 =	vadd.s32 $0x6590, v0;
	s23 =	sadd.s32 $0x19500, s13;
	s8 =	sor.u32 s14, s15;
	v7 =	vld.idx.msk [tilespmem:v52+s3+$0x0], $0xffff;
	[tilespmem:s19+$0x0] =	vst v11  }
0x368: {  	v59 =	vadd.s32 $0x61A8, v1;
	s24 =	sor.u32 s11, s23;
	v15 =	vld.idx.msk [tilespmem:v48+s3+$0x0], $0xffff;
	[tilespmem:s8+$0x0] =	vst v12  }
0x369: {  	v55 =	vadd.s32 $0x5DC0, v6;
	s8 =	sor.u32 s10, s23;
	v13 =	vld.idx.msk [tilespmem:v50+s3+$0x0], $0xffff;
	[tilespmem:s24+$0x0] =	vst v10  }
0x36a: {  	v57 =	vadd.s32 $0x5DC0, v5;
	[tilespmem:s8+$0x0] =	vst v9;
	v8 =	vld.idx.msk [tilespmem:v53+s3+$0x0], $0xffff  }
0x36b: {  	v60 =	vadd.s32 $0x61A8, v4;
	s25 =	sadd.s32 $0x19500, s21;
	s28 =	sor.u32 s5, s30;
	[tilespmem:s16+$0x0] =	vst v56;
	v11 =	vld.idx.msk [tilespmem:v54+s3+$0x0], $0xffff  }
0x36c: {  	v61 =	vadd.s32 $0x61A8, v3;
	s26 =	sor.u32 s6, s25;
	v63 =	vld.idx.msk [tilespmem:v58+s3+$0x0], $0xffff;
	[tilespmem:s28+$0x0] =	vst v7  }
0x36d: {  	v19 =	vadd.s32 $0x7918, v2;
	s1 =	sor.u32 s14, s25;
	s29 =	sadd.s32 $0x1B980, s13;
	v10 =	vld.idx.msk [tilespmem:v59+s3+$0x0], $0xffff;
	[tilespmem:s26+$0x0] =	vst v15  }
0x36e: {  	v20 =	vadd.s32 $0x6590, v1;
	s30 =	sor.u32 s11, s29;
	v12 =	vld.idx.msk [tilespmem:v55+s3+$0x0], $0xffff;
	[tilespmem:s1+$0x0] =	vst v13  }
0x36f: {  	v62 =	vadd.s32 $0x61A8, v6;
	s4 =	sor.u32 s10, s29;
	s12 =	sadd.s32 $0x1BA80, s9;
	v14 =	vld.idx.msk [tilespmem:v57+s3+$0x0], $0xffff;
	[tilespmem:s30+$0x0] =	vst v8  }
0x370: {  	v18 =	vadd.s32 $0x61A8, v5;
	s15 =	sor.u32 s7, s12;
	[tilespmem:s4+$0x0] =	vst v11;
	v9 =	vld.idx.msk [tilespmem:v60+s3+$0x0], $0xffff  }
0x371: {  	v21 =	vadd.s32 $0x6590, v4;
	s31 =	sadd.s32 $0x1B980, s21;
	s2 =	sor.u32 s5, s20;
	[tilespmem:s15+$0x0] =	vst v63;
	v22 =	vld.idx.msk [tilespmem:v61+s3+$0x0], $0xffff  }
0x372: {  	v23 =	vadd.s32 $0x6590, v3;
	v2 =	vld.idx.msk [tilespmem:v19+s3+$0x0], $0xffff;
	s8 =	sor.u32 s6, s31;
	[tilespmem:s2+$0x0] =	vst v10  }
0x373: {  	v27 =	vadd.s32 $0x6978, v0;
	s16 =	sadd.s32 $0x1BA00, s13;
	s1 =	sor.u32 s14, s31;
	v8 =	vld.idx.msk [tilespmem:v20+s3+$0x0], $0xffff;
	[tilespmem:s8+$0x0] =	vst v12  }
0x374: {  	v28 =	vadd.s32 $0x6978, v1;
	s19 =	sor.u32 s11, s16;
	v24 =	vld.idx.msk [tilespmem:v62+s3+$0x0], $0xffff;
	[tilespmem:s1+$0x0] =	vst v14  }
0x375: {  	v25 =	vadd.s32 $0x6590, v6;
	s1 =	sor.u32 s10, s16;
	v7 =	vld.idx.msk [tilespmem:v18+s3+$0x0], $0xffff;
	[tilespmem:s19+$0x0] =	vst v9  }
0x376: {  	v26 =	vadd.s32 $0x6590, v5;
	[tilespmem:s1+$0x0] =	vst v22;
	v11 =	vld.idx.msk [tilespmem:v21+s3+$0x0], $0xffff  }
0x377: {  	v29 =	vadd.s32 $0x6978, v4;
	s20 =	sadd.s32 $0x1BA00, s21;
	[tilespmem:s0+$0x0] =	vst v2;
	s24 =	sor.u32 s5, s12;
	v13 =	vld.idx.msk [tilespmem:v23+s3+$0x0], $0xffff  }
0x378: {  	v30 =	vadd.s32 $0x6978, v3;
	s22 =	sor.u32 s6, s20;
	v32 =	vld.idx.msk [tilespmem:v27+s3+$0x0], $0xffff;
	[tilespmem:s24+$0x0] =	vst v8  }
0x379: {  	v34 =	vadd.s32 $0x6D60, v0;
	s25 =	sadd.s32 $0x1BA80, s13;
	s23 =	sor.u32 s14, s20;
	v9 =	vld.idx.msk [tilespmem:v28+s3+$0x0], $0xffff;
	[tilespmem:s22+$0x0] =	vst v24  }
0x37a: {  	v35 =	vadd.s32 $0x6D60, v1;
	s26 =	sor.u32 s11, s25;
	v14 =	vld.idx.msk [tilespmem:v25+s3+$0x0], $0xffff;
	[tilespmem:s23+$0x0] =	vst v7  }
0x37b: {  	v31 =	vadd.s32 $0x6978, v6;
	s0 =	sor.u32 s10, s25;
	s30 =	sadd.s32 $0x1BB00, s9;
	v10 =	vld.idx.msk [tilespmem:v26+s3+$0x0], $0xffff;
	[tilespmem:s26+$0x0] =	vst v11  }
0x37c: {  	v33 =	vadd.s32 $0x6978, v5;
	s31 =	sor.u32 s7, s30;
	[tilespmem:s0+$0x0] =	vst v13;
	v12 =	vld.idx.msk [tilespmem:v29+s3+$0x0], $0xffff  }
0x37d: {  	v36 =	vadd.s32 $0x6D60, v4;
	s28 =	sadd.s32 $0x1BA80, s21;
	[tilespmem:s31+$0x0] =	vst v32;
	s0 =	sor.u32 s5, s30;
	v7 =	vld.idx.msk [tilespmem:v30+s3+$0x0], $0xffff  }
0x37e: {  	v37 =	vadd.s32 $0x6D60, v3;
	s29 =	sor.u32 s6, s28;
	v15 =	vld.idx.msk [tilespmem:v34+s3+$0x0], $0xffff;
	[tilespmem:s0+$0x0] =	vst v9  }
0x37f: {  	v40 =	vadd.s32 $0x7148, v0;
	s2 =	sadd.s32 $0x1BB00, s13;
	s1 =	sor.u32 s14, s28;
	[tilespmem:s29+$0x0] =	vst v14;
	v11 =	vld.idx.msk [tilespmem:v35+s3+$0x0], $0xffff  }
0x380: {  	v41 =	vadd.s32 $0x7148, v1;
	s4 =	sor.u32 s11, s2;
	v2 =	vld.idx.msk [tilespmem:v31+s3+$0x0], $0xffff;
	[tilespmem:s1+$0x0] =	vst v10  }
0x381: {  	v38 =	vadd.s32 $0x6D60, v6;
	s15 =	sadd.s32 $0x1BB80, s9;
	s1 =	sor.u32 s10, s2;
	v8 =	vld.idx.msk [tilespmem:v33+s3+$0x0], $0xffff;
	[tilespmem:s4+$0x0] =	vst v12  }
0x382: {  	v39 =	vadd.s32 $0x6D60, v5;
	s16 =	sor.u32 s7, s15;
	[tilespmem:s1+$0x0] =	vst v7;
	v13 =	vld.idx.msk [tilespmem:v36+s3+$0x0], $0xffff  }
0x383: {  	v42 =	vadd.s32 $0x7148, v4;
	s8 =	sadd.s32 $0x1BB00, s21;
	[tilespmem:s16+$0x0] =	vst v15;
	s1 =	sor.u32 s5, s15;
	v7 =	vld.idx.msk [tilespmem:v37+s3+$0x0], $0xffff  }
0x384: {  	v43 =	vadd.s32 $0x7148, v3;
	s12 =	sor.u32 s6, s8;
	v15 =	vld.idx.msk [tilespmem:v40+s3+$0x0], $0xffff;
	[tilespmem:s1+$0x0] =	vst v11  }
0x385: {  	v47 =	vadd.s32 $0x7530, v0;
	s19 =	sadd.s32 $0x1BB80, s13;
	s0 =	sor.u32 s14, s8;
	[tilespmem:s12+$0x0] =	vst v2;
	v12 =	vld.idx.msk [tilespmem:v41+s3+$0x0], $0xffff  }
0x386: {  	v48 =	vadd.s32 $0x7530, v1;
	s20 =	sor.u32 s11, s19;
	v44 =	vld.idx.msk [tilespmem:v38+s3+$0x0], $0xffff;
	[tilespmem:s0+$0x0] =	vst v8  }
0x387: {  	v45 =	vadd.s32 $0x7148, v6;
	s24 =	sadd.s32 $0x1BC00, s9;
	s0 =	sor.u32 s10, s19;
	v9 =	vld.idx.msk [tilespmem:v39+s3+$0x0], $0xffff;
	[tilespmem:s20+$0x0] =	vst v13  }
0x388: {  	v46 =	vadd.s32 $0x7148, v5;
	s25 =	sor.u32 s7, s24;
	[tilespmem:s0+$0x0] =	vst v7;
	v2 =	vld.idx.msk [tilespmem:v42+s3+$0x0], $0xffff  }
0x389: {  	v49 =	vadd.s32 $0x7530, v4;
	s22 =	sadd.s32 $0x1BB80, s21;
	[tilespmem:s25+$0x0] =	vst v15;
	s0 =	sor.u32 s5, s24;
	v8 =	vld.idx.msk [tilespmem:v43+s3+$0x0], $0xffff  }
0x38a: {  	v50 =	vadd.s32 $0x7530, v3;
	s23 =	sor.u32 s6, s22;
	v15 =	vld.idx.msk [tilespmem:v47+s3+$0x0], $0xffff;
	[tilespmem:s0+$0x0] =	vst v12  }
0x38b: {  	v53 =	vadd.s32 $0x7918, v0;
	s26 =	sadd.s32 $0x1BC00, s13;
	s1 =	sor.u32 s14, s22;
	[tilespmem:s23+$0x0] =	vst v44;
	v13 =	vld.idx.msk [tilespmem:v48+s3+$0x0], $0xffff  }
0x38c: {  	v54 =	vadd.s32 $0x7918, v1;
	s28 =	sor.u32 s11, s26;
	v10 =	vld.idx.msk [tilespmem:v45+s3+$0x0], $0xffff;
	[tilespmem:s1+$0x0] =	vst v9  }
0x38d: {  	v51 =	vadd.s32 $0x7530, v6;
	s31 =	sadd.s32 $0x1BC80, s9;
	s1 =	sor.u32 s10, s26;
	v11 =	vld.idx.msk [tilespmem:v46+s3+$0x0], $0xffff;
	[tilespmem:s28+$0x0] =	vst v2  }
0x38e: {  	v52 =	vadd.s32 $0x7530, v5;
	s2 =	sor.u32 s7, s31;
	[tilespmem:s1+$0x0] =	vst v8;
	v2 =	vld.idx.msk [tilespmem:v49+s3+$0x0], $0xffff  }
0x38f: {  	v55 =	vadd.s32 $0x7918, v4;
	s29 =	sadd.s32 $0x1BC00, s21;
	[tilespmem:s2+$0x0] =	vst v15;
	s1 =	sor.u32 s5, s31;
	v56 =	vld.idx.msk [tilespmem:v50+s3+$0x0], $0xffff  }
0x390: {  	v57 =	vadd.s32 $0x7918, v3;
	s30 =	sor.u32 s6, s29;
	v0 =	vld.idx.msk [tilespmem:v53+s3+$0x0], $0xffff;
	[tilespmem:s1+$0x0] =	vst v13  }
0x391: {  	s4 =	sadd.s32 $0x1BC80, s13;
	s0 =	sor.u32 s14, s29;
	[tilespmem:s30+$0x0] =	vst v10;
	v1 =	vld.idx.msk [tilespmem:v54+s3+$0x0], $0xffff  }
0x392: {  	s8 =	sor.u32 s11, s4;
	v58 =	vld.idx.msk [tilespmem:v51+s3+$0x0], $0xffff;
	[tilespmem:s0+$0x0] =	vst v11  }
0x393: {  	v59 =	vadd.s32 $0x7918, v6;
	s16 =	sadd.s32 $0x1BD00, s9;
	s0 =	sor.u32 s10, s4;
	v60 =	vld.idx.msk [tilespmem:v52+s3+$0x0], $0xffff;
	[tilespmem:s8+$0x0] =	vst v2  }
0x394: {  	v61 =	vadd.s32 $0x7918, v5;
	s19 =	sor.u32 s7, s16;
	[tilespmem:s0+$0x0] =	vst v56;
	v2 =	vld.idx.msk [tilespmem:v55+s3+$0x0], $0xffff  }
0x395: {  	s12 =	sadd.s32 $0x1BC80, s21;
	[tilespmem:s19+$0x0] =	vst v0;
	s0 =	sor.u32 s5, s16;
	v3 =	vld.idx.msk [tilespmem:v57+s3+$0x0], $0xffff  }
0x396: {  	s15 =	sor.u32 s6, s12;
	[tilespmem:s0+$0x0] =	vst v1  }
0x397: {  	s20 =	sadd.s32 $0x1BD00, s13;
	s1 =	sor.u32 s14, s12;
	[tilespmem:s15+$0x0] =	vst v58  }
0x398: {  	s22 =	sor.u32 s11, s20;
	v62 =	vld.idx.msk [tilespmem:v59+s3+$0x0], $0xffff;
	[tilespmem:s1+$0x0] =	vst v60  }
0x399: {  	s1 =	sor.u32 s10, s20;
	v63 =	vld.idx.msk [tilespmem:v61+s3+$0x0], $0xffff;
	[tilespmem:s22+$0x0] =	vst v2  }
0x39a: {  	p0 =	seq.s32 s17, $0x13;
	[tilespmem:s1+$0x0] =	vst v3  }
.Ltmp6:
0x39b: {  	s23 =	sadd.s32 $0x1BD00, s21;
	s25 =	rddreg [dreg:$0xb];
	(pc) =	sbr.rel @p0 .LBB2_14-.Ltmp6, $4  }
0x39c: {  	s29 =	simm.s32 $0x2800;
	s24 =	sor.u32 s6, s23;
	s2 =	sadd.s32 s25, s18  }
0x39d: {  	s0 =	sor.u32 s14, s23;
	s15 =	rddreg [dreg:$0x1];
	[tilespmem:s24+$0x0] =	vst v62;
	s26 =	sshrl.u32 s2, $0x3  }
0x39e: {  	s31 =	simm.s32 $0x14180;
	s30 =	simm.s32 $0x64000;
	[tilespmem:s0+$0x0] =	vst v63;
	s28 =	sadd.s32 s15, s26  }
0x39f: {  	[hbm4b:s28+s29] =	stream.strided.scatter [tilespmem:s31], [sflag:$0x7], $0xA000, s30, s29, $0x38;
	[tilespmem:$0x1E180] =	vst v63  }
0x3a0: {  	s0 =	smul.u32 $0xA00, s17  }
.Ltmp7:
0x3a1: {  	_ = 	snop;
	(pc) =	sbr.rel .LBB2_4-.Ltmp7, $4  }
0x3a2: {  	s1 =	rddreg [dreg:$0x3];
	s0 =	sshrl.u32 s0, $0x3  }
0x3a3: {  	s0 =	sadd.s32 s1, s0  }
0x3a4: {  	s31 =	simm.s32 $0x9C80;
	s17 =	sadd.s32 $0x1, s17;
	s0 =	sadd.s32 $0x1E0, s0  }
0x3a5: {  	[tilespmem:s31], [sflag:$0x5] =	stream.linear.gather [hbm4b:s0+s3], $0x500, $0x38;
	[tilespmem:$0x1E180] =	vst v63  }
.LBB2_14:
0x3a6: {  	s0 =	simm.s32 $0x6  }
0x3a7: {  	_ =	swait.ge [sflag:s0], $0xA000  }
0x3a8: {  	[sflag:s0] =	ssyncset.done $0x0  }
0x3a9: {  	s29 =	simm.s32 $0x7;
	[sflag:s0] =	ssyncadd.s32 $0xFFFF6000  }
0x3aa: {  	_ =	swait.ge [sflag:s29], $0xA000  }
0x3ab: {  	[sflag:s29] =	ssyncset.done $0x0  }
0x3ac: {  	s30 =	simm.s32 $0x1;
	[sflag:s29] =	ssyncadd.s32 $0xFFFF6000  }
0x3ad: {  	_ =	swait.ge [sflag:s30], $0x640  }
0x3ae: {  	[sflag:s30] =	ssyncset.done $0x0  }
0x3af: {  	s31 =	simm.s32 $0x2;
	[sflag:s30] =	ssyncadd.s32 $0xFFFFF9C0  }
0x3b0: {  	_ =	swait.ge [sflag:s31], $0x640  }
0x3b1: {  	[sflag:s31] =	ssyncset.done $0x0  }
0x3b2: {  	v0 =	vimm.f32 $0.0e+00;
	[sflag:s31] =	ssyncadd.s32 $0xFFFFF9C0  }
0x3b3: {  	s1 =	simm.s32 $0x0;
	[tilespmem:$0x9700] =	vst v0  }
0x3b4: {  	s2 =	simm.s32 $0x7D00;
	s4 =	simm.s32 $0x8380;
	s0 =	simm.s32 $0x40;
	v1 =	vld [tilespmem:s1+$0x9080]  }
.LBB2_15:
0x3b5: {  	p0 =	sne.s32 s0, $0x18C0;
	v2 =	vld [tilespmem:s1+$0x8A00];
	_ =	sdelay $0x4  }
0x3b6: {  	v1 =	vsub.f32 v2, v1  }
.Ltmp8:
0x3b7: {  	(pc) =	sbr.rel @p0 .LBB2_15-.Ltmp8, $3  }
0x3b8: {  	v0 =	vadd.f32 v1, v0;
	_ =	sdelay $0x1  }
0x3b9: {  	s1 =	sshra.s32 s0, $0x2;
	[tilespmem:$0x9700] =	vst v0  }
0x3ba: {  	s0 =	sadd.s32 $0x40, s0;
	v1 =	vld [tilespmem:s1+$0x9080]  }
0x3bb: {  	v2 =	vld [tilespmem:s1+$0x8A00];
	_ =	sdelay $0x4  }
0x3bc: {  	v1 =	vsub.f32 v2, v1;
	_ =	sdelay $0x1  }
0x3bd: {  	v0 =	vadd.f32 v1, v0;
	_ =	sdelay $0x1  }
0x3be: {  	s0 =	rddreg [dreg:$0xc];
	s30 =	simm.s32 $0x9700;
	s1 =	simm.s32 $0x8;
	[tilespmem:$0x9700] =	vst v0  }
0x3bf: {  	[hbm4b:s0+s3] =	stream.linear.scatter [tilespmem:s30], [sflag:$0x8], $0x80, $0x38;
	[tilespmem:$0x1E180] =	vst v63  }
0x3c0: {  	_ =	swait.ge [sflag:s1], $0x80  }
0x3c1: {  	s5 =	rddreg [dreg:$0xe]  }
0x3c2: {  	s31 =	rddreg [dreg:$0xd];
	s5 =	sadd.s32 $0x1, s5  }
0x3c3: {  	p0 =	sne.s32 s5, s31  }
.Ltmp9:
0x3c4: {  	_ = 	snop;
	(pc) =	sbr.rel @p0 .LBB2_1-.Ltmp9, $3  }
0x3c5: {  	_ =	sdelay $0x1  }
0x3c6: {  	[sflag:s1] =	ssyncset.done $0x0  }
0x3c7: {  	[sflag:s1] =	ssyncadd.s32 $0xFFFFFF80  }
0x3c8: {  	_ =	sfence.sel $0x180000  }
0x3c9: {  	[bflag:$0x0] =	sbarrier.arrive $0xFFFF  }
0x3ca: {  	_ =	strace $0x90000047  }
0x3cb: {  	s0 =	stileid.u32;
	[bflag:$0x2] =	sbarrier.arrive $0xFFFF  }
0x3cc: {  	p0 =	sne.s32 s0, $0x0;
	s0 =	rddreg [dreg:$0x2]  }
0x3cd: {  	s0 =	sadd.s32 @!p0 $0x100000, s0  }
0x3ce: {  	[sflag:s0] =	ssyncadd.tile.s32 @!p0 $0x1;
	_ =	shalt  }
.Lfunc_end2:
_tile_overlayer_lowered:
.L_overlay_start_2:
0x3cf: {  	(tag) =	ssettag $0x2  }
0x3d0: {  	s0 =	rddreg [dreg:$0x0];
	s2 =	stileid.u32  }
0x3d1: {  	s1 =	rddreg [dreg:$0x1];
	p0 =	sne.s32 s2, $0x0  }
0x3d2: {  	s3 =	rddreg [dreg:$0x2];
	[bflag:$0x3] =	sbarrier.arrive $0xFFFF;
	s2 =	simm.s32 @!p0 $0x1C08  }
0x3d3: {  	[timem:s3], [sflag:s2] =	dma.local @!p0 [hbm:s0], s1  }
0x3d4: {  	s0 =	simm.s32 @!p0 $0x8  }
0x3d5: {  	_ =	swait.ge @!p0 [sflag:s0], s1  }
0x3d6: {  	s1 =	ssub.s32 @!p0 $0x0, s1;
	[sflag:s0] =	ssyncset.done @!p0 $0x0  }
0x3d7: {  	[sflag:s0] =	ssyncadd.s32 @!p0 s1  }
0x3d8: {  	[bflag:$0x3] =	sbarrier.arrive $0xFFFF  }
0x3d9: {  	_ =	shalt  }

</sc_bundles>
